<compile_context>
chip_gen: v7x
topology: tpu7x:2x2x1
jax: 0.10.2.dev20260603
libtpu: 0.0.44.dev20260713+nightly
codegen_flags: <defaults>
</compile_context>

<pallas_src>
import functools

import jax
import jax.numpy as jnp
from jax import lax
from jax.experimental import pallas as pl
from jax.experimental.pallas import tpu as pltpu
from jax.experimental.pallas import tpu_sc as plsc

_PADW = 128
_BV = 2048
_BG = 128
_LANES = 16


def _relayout_block(t_ref, o_ref, *, scale):
    o_ref[:, 0:t_ref.shape[0]] = t_ref[...].T * scale


@functools.lru_cache(maxsize=None)
def _build_relayout(vocab, emb):
    grid = (vocab + _BV - 1) // _BV
    return pl.pallas_call(
        functools.partial(_relayout_block, scale=float(emb) ** 0.5),
        grid=(grid,),
        in_specs=[pl.BlockSpec((emb, _BV), lambda i: (0, i))],
        out_specs=pl.BlockSpec((_BV, _PADW), lambda i: (i, 0)),
        out_shape=jax.ShapeDtypeStruct((vocab, _PADW), jnp.float32),
    )


@functools.lru_cache(maxsize=None)
def _build_gather(vocab, emb, bsz, seq):
    info = plsc.get_sparse_core_info()
    nc, ns = info.num_cores, info.num_subcores
    nw = nc * ns
    assert bsz == nw * _BG
    assert seq % 2 == 0 and emb % 8 == 0
    ne = emb // 8
    mesh = plsc.VectorSubcoreMesh(core_axis_name="c", subcore_axis_name="s")

    @functools.partial(
        pl.kernel,
        out_type=jax.ShapeDtypeStruct((seq, ne, nw, 8, _BG), jnp.float32),
        mesh=mesh,
        compiler_params=pltpu.CompilerParams(use_tc_tiling_on_sc=False,
                                             needs_layout_passes=False),
        scratch_types=[
            pltpu.VMEM((seq, _BG), jnp.int32),
            pltpu.VMEM((_BG, _PADW), jnp.float32),
            pltpu.VMEM((_BG, _PADW), jnp.float32),
            pltpu.VMEM((emb, _BG), jnp.float32),
            pltpu.VMEM((emb, _BG), jnp.float32),
            pltpu.SemaphoreType.DMA,
            pltpu.SemaphoreType.DMA,
            pltpu.SemaphoreType.DMA,
            pltpu.SemaphoreType.DMA,
        ],
    )
    def emb_kernel(table_hbm, ids_hbm, out_hbm,
                   ids_v, rows0, rows1, ot0, ot1,
                   gsem0, gsem1, osem0, osem1):
        wid = lax.axis_index("s") * nc + lax.axis_index("c")
        bufs = ((rows0, ot0, gsem0, osem0), (rows1, ot1, gsem1, osem1))

        pltpu.sync_copy(ids_hbm.at[wid], ids_v)

        def gather(b, l):
            rows_v, _, gsem, _ = bufs[b]
            return pltpu.make_async_copy(table_hbm.at[ids_v.at[l]],
                                         rows_v, gsem)

        def out_copies(b, l):
            _, ot, _, osem = bufs[b]
            return [pltpu.make_async_copy(ot.at[pl.ds(eg * 8, 8)],
                                          out_hbm.at[l, eg, wid], osem)
                    for eg in range(ne)]

        iota = lax.iota(jnp.int32, _LANES)
        ridx = [iota + i * _LANES for i in range(_BG // _LANES)]

        for b in range(2):
            gather(b, b).start()

        @pl.loop(0, seq, step=2)
        def _l_loop(g):
            for b in range(2):
                l = g + b
                rows_v, ot, _, _ = bufs[b]
                gather(b, l).wait()

                @pl.when(l >= 2)
                def _drain():
                    for cp in out_copies(b, l):
                        cp.wait()

                @pl.loop(0, _LANES)
                def _transpose(d):
                    perm = lax.rem(iota + d, jnp.int32(_LANES))
                    for e0 in range(0, emb, _LANES):
                        ce = perm + e0
                        for i in range(_BG // _LANES):
                            v = plsc.load_gather(rows_v, [ridx[i], ce])
                            plsc.store_scatter(ot, [ce, ridx[i]], v)

                for cp in out_copies(b, l):
                    cp.start()

                @pl.when(l + 2 < seq)
                def _prefetch():
                    gather(b, l + 2).start()

        for b in range(2):
            for cp in out_copies(b, seq - 2 + b):
                cp.wait()

    return emb_kernel


def kernel(token_ids, table):
    bsz, seq = token_ids.shape
    vocab, emb = table.shape
    nw = bsz // _BG
    table_pad = _build_relayout(vocab, emb)(table.T)
    ids = jnp.transpose(token_ids.T.reshape(seq, nw, _BG), (1, 0, 2))
    ids = ids.astype(jnp.int32)
    out5 = _build_gather(vocab, emb, bsz, seq)(table_pad, ids)
    out = jnp.transpose(out5, (2, 4, 0, 1, 3)).reshape(bsz, seq, emb)
    return out

# --- scband reference (transcript-rebuilt; emitter-appended) ---
"""Pipeline reference for scband-standard-word-embedding-46093589021336 (READ-ONLY COPY).

The authoritative reference and input builder live on the scoring server;
editing this copy changes nothing except your own understanding.
"""

import jax, jax.numpy as jnp
import numpy as np

VOCAB = 1000000
EMB = 64
B = 4096
L = 200

def setup_inputs(seed: int = 0) -> dict:
    key = jax.random.key(seed)
    k1, k2 = jax.random.split(key)
    token_ids = jax.random.randint(k1, (B, L), 0, VOCAB, dtype=jnp.int64) if jax.config.jax_enable_x64 else jax.random.randint(k1, (B, L), 0, VOCAB, dtype=jnp.int32)
    table = jax.random.normal(k2, (VOCAB, EMB), dtype=jnp.float32) * 0.02
    return {"token_ids": token_ids, "table": table}

def reference(token_ids, table):
    scale = EMB ** 0.5
    out = jnp.take(table, token_ids, axis=0) * scale
    return out

if __name__ == "__main__":
    import jax
    _d = setup_inputs()
    print(jax.jit(kernel)(*tuple(_d.values())))

</pallas_src>

<mosaic_0001>
#map = affine_map<(d0, d1) -> (0, 0)>
#map1 = affine_map<(d0, d1) -> (0, 0, 0)>
#map2 = affine_map<(d0, d1) -> (0, 0, 0, 0, 0)>
module attributes {stable_mosaic.version = 14 : i64} {
  func.func @emb_kernel(%arg0: i32, %arg1: i32, %arg2: memref<1000000x128xf32, #tpu.memory_space<hbm>>, %arg3: memref<32x200x128xi32, #tpu.memory_space<hbm>>, %arg4: memref<200x8x32x8x128xf32, #tpu.memory_space<hbm>>, %arg5: memref<200x128xi32, #tpu.memory_space<vmem>>, %arg6: memref<128x128xf32, #tpu.memory_space<vmem>>, %arg7: memref<128x128xf32, #tpu.memory_space<vmem>>, %arg8: memref<64x128xf32, #tpu.memory_space<vmem>>, %arg9: memref<64x128xf32, #tpu.memory_space<vmem>>, %arg10: memref<!tpu.dma_semaphore, #tpu.memory_space<semaphore_mem>>, %arg11: memref<!tpu.dma_semaphore, #tpu.memory_space<semaphore_mem>>, %arg12: memref<!tpu.dma_semaphore, #tpu.memory_space<semaphore_mem>>, %arg13: memref<!tpu.dma_semaphore, #tpu.memory_space<semaphore_mem>>) attributes {dimension_semantics = [#tpu.dimension_semantics<core_parallel>, #tpu.dimension_semantics<subcore_parallel>], iteration_bounds = array<i64: 2, 16>, scalar_prefetch = 0 : i64, scratch_operands = 9 : i64, tpu.core_type = #tpu.core_type<sc_vector_subcore>, window_params = [{transform_indices = #map}, {transform_indices = #map1}, {transform_indices = #map2}]} {
    %mul3A = arith.constant 2 : i32
    %mul3A_0 = arith.muli %arg1, %mul3A : i32
    %add3A = arith.addi %mul3A_0, %arg0 : i32
    "tpu.region"() ({
      %run_scoped3A = tpu.sem_alloc : memref<!tpu.dma_semaphore, #tpu.memory_space<semaphore_mem>>
      %dma_start3A_297 = arith.constant 0 : i32
      %dma_start3A_298 = arith.constant 0 : i32
      %dma_start3A_299 = tpu.memref_slice %arg3[%add3A, %dma_start3A_297, %dma_start3A_298] : memref<32x200x128xi32, #tpu.memory_space<hbm>> -> memref<1x200x128xi32, #tpu.memory_space<hbm>>
      %dma_start3A_300 = tpu.memref_squeeze %dma_start3A_299 : memref<1x200x128xi32, #tpu.memory_space<hbm>> -> memref<200x128xi32, #tpu.memory_space<hbm>>
      %dma_start3A_301 = arith.constant 0 : i32
      %dma_start3A_302 = arith.constant 0 : i32
      %dma_start3A_303 = tpu.memref_slice %arg3[%add3A, %dma_start3A_301, %dma_start3A_302] : memref<32x200x128xi32, #tpu.memory_space<hbm>> -> memref<1x200x128xi32, #tpu.memory_space<hbm>>
      %dma_start3A_304 = tpu.memref_squeeze %dma_start3A_303 : memref<1x200x128xi32, #tpu.memory_space<hbm>> -> memref<200x128xi32, #tpu.memory_space<hbm>>
      tpu.enqueue_dma source(%dma_start3A_304 : memref<200x128xi32, #tpu.memory_space<hbm>>) target(%arg5 : memref<200x128xi32, #tpu.memory_space<vmem>>) target_semaphore(%run_scoped3A : memref<!tpu.dma_semaphore, #tpu.memory_space<semaphore_mem>>)
      %dma_wait3A_305 = arith.constant 0 : i32
      %dma_wait3A_306 = arith.constant 0 : i32
      %dma_wait3A_307 = tpu.memref_slice %arg3[%add3A, %dma_wait3A_305, %dma_wait3A_306] : memref<32x200x128xi32, #tpu.memory_space<hbm>> -> memref<1x200x128xi32, #tpu.memory_space<hbm>>
      %dma_wait3A_308 = tpu.memref_squeeze %dma_wait3A_307 : memref<1x200x128xi32, #tpu.memory_space<hbm>> -> memref<200x128xi32, #tpu.memory_space<hbm>>
      %dma_wait3A_309 = arith.constant 0 : i32
      %dma_wait3A_310 = arith.constant 0 : i32
      %dma_wait3A_311 = tpu.memref_slice %arg3[%add3A, %dma_wait3A_309, %dma_wait3A_310] : memref<32x200x128xi32, #tpu.memory_space<hbm>> -> memref<1x200x128xi32, #tpu.memory_space<hbm>>
      %dma_wait3A_312 = tpu.memref_squeeze %dma_wait3A_311 : memref<1x200x128xi32, #tpu.memory_space<hbm>> -> memref<200x128xi32, #tpu.memory_space<hbm>>
      tpu.wait_dma2 semaphore(%run_scoped3A : memref<!tpu.dma_semaphore, #tpu.memory_space<semaphore_mem>>) src(%dma_wait3A_312 : memref<200x128xi32, #tpu.memory_space<hbm>>) dst(%arg5 : memref<200x128xi32, #tpu.memory_space<vmem>>)
      tpu.yield
    }) : () -> ()
    %iota3A = tpu.iota {dimensions = array<i32: 0>} : vector<16xi32>
    %add3A_1 = arith.constant 0 : i32
    %add3A_2 = vector.broadcast %add3A_1 : i32 to vector<16xi32>
    %add3A_3 = arith.addi %iota3A, %add3A_2 : vector<16xi32>
    %add3A_4 = arith.constant 16 : i32
    %add3A_5 = vector.broadcast %add3A_4 : i32 to vector<16xi32>
    %add3A_6 = arith.addi %iota3A, %add3A_5 : vector<16xi32>
    %add3A_7 = arith.constant 32 : i32
    %add3A_8 = vector.broadcast %add3A_7 : i32 to vector<16xi32>
    %add3A_9 = arith.addi %iota3A, %add3A_8 : vector<16xi32>
    %add3A_10 = arith.constant 48 : i32
    %add3A_11 = vector.broadcast %add3A_10 : i32 to vector<16xi32>
    %add3A_12 = arith.addi %iota3A, %add3A_11 : vector<16xi32>
    %add3A_13 = arith.constant 64 : i32
    %add3A_14 = vector.broadcast %add3A_13 : i32 to vector<16xi32>
    %add3A_15 = arith.addi %iota3A, %add3A_14 : vector<16xi32>
    %add3A_16 = arith.constant 80 : i32
    %add3A_17 = vector.broadcast %add3A_16 : i32 to vector<16xi32>
    %add3A_18 = arith.addi %iota3A, %add3A_17 : vector<16xi32>
    %add3A_19 = arith.constant 96 : i32
    %add3A_20 = vector.broadcast %add3A_19 : i32 to vector<16xi32>
    %add3A_21 = arith.addi %iota3A, %add3A_20 : vector<16xi32>
    %add3A_22 = arith.constant 112 : i32
    %add3A_23 = vector.broadcast %add3A_22 : i32 to vector<16xi32>
    %add3A_24 = arith.addi %iota3A, %add3A_23 : vector<16xi32>
    %dma_start3A = arith.constant 0 : i32
    %dma_start3A_25 = arith.constant 0 : i32
    %dma_start3A_26 = tpu.memref_slice %arg5[%dma_start3A, %dma_start3A_25] : memref<200x128xi32, #tpu.memory_space<vmem>> -> memref<1x128xi32, #tpu.memory_space<vmem>>
    %dma_start3A_27 = tpu.memref_squeeze %dma_start3A_26 : memref<1x128xi32, #tpu.memory_space<vmem>> -> memref<128xi32, #tpu.memory_space<vmem>>
    %dma_start3A_28 = arith.constant 0 : i32
    %dma_start3A_29 = arith.constant 0 : i32
    %dma_start3A_30 = tpu.memref_slice %arg2[%dma_start3A_28, %dma_start3A_29] : memref<1000000x128xf32, #tpu.memory_space<hbm>> -> memref<1000000x128xf32, #tpu.memory_space<hbm>>
    tpu.enqueue_indirect_dma source(%dma_start3A_30 : memref<1000000x128xf32, #tpu.memory_space<hbm>>) target(%arg6 : memref<128x128xf32, #tpu.memory_space<vmem>>) offsets(%dma_start3A_27 : memref<128xi32, #tpu.memory_space<vmem>>) semaphore(%arg10 : memref<!tpu.dma_semaphore, #tpu.memory_space<semaphore_mem>>)
    %dma_start3A_31 = arith.constant 1 : i32
    %dma_start3A_32 = arith.constant 0 : i32
    %dma_start3A_33 = tpu.memref_slice %arg5[%dma_start3A_31, %dma_start3A_32] : memref<200x128xi32, #tpu.memory_space<vmem>> -> memref<1x128xi32, #tpu.memory_space<vmem>>
    %dma_start3A_34 = tpu.memref_squeeze %dma_start3A_33 : memref<1x128xi32, #tpu.memory_space<vmem>> -> memref<128xi32, #tpu.memory_space<vmem>>
    %dma_start3A_35 = arith.constant 0 : i32
    %dma_start3A_36 = arith.constant 0 : i32
    %dma_start3A_37 = tpu.memref_slice %arg2[%dma_start3A_35, %dma_start3A_36] : memref<1000000x128xf32, #tpu.memory_space<hbm>> -> memref<1000000x128xf32, #tpu.memory_space<hbm>>
    tpu.enqueue_indirect_dma source(%dma_start3A_37 : memref<1000000x128xf32, #tpu.memory_space<hbm>>) target(%arg7 : memref<128x128xf32, #tpu.memory_space<vmem>>) offsets(%dma_start3A_34 : memref<128xi32, #tpu.memory_space<vmem>>) semaphore(%arg11 : memref<!tpu.dma_semaphore, #tpu.memory_space<semaphore_mem>>)
    %scan3A = arith.constant 0 : i32
    %scan3A_38 = arith.constant 100 : i32
    %scan3A_39 = arith.addi %scan3A, %scan3A_38 : i32
    %scan3A_40 = arith.constant 1 : i32
    scf.for %scan3A_297 = %scan3A to %scan3A_39 step %scan3A_40  : i32 {
      %mul3A_298 = arith.constant 2 : i32
      %mul3A_299 = arith.muli %scan3A_297, %mul3A_298 : i32
      %add3A_300 = arith.constant 0 : i32
      %add3A_301 = arith.addi %add3A_300, %mul3A_299 : i32
      %add3A_302 = arith.constant 0 : i32
      %add3A_303 = arith.addi %add3A_301, %add3A_302 : i32
      %dma_wait3A_304 = arith.constant 0 : i32
      %dma_wait3A_305 = tpu.memref_slice %arg5[%add3A_303, %dma_wait3A_304] : memref<200x128xi32, #tpu.memory_space<vmem>> -> memref<1x128xi32, #tpu.memory_space<vmem>>
      %dma_wait3A_306 = tpu.memref_squeeze %dma_wait3A_305 : memref<1x128xi32, #tpu.memory_space<vmem>> -> memref<128xi32, #tpu.memory_space<vmem>>
      %dma_wait3A_307 = arith.constant 0 : i32
      %dma_wait3A_308 = arith.constant 0 : i32
      %dma_wait3A_309 = tpu.memref_slice %arg2[%dma_wait3A_307, %dma_wait3A_308] : memref<1000000x128xf32, #tpu.memory_space<hbm>> -> memref<1000000x128xf32, #tpu.memory_space<hbm>>
      tpu.wait_indirect_dma semaphore(%arg10 : memref<!tpu.dma_semaphore, #tpu.memory_space<semaphore_mem>>) src(%dma_wait3A_309 : memref<1000000x128xf32, #tpu.memory_space<hbm>>) dst(%arg6 : memref<128x128xf32, #tpu.memory_space<vmem>>)
      %ge3A = arith.constant 2 : i32
      %ge3A_310 = arith.cmpi sge, %add3A_303, %ge3A : i32
      %convert_element_type3A = arith.extui %ge3A_310 : i1 to i32
      %cond3A = arith.constant 0 : i32
      %cond3A_311 = arith.cmpi ne, %convert_element_type3A, %cond3A : i32
      scf.if %cond3A_311 {
        %dma_wait3A_588 = arith.constant 0 : i32
        %dma_wait3A_589 = arith.constant 0 : i32
        %dma_wait3A_590 = arith.constant 0 : i32
        %dma_wait3A_591 = tpu.memref_slice %arg8[%dma_wait3A_589, %dma_wait3A_590] : memref<64x128xf32, #tpu.memory_space<vmem>> -> memref<8x128xf32, #tpu.memory_space<vmem>>
        %dma_wait3A_592 = arith.constant 0 : i32
        %dma_wait3A_593 = arith.constant 0 : i32
        %dma_wait3A_594 = tpu.memref_slice %arg4[%add3A_303, %dma_wait3A_588, %add3A, %dma_wait3A_592, %dma_wait3A_593] : memref<200x8x32x8x128xf32, #tpu.memory_space<hbm>> -> memref<1x1x1x8x128xf32, #tpu.memory_space<hbm>>
        %dma_wait3A_595 = tpu.memref_squeeze %dma_wait3A_594 : memref<1x1x1x8x128xf32, #tpu.memory_space<hbm>> -> memref<8x128xf32, #tpu.memory_space<hbm>>
        %dma_wait3A_596 = arith.constant 0 : i32
        %dma_wait3A_597 = arith.constant 0 : i32
        %dma_wait3A_598 = tpu.memref_slice %arg4[%add3A_303, %dma_wait3A_588, %add3A, %dma_wait3A_596, %dma_wait3A_597] : memref<200x8x32x8x128xf32, #tpu.memory_space<hbm>> -> memref<1x1x1x8x128xf32, #tpu.memory_space<hbm>>
        %dma_wait3A_599 = tpu.memref_squeeze %dma_wait3A_598 : memref<1x1x1x8x128xf32, #tpu.memory_space<hbm>> -> memref<8x128xf32, #tpu.memory_space<hbm>>
        %dma_wait3A_600 = arith.constant 0 : i32
        %dma_wait3A_601 = arith.constant 0 : i32
        %dma_wait3A_602 = tpu.memref_slice %arg8[%dma_wait3A_600, %dma_wait3A_601] : memref<64x128xf32, #tpu.memory_space<vmem>> -> memref<8x128xf32, #tpu.memory_space<vmem>>
        tpu.wait_dma2 semaphore(%arg12 : memref<!tpu.dma_semaphore, #tpu.memory_space<semaphore_mem>>) src(%dma_wait3A_602 : memref<8x128xf32, #tpu.memory_space<vmem>>) dst(%dma_wait3A_599 : memref<8x128xf32, #tpu.memory_space<hbm>>)
        %dma_wait3A_603 = arith.constant 1 : i32
        %dma_wait3A_604 = arith.constant 8 : i32
        %dma_wait3A_605 = arith.constant 0 : i32
        %dma_wait3A_606 = tpu.memref_slice %arg8[%dma_wait3A_604, %dma_wait3A_605] : memref<64x128xf32, #tpu.memory_space<vmem>> -> memref<8x128xf32, #tpu.memory_space<vmem>>
        %dma_wait3A_607 = arith.constant 0 : i32
        %dma_wait3A_608 = arith.constant 0 : i32
        %dma_wait3A_609 = tpu.memref_slice %arg4[%add3A_303, %dma_wait3A_603, %add3A, %dma_wait3A_607, %dma_wait3A_608] : memref<200x8x32x8x128xf32, #tpu.memory_space<hbm>> -> memref<1x1x1x8x128xf32, #tpu.memory_space<hbm>>
        %dma_wait3A_610 = tpu.memref_squeeze %dma_wait3A_609 : memref<1x1x1x8x128xf32, #tpu.memory_space<hbm>> -> memref<8x128xf32, #tpu.memory_space<hbm>>
        %dma_wait3A_611 = arith.constant 0 : i32
        %dma_wait3A_612 = arith.constant 0 : i32
        %dma_wait3A_613 = tpu.memref_slice %arg4[%add3A_303, %dma_wait3A_603, %add3A, %dma_wait3A_611, %dma_wait3A_612] : memref<200x8x32x8x128xf32, #tpu.memory_space<hbm>> -> memref<1x1x1x8x128xf32, #tpu.memory_space<hbm>>
        %dma_wait3A_614 = tpu.memref_squeeze %dma_wait3A_613 : memref<1x1x1x8x128xf32, #tpu.memory_space<hbm>> -> memref<8x128xf32, #tpu.memory_space<hbm>>
        %dma_wait3A_615 = arith.constant 8 : i32
        %dma_wait3A_616 = arith.constant 0 : i32
        %dma_wait3A_617 = tpu.memref_slice %arg8[%dma_wait3A_615, %dma_wait3A_616] : memref<64x128xf32, #tpu.memory_space<vmem>> -> memref<8x128xf32, #tpu.memory_space<vmem>>
        tpu.wait_dma2 semaphore(%arg12 : memref<!tpu.dma_semaphore, #tpu.memory_space<semaphore_mem>>) src(%dma_wait3A_617 : memref<8x128xf32, #tpu.memory_space<vmem>>) dst(%dma_wait3A_614 : memref<8x128xf32, #tpu.memory_space<hbm>>)
        %dma_wait3A_618 = arith.constant 2 : i32
        %dma_wait3A_619 = arith.constant 16 : i32
        %dma_wait3A_620 = arith.constant 0 : i32
        %dma_wait3A_621 = tpu.memref_slice %arg8[%dma_wait3A_619, %dma_wait3A_620] : memref<64x128xf32, #tpu.memory_space<vmem>> -> memref<8x128xf32, #tpu.memory_space<vmem>>
        %dma_wait3A_622 = arith.constant 0 : i32
        %dma_wait3A_623 = arith.constant 0 : i32
        %dma_wait3A_624 = tpu.memref_slice %arg4[%add3A_303, %dma_wait3A_618, %add3A, %dma_wait3A_622, %dma_wait3A_623] : memref<200x8x32x8x128xf32, #tpu.memory_space<hbm>> -> memref<1x1x1x8x128xf32, #tpu.memory_space<hbm>>
        %dma_wait3A_625 = tpu.memref_squeeze %dma_wait3A_624 : memref<1x1x1x8x128xf32, #tpu.memory_space<hbm>> -> memref<8x128xf32, #tpu.memory_space<hbm>>
        %dma_wait3A_626 = arith.constant 0 : i32
        %dma_wait3A_627 = arith.constant 0 : i32
        %dma_wait3A_628 = tpu.memref_slice %arg4[%add3A_303, %dma_wait3A_618, %add3A, %dma_wait3A_626, %dma_wait3A_627] : memref<200x8x32x8x128xf32, #tpu.memory_space<hbm>> -> memref<1x1x1x8x128xf32, #tpu.memory_space<hbm>>
        %dma_wait3A_629 = tpu.memref_squeeze %dma_wait3A_628 : memref<1x1x1x8x128xf32, #tpu.memory_space<hbm>> -> memref<8x128xf32, #tpu.memory_space<hbm>>
        %dma_wait3A_630 = arith.constant 16 : i32
        %dma_wait3A_631 = arith.constant 0 : i32
        %dma_wait3A_632 = tpu.memref_slice %arg8[%dma_wait3A_630, %dma_wait3A_631] : memref<64x128xf32, #tpu.memory_space<vmem>> -> memref<8x128xf32, #tpu.memory_space<vmem>>
        tpu.wait_dma2 semaphore(%arg12 : memref<!tpu.dma_semaphore, #tpu.memory_space<semaphore_mem>>) src(%dma_wait3A_632 : memref<8x128xf32, #tpu.memory_space<vmem>>) dst(%dma_wait3A_629 : memref<8x128xf32, #tpu.memory_space<hbm>>)
        %dma_wait3A_633 = arith.constant 3 : i32
        %dma_wait3A_634 = arith.constant 24 : i32
        %dma_wait3A_635 = arith.constant 0 : i32
        %dma_wait3A_636 = tpu.memref_slice %arg8[%dma_wait3A_634, %dma_wait3A_635] : memref<64x128xf32, #tpu.memory_space<vmem>> -> memref<8x128xf32, #tpu.memory_space<vmem>>
        %dma_wait3A_637 = arith.constant 0 : i32
        %dma_wait3A_638 = arith.constant 0 : i32
        %dma_wait3A_639 = tpu.memref_slice %arg4[%add3A_303, %dma_wait3A_633, %add3A, %dma_wait3A_637, %dma_wait3A_638] : memref<200x8x32x8x128xf32, #tpu.memory_space<hbm>> -> memref<1x1x1x8x128xf32, #tpu.memory_space<hbm>>
        %dma_wait3A_640 = tpu.memref_squeeze %dma_wait3A_639 : memref<1x1x1x8x128xf32, #tpu.memory_space<hbm>> -> memref<8x128xf32, #tpu.memory_space<hbm>>
        %dma_wait3A_641 = arith.constant 0 : i32
        %dma_wait3A_642 = arith.constant 0 : i32
        %dma_wait3A_643 = tpu.memref_slice %arg4[%add3A_303, %dma_wait3A_633, %add3A, %dma_wait3A_641, %dma_wait3A_642] : memref<200x8x32x8x128xf32, #tpu.memory_space<hbm>> -> memref<1x1x1x8x128xf32, #tpu.memory_space<hbm>>
        %dma_wait3A_644 = tpu.memref_squeeze %dma_wait3A_643 : memref<1x1x1x8x128xf32, #tpu.memory_space<hbm>> -> memref<8x128xf32, #tpu.memory_space<hbm>>
        %dma_wait3A_645 = arith.constant 24 : i32
        %dma_wait3A_646 = arith.constant 0 : i32
        %dma_wait3A_647 = tpu.memref_slice %arg8[%dma_wait3A_645, %dma_wait3A_646] : memref<64x128xf32, #tpu.memory_space<vmem>> -> memref<8x128xf32, #tpu.memory_space<vmem>>
        tpu.wait_dma2 semaphore(%arg12 : memref<!tpu.dma_semaphore, #tpu.memory_space<semaphore_mem>>) src(%dma_wait3A_647 : memref<8x128xf32, #tpu.memory_space<vmem>>) dst(%dma_wait3A_644 : memref<8x128xf32, #tpu.memory_space<hbm>>)
        %dma_wait3A_648 = arith.constant 4 : i32
        %dma_wait3A_649 = arith.constant 32 : i32
        %dma_wait3A_650 = arith.constant 0 : i32
        %dma_wait3A_651 = tpu.memref_slice %arg8[%dma_wait3A_649, %dma_wait3A_650] : memref<64x128xf32, #tpu.memory_space<vmem>> -> memref<8x128xf32, #tpu.memory_space<vmem>>
        %dma_wait3A_652 = arith.constant 0 : i32
        %dma_wait3A_653 = arith.constant 0 : i32
        %dma_wait3A_654 = tpu.memref_slice %arg4[%add3A_303, %dma_wait3A_648, %add3A, %dma_wait3A_652, %dma_wait3A_653] : memref<200x8x32x8x128xf32, #tpu.memory_space<hbm>> -> memref<1x1x1x8x128xf32, #tpu.memory_space<hbm>>
        %dma_wait3A_655 = tpu.memref_squeeze %dma_wait3A_654 : memref<1x1x1x8x128xf32, #tpu.memory_space<hbm>> -> memref<8x128xf32, #tpu.memory_space<hbm>>
        %dma_wait3A_656 = arith.constant 0 : i32
        %dma_wait3A_657 = arith.constant 0 : i32
        %dma_wait3A_658 = tpu.memref_slice %arg4[%add3A_303, %dma_wait3A_648, %add3A, %dma_wait3A_656, %dma_wait3A_657] : memref<200x8x32x8x128xf32, #tpu.memory_space<hbm>> -> memref<1x1x1x8x128xf32, #tpu.memory_space<hbm>>
        %dma_wait3A_659 = tpu.memref_squeeze %dma_wait3A_658 : memref<1x1x1x8x128xf32, #tpu.memory_space<hbm>> -> memref<8x128xf32, #tpu.memory_space<hbm>>
        %dma_wait3A_660 = arith.constant 32 : i32
        %dma_wait3A_661 = arith.constant 0 : i32
        %dma_wait3A_662 = tpu.memref_slice %arg8[%dma_wait3A_660, %dma_wait3A_661] : memref<64x128xf32, #tpu.memory_space<vmem>> -> memref<8x128xf32, #tpu.memory_space<vmem>>
        tpu.wait_dma2 semaphore(%arg12 : memref<!tpu.dma_semaphore, #tpu.memory_space<semaphore_mem>>) src(%dma_wait3A_662 : memref<8x128xf32, #tpu.memory_space<vmem>>) dst(%dma_wait3A_659 : memref<8x128xf32, #tpu.memory_space<hbm>>)
        %dma_wait3A_663 = arith.constant 5 : i32
        %dma_wait3A_664 = arith.constant 40 : i32
        %dma_wait3A_665 = arith.constant 0 : i32
        %dma_wait3A_666 = tpu.memref_slice %arg8[%dma_wait3A_664, %dma_wait3A_665] : memref<64x128xf32, #tpu.memory_space<vmem>> -> memref<8x128xf32, #tpu.memory_space<vmem>>
        %dma_wait3A_667 = arith.constant 0 : i32
        %dma_wait3A_668 = arith.constant 0 : i32
        %dma_wait3A_669 = tpu.memref_slice %arg4[%add3A_303, %dma_wait3A_663, %add3A, %dma_wait3A_667, %dma_wait3A_668] : memref<200x8x32x8x128xf32, #tpu.memory_space<hbm>> -> memref<1x1x1x8x128xf32, #tpu.memory_space<hbm>>
        %dma_wait3A_670 = tpu.memref_squeeze %dma_wait3A_669 : memref<1x1x1x8x128xf32, #tpu.memory_space<hbm>> -> memref<8x128xf32, #tpu.memory_space<hbm>>
        %dma_wait3A_671 = arith.constant 0 : i32
        %dma_wait3A_672 = arith.constant 0 : i32
        %dma_wait3A_673 = tpu.memref_slice %arg4[%add3A_303, %dma_wait3A_663, %add3A, %dma_wait3A_671, %dma_wait3A_672] : memref<200x8x32x8x128xf32, #tpu.memory_space<hbm>> -> memref<1x1x1x8x128xf32, #tpu.memory_space<hbm>>
        %dma_wait3A_674 = tpu.memref_squeeze %dma_wait3A_673 : memref<1x1x1x8x128xf32, #tpu.memory_space<hbm>> -> memref<8x128xf32, #tpu.memory_space<hbm>>
        %dma_wait3A_675 = arith.constant 40 : i32
        %dma_wait3A_676 = arith.constant 0 : i32
        %dma_wait3A_677 = tpu.memref_slice %arg8[%dma_wait3A_675, %dma_wait3A_676] : memref<64x128xf32, #tpu.memory_space<vmem>> -> memref<8x128xf32, #tpu.memory_space<vmem>>
        tpu.wait_dma2 semaphore(%arg12 : memref<!tpu.dma_semaphore, #tpu.memory_space<semaphore_mem>>) src(%dma_wait3A_677 : memref<8x128xf32, #tpu.memory_space<vmem>>) dst(%dma_wait3A_674 : memref<8x128xf32, #tpu.memory_space<hbm>>)
        %dma_wait3A_678 = arith.constant 6 : i32
        %dma_wait3A_679 = arith.constant 48 : i32
        %dma_wait3A_680 = arith.constant 0 : i32
        %dma_wait3A_681 = tpu.memref_slice %arg8[%dma_wait3A_679, %dma_wait3A_680] : memref<64x128xf32, #tpu.memory_space<vmem>> -> memref<8x128xf32, #tpu.memory_space<vmem>>
        %dma_wait3A_682 = arith.constant 0 : i32
        %dma_wait3A_683 = arith.constant 0 : i32
        %dma_wait3A_684 = tpu.memref_slice %arg4[%add3A_303, %dma_wait3A_678, %add3A, %dma_wait3A_682, %dma_wait3A_683] : memref<200x8x32x8x128xf32, #tpu.memory_space<hbm>> -> memref<1x1x1x8x128xf32, #tpu.memory_space<hbm>>
        %dma_wait3A_685 = tpu.memref_squeeze %dma_wait3A_684 : memref<1x1x1x8x128xf32, #tpu.memory_space<hbm>> -> memref<8x128xf32, #tpu.memory_space<hbm>>
        %dma_wait3A_686 = arith.constant 0 : i32
        %dma_wait3A_687 = arith.constant 0 : i32
        %dma_wait3A_688 = tpu.memref_slice %arg4[%add3A_303, %dma_wait3A_678, %add3A, %dma_wait3A_686, %dma_wait3A_687] : memref<200x8x32x8x128xf32, #tpu.memory_space<hbm>> -> memref<1x1x1x8x128xf32, #tpu.memory_space<hbm>>
        %dma_wait3A_689 = tpu.memref_squeeze %dma_wait3A_688 : memref<1x1x1x8x128xf32, #tpu.memory_space<hbm>> -> memref<8x128xf32, #tpu.memory_space<hbm>>
        %dma_wait3A_690 = arith.constant 48 : i32
        %dma_wait3A_691 = arith.constant 0 : i32
        %dma_wait3A_692 = tpu.memref_slice %arg8[%dma_wait3A_690, %dma_wait3A_691] : memref<64x128xf32, #tpu.memory_space<vmem>> -> memref<8x128xf32, #tpu.memory_space<vmem>>
        tpu.wait_dma2 semaphore(%arg12 : memref<!tpu.dma_semaphore, #tpu.memory_space<semaphore_mem>>) src(%dma_wait3A_692 : memref<8x128xf32, #tpu.memory_space<vmem>>) dst(%dma_wait3A_689 : memref<8x128xf32, #tpu.memory_space<hbm>>)
        %dma_wait3A_693 = arith.constant 7 : i32
        %dma_wait3A_694 = arith.constant 56 : i32
        %dma_wait3A_695 = arith.constant 0 : i32
        %dma_wait3A_696 = tpu.memref_slice %arg8[%dma_wait3A_694, %dma_wait3A_695] : memref<64x128xf32, #tpu.memory_space<vmem>> -> memref<8x128xf32, #tpu.memory_space<vmem>>
        %dma_wait3A_697 = arith.constant 0 : i32
        %dma_wait3A_698 = arith.constant 0 : i32
        %dma_wait3A_699 = tpu.memref_slice %arg4[%add3A_303, %dma_wait3A_693, %add3A, %dma_wait3A_697, %dma_wait3A_698] : memref<200x8x32x8x128xf32, #tpu.memory_space<hbm>> -> memref<1x1x1x8x128xf32, #tpu.memory_space<hbm>>
        %dma_wait3A_700 = tpu.memref_squeeze %dma_wait3A_699 : memref<1x1x1x8x128xf32, #tpu.memory_space<hbm>> -> memref<8x128xf32, #tpu.memory_space<hbm>>
        %dma_wait3A_701 = arith.constant 0 : i32
        %dma_wait3A_702 = arith.constant 0 : i32
        %dma_wait3A_703 = tpu.memref_slice %arg4[%add3A_303, %dma_wait3A_693, %add3A, %dma_wait3A_701, %dma_wait3A_702] : memref<200x8x32x8x128xf32, #tpu.memory_space<hbm>> -> memref<1x1x1x8x128xf32, #tpu.memory_space<hbm>>
        %dma_wait3A_704 = tpu.memref_squeeze %dma_wait3A_703 : memref<1x1x1x8x128xf32, #tpu.memory_space<hbm>> -> memref<8x128xf32, #tpu.memory_space<hbm>>
        %dma_wait3A_705 = arith.constant 56 : i32
        %dma_wait3A_706 = arith.constant 0 : i32
        %dma_wait3A_707 = tpu.memref_slice %arg8[%dma_wait3A_705, %dma_wait3A_706] : memref<64x128xf32, #tpu.memory_space<vmem>> -> memref<8x128xf32, #tpu.memory_space<vmem>>
        tpu.wait_dma2 semaphore(%arg12 : memref<!tpu.dma_semaphore, #tpu.memory_space<semaphore_mem>>) src(%dma_wait3A_707 : memref<8x128xf32, #tpu.memory_space<vmem>>) dst(%dma_wait3A_704 : memref<8x128xf32, #tpu.memory_space<hbm>>)
      } else {
      }
      %scan3A_312 = arith.constant 0 : i32
      %scan3A_313 = arith.constant 16 : i32
      %scan3A_314 = arith.addi %scan3A_312, %scan3A_313 : i32
      %scan3A_315 = arith.constant 1 : i32
      scf.for %scan3A_588 = %scan3A_312 to %scan3A_314 step %scan3A_315  : i32 {
        %mul3A_589 = arith.constant 1 : i32
        %mul3A_590 = arith.muli %scan3A_588, %mul3A_589 : i32
        %add3A_591 = arith.constant 0 : i32
        %add3A_592 = arith.addi %add3A_591, %mul3A_590 : i32
        %add3A_593 = vector.broadcast %add3A_592 : i32 to vector<16xi32>
        %add3A_594 = arith.addi %iota3A, %add3A_593 : vector<16xi32>
        %rem3A = arith.constant 16 : i32
        %rem3A_595 = vector.broadcast %rem3A : i32 to vector<16xi32>
        %rem3A_596 = arith.remsi %add3A_594, %rem3A_595 : vector<16xi32>
        %add3A_597 = arith.constant 0 : i32
        %add3A_598 = vector.broadcast %add3A_597 : i32 to vector<16xi32>
        %add3A_599 = arith.addi %rem3A_596, %add3A_598 : vector<16xi32>
        %gather3A = tpu.vector_load_idx %arg6[%add3A_3, %add3A_599] : memref<128x128xf32, #tpu.memory_space<vmem>>[vector<16xi32>, vector<16xi32>], vector<16xf32>,
        tpu.vector_store_idx %arg8[%add3A_599, %add3A_3], %gather3A : memref<64x128xf32, #tpu.memory_space<vmem>>[vector<16xi32>, vector<16xi32>], vector<16xf32>,
        %gather3A_600 = tpu.vector_load_idx %arg6[%add3A_6, %add3A_599] : memref<128x128xf32, #tpu.memory_space<vmem>>[vector<16xi32>, vector<16xi32>], vector<16xf32>,
        tpu.vector_store_idx %arg8[%add3A_599, %add3A_6], %gather3A_600 : memref<64x128xf32, #tpu.memory_space<vmem>>[vector<16xi32>, vector<16xi32>], vector<16xf32>,
        %gather3A_601 = tpu.vector_load_idx %arg6[%add3A_9, %add3A_599] : memref<128x128xf32, #tpu.memory_space<vmem>>[vector<16xi32>, vector<16xi32>], vector<16xf32>,
        tpu.vector_store_idx %arg8[%add3A_599, %add3A_9], %gather3A_601 : memref<64x128xf32, #tpu.memory_space<vmem>>[vector<16xi32>, vector<16xi32>], vector<16xf32>,
        %gather3A_602 = tpu.vector_load_idx %arg6[%add3A_12, %add3A_599] : memref<128x128xf32, #tpu.memory_space<vmem>>[vector<16xi32>, vector<16xi32>], vector<16xf32>,
        tpu.vector_store_idx %arg8[%add3A_599, %add3A_12], %gather3A_602 : memref<64x128xf32, #tpu.memory_space<vmem>>[vector<16xi32>, vector<16xi32>], vector<16xf32>,
        %gather3A_603 = tpu.vector_load_idx %arg6[%add3A_15, %add3A_599] : memref<128x128xf32, #tpu.memory_space<vmem>>[vector<16xi32>, vector<16xi32>], vector<16xf32>,
        tpu.vector_store_idx %arg8[%add3A_599, %add3A_15], %gather3A_603 : memref<64x128xf32, #tpu.memory_space<vmem>>[vector<16xi32>, vector<16xi32>], vector<16xf32>,
        %gather3A_604 = tpu.vector_load_idx %arg6[%add3A_18, %add3A_599] : memref<128x128xf32, #tpu.memory_space<vmem>>[vector<16xi32>, vector<16xi32>], vector<16xf32>,
        tpu.vector_store_idx %arg8[%add3A_599, %add3A_18], %gather3A_604 : memref<64x128xf32, #tpu.memory_space<vmem>>[vector<16xi32>, vector<16xi32>], vector<16xf32>,
        %gather3A_605 = tpu.vector_load_idx %arg6[%add3A_21, %add3A_599] : memref<128x128xf32, #tpu.memory_space<vmem>>[vector<16xi32>, vector<16xi32>], vector<16xf32>,
        tpu.vector_store_idx %arg8[%add3A_599, %add3A_21], %gather3A_605 : memref<64x128xf32, #tpu.memory_space<vmem>>[vector<16xi32>, vector<16xi32>], vector<16xf32>,
        %gather3A_606 = tpu.vector_load_idx %arg6[%add3A_24, %add3A_599] : memref<128x128xf32, #tpu.memory_space<vmem>>[vector<16xi32>, vector<16xi32>], vector<16xf32>,
        tpu.vector_store_idx %arg8[%add3A_599, %add3A_24], %gather3A_606 : memref<64x128xf32, #tpu.memory_space<vmem>>[vector<16xi32>, vector<16xi32>], vector<16xf32>,
        %add3A_607 = arith.constant 16 : i32
        %add3A_608 = vector.broadcast %add3A_607 : i32 to vector<16xi32>
        %add3A_609 = arith.addi %rem3A_596, %add3A_608 : vector<16xi32>
        %gather3A_610 = tpu.vector_load_idx %arg6[%add3A_3, %add3A_609] : memref<128x128xf32, #tpu.memory_space<vmem>>[vector<16xi32>, vector<16xi32>], vector<16xf32>,
        tpu.vector_store_idx %arg8[%add3A_609, %add3A_3], %gather3A_610 : memref<64x128xf32, #tpu.memory_space<vmem>>[vector<16xi32>, vector<16xi32>], vector<16xf32>,
        %gather3A_611 = tpu.vector_load_idx %arg6[%add3A_6, %add3A_609] : memref<128x128xf32, #tpu.memory_space<vmem>>[vector<16xi32>, vector<16xi32>], vector<16xf32>,
        tpu.vector_store_idx %arg8[%add3A_609, %add3A_6], %gather3A_611 : memref<64x128xf32, #tpu.memory_space<vmem>>[vector<16xi32>, vector<16xi32>], vector<16xf32>,
        %gather3A_612 = tpu.vector_load_idx %arg6[%add3A_9, %add3A_609] : memref<128x128xf32, #tpu.memory_space<vmem>>[vector<16xi32>, vector<16xi32>], vector<16xf32>,
        tpu.vector_store_idx %arg8[%add3A_609, %add3A_9], %gather3A_612 : memref<64x128xf32, #tpu.memory_space<vmem>>[vector<16xi32>, vector<16xi32>], vector<16xf32>,
        %gather3A_613 = tpu.vector_load_idx %arg6[%add3A_12, %add3A_609] : memref<128x128xf32, #tpu.memory_space<vmem>>[vector<16xi32>, vector<16xi32>], vector<16xf32>,
        tpu.vector_store_idx %arg8[%add3A_609, %add3A_12], %gather3A_613 : memref<64x128xf32, #tpu.memory_space<vmem>>[vector<16xi32>, vector<16xi32>], vector<16xf32>,
        %gather3A_614 = tpu.vector_load_idx %arg6[%add3A_15, %add3A_609] : memref<128x128xf32, #tpu.memory_space<vmem>>[vector<16xi32>, vector<16xi32>], vector<16xf32>,
        tpu.vector_store_idx %arg8[%add3A_609, %add3A_15], %gather3A_614 : memref<64x128xf32, #tpu.memory_space<vmem>>[vector<16xi32>, vector<16xi32>], vector<16xf32>,
        %gather3A_615 = tpu.vector_load_idx %arg6[%add3A_18, %add3A_609] : memref<128x128xf32, #tpu.memory_space<vmem>>[vector<16xi32>, vector<16xi32>], vector<16xf32>,
        tpu.vector_store_idx %arg8[%add3A_609, %add3A_18], %gather3A_615 : memref<64x128xf32, #tpu.memory_space<vmem>>[vector<16xi32>, vector<16xi32>], vector<16xf32>,
        %gather3A_616 = tpu.vector_load_idx %arg6[%add3A_21, %add3A_609] : memref<128x128xf32, #tpu.memory_space<vmem>>[vector<16xi32>, vector<16xi32>], vector<16xf32>,
        tpu.vector_store_idx %arg8[%add3A_609, %add3A_21], %gather3A_616 : memref<64x128xf32, #tpu.memory_space<vmem>>[vector<16xi32>, vector<16xi32>], vector<16xf32>,
        %gather3A_617 = tpu.vector_load_idx %arg6[%add3A_24, %add3A_609] : memref<128x128xf32, #tpu.memory_space<vmem>>[vector<16xi32>, vector<16xi32>], vector<16xf32>,
        tpu.vector_store_idx %arg8[%add3A_609, %add3A_24], %gather3A_617 : memref<64x128xf32, #tpu.memory_space<vmem>>[vector<16xi32>, vector<16xi32>], vector<16xf32>,
        %add3A_618 = arith.constant 32 : i32
        %add3A_619 = vector.broadcast %add3A_618 : i32 to vector<16xi32>
        %add3A_620 = arith.addi %rem3A_596, %add3A_619 : vector<16xi32>
        %gather3A_621 = tpu.vector_load_idx %arg6[%add3A_3, %add3A_620] : memref<128x128xf32, #tpu.memory_space<vmem>>[vector<16xi32>, vector<16xi32>], vector<16xf32>,
        tpu.vector_store_idx %arg8[%add3A_620, %add3A_3], %gather3A_621 : memref<64x128xf32, #tpu.memory_space<vmem>>[vector<16xi32>, vector<16xi32>], vector<16xf32>,
        %gather3A_622 = tpu.vector_load_idx %arg6[%add3A_6, %add3A_620] : memref<128x128xf32, #tpu.memory_space<vmem>>[vector<16xi32>, vector<16xi32>], vector<16xf32>,
        tpu.vector_store_idx %arg8[%add3A_620, %add3A_6], %gather3A_622 : memref<64x128xf32, #tpu.memory_space<vmem>>[vector<16xi32>, vector<16xi32>], vector<16xf32>,
        %gather3A_623 = tpu.vector_load_idx %arg6[%add3A_9, %add3A_620] : memref<128x128xf32, #tpu.memory_space<vmem>>[vector<16xi32>, vector<16xi32>], vector<16xf32>,
        tpu.vector_store_idx %arg8[%add3A_620, %add3A_9], %gather3A_623 : memref<64x128xf32, #tpu.memory_space<vmem>>[vector<16xi32>, vector<16xi32>], vector<16xf32>,
        %gather3A_624 = tpu.vector_load_idx %arg6[%add3A_12, %add3A_620] : memref<128x128xf32, #tpu.memory_space<vmem>>[vector<16xi32>, vector<16xi32>], vector<16xf32>,
        tpu.vector_store_idx %arg8[%add3A_620, %add3A_12], %gather3A_624 : memref<64x128xf32, #tpu.memory_space<vmem>>[vector<16xi32>, vector<16xi32>], vector<16xf32>,
        %gather3A_625 = tpu.vector_load_idx %arg6[%add3A_15, %add3A_620] : memref<128x128xf32, #tpu.memory_space<vmem>>[vector<16xi32>, vector<16xi32>], vector<16xf32>,
        tpu.vector_store_idx %arg8[%add3A_620, %add3A_15], %gather3A_625 : memref<64x128xf32, #tpu.memory_space<vmem>>[vector<16xi32>, vector<16xi32>], vector<16xf32>,
        %gather3A_626 = tpu.vector_load_idx %arg6[%add3A_18, %add3A_620] : memref<128x128xf32, #tpu.memory_space<vmem>>[vector<16xi32>, vector<16xi32>], vector<16xf32>,
        tpu.vector_store_idx %arg8[%add3A_620, %add3A_18], %gather3A_626 : memref<64x128xf32, #tpu.memory_space<vmem>>[vector<16xi32>, vector<16xi32>], vector<16xf32>,
        %gather3A_627 = tpu.vector_load_idx %arg6[%add3A_21, %add3A_620] : memref<128x128xf32, #tpu.memory_space<vmem>>[vector<16xi32>, vector<16xi32>], vector<16xf32>,
        tpu.vector_store_idx %arg8[%add3A_620, %add3A_21], %gather3A_627 : memref<64x128xf32, #tpu.memory_space<vmem>>[vector<16xi32>, vector<16xi32>], vector<16xf32>,
        %gather3A_628 = tpu.vector_load_idx %arg6[%add3A_24, %add3A_620] : memref<128x128xf32, #tpu.memory_space<vmem>>[vector<16xi32>, vector<16xi32>], vector<16xf32>,
        tpu.vector_store_idx %arg8[%add3A_620, %add3A_24], %gather3A_628 : memref<64x128xf32, #tpu.memory_space<vmem>>[vector<16xi32>, vector<16xi32>], vector<16xf32>,
        %add3A_629 = arith.constant 48 : i32
        %add3A_630 = vector.broadcast %add3A_629 : i32 to vector<16xi32>
        %add3A_631 = arith.addi %rem3A_596, %add3A_630 : vector<16xi32>
        %gather3A_632 = tpu.vector_load_idx %arg6[%add3A_3, %add3A_631] : memref<128x128xf32, #tpu.memory_space<vmem>>[vector<16xi32>, vector<16xi32>], vector<16xf32>,
        tpu.vector_store_idx %arg8[%add3A_631, %add3A_3], %gather3A_632 : memref<64x128xf32, #tpu.memory_space<vmem>>[vector<16xi32>, vector<16xi32>], vector<16xf32>,
        %gather3A_633 = tpu.vector_load_idx %arg6[%add3A_6, %add3A_631] : memref<128x128xf32, #tpu.memory_space<vmem>>[vector<16xi32>, vector<16xi32>], vector<16xf32>,
        tpu.vector_store_idx %arg8[%add3A_631, %add3A_6], %gather3A_633 : memref<64x128xf32, #tpu.memory_space<vmem>>[vector<16xi32>, vector<16xi32>], vector<16xf32>,
        %gather3A_634 = tpu.vector_load_idx %arg6[%add3A_9, %add3A_631] : memref<128x128xf32, #tpu.memory_space<vmem>>[vector<16xi32>, vector<16xi32>], vector<16xf32>,
        tpu.vector_store_idx %arg8[%add3A_631, %add3A_9], %gather3A_634 : memref<64x128xf32, #tpu.memory_space<vmem>>[vector<16xi32>, vector<16xi32>], vector<16xf32>,
        %gather3A_635 = tpu.vector_load_idx %arg6[%add3A_12, %add3A_631] : memref<128x128xf32, #tpu.memory_space<vmem>>[vector<16xi32>, vector<16xi32>], vector<16xf32>,
        tpu.vector_store_idx %arg8[%add3A_631, %add3A_12], %gather3A_635 : memref<64x128xf32, #tpu.memory_space<vmem>>[vector<16xi32>, vector<16xi32>], vector<16xf32>,
        %gather3A_636 = tpu.vector_load_idx %arg6[%add3A_15, %add3A_631] : memref<128x128xf32, #tpu.memory_space<vmem>>[vector<16xi32>, vector<16xi32>], vector<16xf32>,
        tpu.vector_store_idx %arg8[%add3A_631, %add3A_15], %gather3A_636 : memref<64x128xf32, #tpu.memory_space<vmem>>[vector<16xi32>, vector<16xi32>], vector<16xf32>,
        %gather3A_637 = tpu.vector_load_idx %arg6[%add3A_18, %add3A_631] : memref<128x128xf32, #tpu.memory_space<vmem>>[vector<16xi32>, vector<16xi32>], vector<16xf32>,
        tpu.vector_store_idx %arg8[%add3A_631, %add3A_18], %gather3A_637 : memref<64x128xf32, #tpu.memory_space<vmem>>[vector<16xi32>, vector<16xi32>], vector<16xf32>,
        %gather3A_638 = tpu.vector_load_idx %arg6[%add3A_21, %add3A_631] : memref<128x128xf32, #tpu.memory_space<vmem>>[vector<16xi32>, vector<16xi32>], vector<16xf32>,
        tpu.vector_store_idx %arg8[%add3A_631, %add3A_21], %gather3A_638 : memref<64x128xf32, #tpu.memory_space<vmem>>[vector<16xi32>, vector<16xi32>], vector<16xf32>,
        %gather3A_639 = tpu.vector_load_idx %arg6[%add3A_24, %add3A_631] : memref<128x128xf32, #tpu.memory_space<vmem>>[vector<16xi32>, vector<16xi32>], vector<16xf32>,
        tpu.vector_store_idx %arg8[%add3A_631, %add3A_24], %gather3A_639 : memref<64x128xf32, #tpu.memory_space<vmem>>[vector<16xi32>, vector<16xi32>], vector<16xf32>,
      }
      %scan3A_316 = arith.constant 16 : i32
      %dma_start3A_317 = arith.constant 0 : i32
      %dma_start3A_318 = arith.constant 0 : i32
      %dma_start3A_319 = arith.constant 0 : i32
      %dma_start3A_320 = tpu.memref_slice %arg8[%dma_start3A_318, %dma_start3A_319] : memref<64x128xf32, #tpu.memory_space<vmem>> -> memref<8x128xf32, #tpu.memory_space<vmem>>
      %dma_start3A_321 = arith.constant 0 : i32
      %dma_start3A_322 = arith.constant 0 : i32
      %dma_start3A_323 = tpu.memref_slice %arg4[%add3A_303, %dma_start3A_317, %add3A, %dma_start3A_321, %dma_start3A_322] : memref<200x8x32x8x128xf32, #tpu.memory_space<hbm>> -> memref<1x1x1x8x128xf32, #tpu.memory_space<hbm>>
      %dma_start3A_324 = tpu.memref_squeeze %dma_start3A_323 : memref<1x1x1x8x128xf32, #tpu.memory_space<hbm>> -> memref<8x128xf32, #tpu.memory_space<hbm>>
      %dma_start3A_325 = arith.constant 0 : i32
      %dma_start3A_326 = arith.constant 0 : i32
      %dma_start3A_327 = tpu.memref_slice %arg4[%add3A_303, %dma_start3A_317, %add3A, %dma_start3A_325, %dma_start3A_326] : memref<200x8x32x8x128xf32, #tpu.memory_space<hbm>> -> memref<1x1x1x8x128xf32, #tpu.memory_space<hbm>>
      %dma_start3A_328 = tpu.memref_squeeze %dma_start3A_327 : memref<1x1x1x8x128xf32, #tpu.memory_space<hbm>> -> memref<8x128xf32, #tpu.memory_space<hbm>>
      %dma_start3A_329 = arith.constant 0 : i32
      %dma_start3A_330 = arith.constant 0 : i32
      %dma_start3A_331 = tpu.memref_slice %arg8[%dma_start3A_329, %dma_start3A_330] : memref<64x128xf32, #tpu.memory_space<vmem>> -> memref<8x128xf32, #tpu.memory_space<vmem>>
      tpu.enqueue_dma source(%dma_start3A_331 : memref<8x128xf32, #tpu.memory_space<vmem>>) target(%dma_start3A_328 : memref<8x128xf32, #tpu.memory_space<hbm>>) target_semaphore(%arg12 : memref<!tpu.dma_semaphore, #tpu.memory_space<semaphore_mem>>)
      %dma_start3A_332 = arith.constant 1 : i32
      %dma_start3A_333 = arith.constant 8 : i32
      %dma_start3A_334 = arith.constant 0 : i32
      %dma_start3A_335 = tpu.memref_slice %arg8[%dma_start3A_333, %dma_start3A_334] : memref<64x128xf32, #tpu.memory_space<vmem>> -> memref<8x128xf32, #tpu.memory_space<vmem>>
      %dma_start3A_336 = arith.constant 0 : i32
      %dma_start3A_337 = arith.constant 0 : i32
      %dma_start3A_338 = tpu.memref_slice %arg4[%add3A_303, %dma_start3A_332, %add3A, %dma_start3A_336, %dma_start3A_337] : memref<200x8x32x8x128xf32, #tpu.memory_space<hbm>> -> memref<1x1x1x8x128xf32, #tpu.memory_space<hbm>>
      %dma_start3A_339 = tpu.memref_squeeze %dma_start3A_338 : memref<1x1x1x8x128xf32, #tpu.memory_space<hbm>> -> memref<8x128xf32, #tpu.memory_space<hbm>>
      %dma_start3A_340 = arith.constant 0 : i32
      %dma_start3A_341 = arith.constant 0 : i32
      %dma_start3A_342 = tpu.memref_slice %arg4[%add3A_303, %dma_start3A_332, %add3A, %dma_start3A_340, %dma_start3A_341] : memref<200x8x32x8x128xf32, #tpu.memory_space<hbm>> -> memref<1x1x1x8x128xf32, #tpu.memory_space<hbm>>
      %dma_start3A_343 = tpu.memref_squeeze %dma_start3A_342 : memref<1x1x1x8x128xf32, #tpu.memory_space<hbm>> -> memref<8x128xf32, #tpu.memory_space<hbm>>
      %dma_start3A_344 = arith.constant 8 : i32
      %dma_start3A_345 = arith.constant 0 : i32
      %dma_start3A_346 = tpu.memref_slice %arg8[%dma_start3A_344, %dma_start3A_345] : memref<64x128xf32, #tpu.memory_space<vmem>> -> memref<8x128xf32, #tpu.memory_space<vmem>>
      tpu.enqueue_dma source(%dma_start3A_346 : memref<8x128xf32, #tpu.memory_space<vmem>>) target(%dma_start3A_343 : memref<8x128xf32, #tpu.memory_space<hbm>>) target_semaphore(%arg12 : memref<!tpu.dma_semaphore, #tpu.memory_space<semaphore_mem>>)
      %dma_start3A_347 = arith.constant 2 : i32
      %dma_start3A_348 = arith.constant 16 : i32
      %dma_start3A_349 = arith.constant 0 : i32
      %dma_start3A_350 = tpu.memref_slice %arg8[%dma_start3A_348, %dma_start3A_349] : memref<64x128xf32, #tpu.memory_space<vmem>> -> memref<8x128xf32, #tpu.memory_space<vmem>>
      %dma_start3A_351 = arith.constant 0 : i32
      %dma_start3A_352 = arith.constant 0 : i32
      %dma_start3A_353 = tpu.memref_slice %arg4[%add3A_303, %dma_start3A_347, %add3A, %dma_start3A_351, %dma_start3A_352] : memref<200x8x32x8x128xf32, #tpu.memory_space<hbm>> -> memref<1x1x1x8x128xf32, #tpu.memory_space<hbm>>
      %dma_start3A_354 = tpu.memref_squeeze %dma_start3A_353 : memref<1x1x1x8x128xf32, #tpu.memory_space<hbm>> -> memref<8x128xf32, #tpu.memory_space<hbm>>
      %dma_start3A_355 = arith.constant 0 : i32
      %dma_start3A_356 = arith.constant 0 : i32
      %dma_start3A_357 = tpu.memref_slice %arg4[%add3A_303, %dma_start3A_347, %add3A, %dma_start3A_355, %dma_start3A_356] : memref<200x8x32x8x128xf32, #tpu.memory_space<hbm>> -> memref<1x1x1x8x128xf32, #tpu.memory_space<hbm>>
      %dma_start3A_358 = tpu.memref_squeeze %dma_start3A_357 : memref<1x1x1x8x128xf32, #tpu.memory_space<hbm>> -> memref<8x128xf32, #tpu.memory_space<hbm>>
      %dma_start3A_359 = arith.constant 16 : i32
      %dma_start3A_360 = arith.constant 0 : i32
      %dma_start3A_361 = tpu.memref_slice %arg8[%dma_start3A_359, %dma_start3A_360] : memref<64x128xf32, #tpu.memory_space<vmem>> -> memref<8x128xf32, #tpu.memory_space<vmem>>
      tpu.enqueue_dma source(%dma_start3A_361 : memref<8x128xf32, #tpu.memory_space<vmem>>) target(%dma_start3A_358 : memref<8x128xf32, #tpu.memory_space<hbm>>) target_semaphore(%arg12 : memref<!tpu.dma_semaphore, #tpu.memory_space<semaphore_mem>>)
      %dma_start3A_362 = arith.constant 3 : i32
      %dma_start3A_363 = arith.constant 24 : i32
      %dma_start3A_364 = arith.constant 0 : i32
      %dma_start3A_365 = tpu.memref_slice %arg8[%dma_start3A_363, %dma_start3A_364] : memref<64x128xf32, #tpu.memory_space<vmem>> -> memref<8x128xf32, #tpu.memory_space<vmem>>
      %dma_start3A_366 = arith.constant 0 : i32
      %dma_start3A_367 = arith.constant 0 : i32
      %dma_start3A_368 = tpu.memref_slice %arg4[%add3A_303, %dma_start3A_362, %add3A, %dma_start3A_366, %dma_start3A_367] : memref<200x8x32x8x128xf32, #tpu.memory_space<hbm>> -> memref<1x1x1x8x128xf32, #tpu.memory_space<hbm>>
      %dma_start3A_369 = tpu.memref_squeeze %dma_start3A_368 : memref<1x1x1x8x128xf32, #tpu.memory_space<hbm>> -> memref<8x128xf32, #tpu.memory_space<hbm>>
      %dma_start3A_370 = arith.constant 0 : i32
      %dma_start3A_371 = arith.constant 0 : i32
      %dma_start3A_372 = tpu.memref_slice %arg4[%add3A_303, %dma_start3A_362, %add3A, %dma_start3A_370, %dma_start3A_371] : memref<200x8x32x8x128xf32, #tpu.memory_space<hbm>> -> memref<1x1x1x8x128xf32, #tpu.memory_space<hbm>>
      %dma_start3A_373 = tpu.memref_squeeze %dma_start3A_372 : memref<1x1x1x8x128xf32, #tpu.memory_space<hbm>> -> memref<8x128xf32, #tpu.memory_space<hbm>>
      %dma_start3A_374 = arith.constant 24 : i32
      %dma_start3A_375 = arith.constant 0 : i32
      %dma_start3A_376 = tpu.memref_slice %arg8[%dma_start3A_374, %dma_start3A_375] : memref<64x128xf32, #tpu.memory_space<vmem>> -> memref<8x128xf32, #tpu.memory_space<vmem>>
      tpu.enqueue_dma source(%dma_start3A_376 : memref<8x128xf32, #tpu.memory_space<vmem>>) target(%dma_start3A_373 : memref<8x128xf32, #tpu.memory_space<hbm>>) target_semaphore(%arg12 : memref<!tpu.dma_semaphore, #tpu.memory_space<semaphore_mem>>)
      %dma_start3A_377 = arith.constant 4 : i32
      %dma_start3A_378 = arith.constant 32 : i32
      %dma_start3A_379 = arith.constant 0 : i32
      %dma_start3A_380 = tpu.memref_slice %arg8[%dma_start3A_378, %dma_start3A_379] : memref<64x128xf32, #tpu.memory_space<vmem>> -> memref<8x128xf32, #tpu.memory_space<vmem>>
      %dma_start3A_381 = arith.constant 0 : i32
      %dma_start3A_382 = arith.constant 0 : i32
      %dma_start3A_383 = tpu.memref_slice %arg4[%add3A_303, %dma_start3A_377, %add3A, %dma_start3A_381, %dma_start3A_382] : memref<200x8x32x8x128xf32, #tpu.memory_space<hbm>> -> memref<1x1x1x8x128xf32, #tpu.memory_space<hbm>>
      %dma_start3A_384 = tpu.memref_squeeze %dma_start3A_383 : memref<1x1x1x8x128xf32, #tpu.memory_space<hbm>> -> memref<8x128xf32, #tpu.memory_space<hbm>>
      %dma_start3A_385 = arith.constant 0 : i32
      %dma_start3A_386 = arith.constant 0 : i32
      %dma_start3A_387 = tpu.memref_slice %arg4[%add3A_303, %dma_start3A_377, %add3A, %dma_start3A_385, %dma_start3A_386] : memref<200x8x32x8x128xf32, #tpu.memory_space<hbm>> -> memref<1x1x1x8x128xf32, #tpu.memory_space<hbm>>
      %dma_start3A_388 = tpu.memref_squeeze %dma_start3A_387 : memref<1x1x1x8x128xf32, #tpu.memory_space<hbm>> -> memref<8x128xf32, #tpu.memory_space<hbm>>
      %dma_start3A_389 = arith.constant 32 : i32
      %dma_start3A_390 = arith.constant 0 : i32
      %dma_start3A_391 = tpu.memref_slice %arg8[%dma_start3A_389, %dma_start3A_390] : memref<64x128xf32, #tpu.memory_space<vmem>> -> memref<8x128xf32, #tpu.memory_space<vmem>>
      tpu.enqueue_dma source(%dma_start3A_391 : memref<8x128xf32, #tpu.memory_space<vmem>>) target(%dma_start3A_388 : memref<8x128xf32, #tpu.memory_space<hbm>>) target_semaphore(%arg12 : memref<!tpu.dma_semaphore, #tpu.memory_space<semaphore_mem>>)
      %dma_start3A_392 = arith.constant 5 : i32
      %dma_start3A_393 = arith.constant 40 : i32
      %dma_start3A_394 = arith.constant 0 : i32
      %dma_start3A_395 = tpu.memref_slice %arg8[%dma_start3A_393, %dma_start3A_394] : memref<64x128xf32, #tpu.memory_space<vmem>> -> memref<8x128xf32, #tpu.memory_space<vmem>>
      %dma_start3A_396 = arith.constant 0 : i32
      %dma_start3A_397 = arith.constant 0 : i32
      %dma_start3A_398 = tpu.memref_slice %arg4[%add3A_303, %dma_start3A_392, %add3A, %dma_start3A_396, %dma_start3A_397] : memref<200x8x32x8x128xf32, #tpu.memory_space<hbm>> -> memref<1x1x1x8x128xf32, #tpu.memory_space<hbm>>
      %dma_start3A_399 = tpu.memref_squeeze %dma_start3A_398 : memref<1x1x1x8x128xf32, #tpu.memory_space<hbm>> -> memref<8x128xf32, #tpu.memory_space<hbm>>
      %dma_start3A_400 = arith.constant 0 : i32
      %dma_start3A_401 = arith.constant 0 : i32
      %dma_start3A_402 = tpu.memref_slice %arg4[%add3A_303, %dma_start3A_392, %add3A, %dma_start3A_400, %dma_start3A_401] : memref<200x8x32x8x128xf32, #tpu.memory_space<hbm>> -> memref<1x1x1x8x128xf32, #tpu.memory_space<hbm>>
      %dma_start3A_403 = tpu.memref_squeeze %dma_start3A_402 : memref<1x1x1x8x128xf32, #tpu.memory_space<hbm>> -> memref<8x128xf32, #tpu.memory_space<hbm>>
      %dma_start3A_404 = arith.constant 40 : i32
      %dma_start3A_405 = arith.constant 0 : i32
      %dma_start3A_406 = tpu.memref_slice %arg8[%dma_start3A_404, %dma_start3A_405] : memref<64x128xf32, #tpu.memory_space<vmem>> -> memref<8x128xf32, #tpu.memory_space<vmem>>
      tpu.enqueue_dma source(%dma_start3A_406 : memref<8x128xf32, #tpu.memory_space<vmem>>) target(%dma_start3A_403 : memref<8x128xf32, #tpu.memory_space<hbm>>) target_semaphore(%arg12 : memref<!tpu.dma_semaphore, #tpu.memory_space<semaphore_mem>>)
      %dma_start3A_407 = arith.constant 6 : i32
      %dma_start3A_408 = arith.constant 48 : i32
      %dma_start3A_409 = arith.constant 0 : i32
      %dma_start3A_410 = tpu.memref_slice %arg8[%dma_start3A_408, %dma_start3A_409] : memref<64x128xf32, #tpu.memory_space<vmem>> -> memref<8x128xf32, #tpu.memory_space<vmem>>
      %dma_start3A_411 = arith.constant 0 : i32
      %dma_start3A_412 = arith.constant 0 : i32
      %dma_start3A_413 = tpu.memref_slice %arg4[%add3A_303, %dma_start3A_407, %add3A, %dma_start3A_411, %dma_start3A_412] : memref<200x8x32x8x128xf32, #tpu.memory_space<hbm>> -> memref<1x1x1x8x128xf32, #tpu.memory_space<hbm>>
      %dma_start3A_414 = tpu.memref_squeeze %dma_start3A_413 : memref<1x1x1x8x128xf32, #tpu.memory_space<hbm>> -> memref<8x128xf32, #tpu.memory_space<hbm>>
      %dma_start3A_415 = arith.constant 0 : i32
      %dma_start3A_416 = arith.constant 0 : i32
      %dma_start3A_417 = tpu.memref_slice %arg4[%add3A_303, %dma_start3A_407, %add3A, %dma_start3A_415, %dma_start3A_416] : memref<200x8x32x8x128xf32, #tpu.memory_space<hbm>> -> memref<1x1x1x8x128xf32, #tpu.memory_space<hbm>>
      %dma_start3A_418 = tpu.memref_squeeze %dma_start3A_417 : memref<1x1x1x8x128xf32, #tpu.memory_space<hbm>> -> memref<8x128xf32, #tpu.memory_space<hbm>>
      %dma_start3A_419 = arith.constant 48 : i32
      %dma_start3A_420 = arith.constant 0 : i32
      %dma_start3A_421 = tpu.memref_slice %arg8[%dma_start3A_419, %dma_start3A_420] : memref<64x128xf32, #tpu.memory_space<vmem>> -> memref<8x128xf32, #tpu.memory_space<vmem>>
      tpu.enqueue_dma source(%dma_start3A_421 : memref<8x128xf32, #tpu.memory_space<vmem>>) target(%dma_start3A_418 : memref<8x128xf32, #tpu.memory_space<hbm>>) target_semaphore(%arg12 : memref<!tpu.dma_semaphore, #tpu.memory_space<semaphore_mem>>)
      %dma_start3A_422 = arith.constant 7 : i32
      %dma_start3A_423 = arith.constant 56 : i32
      %dma_start3A_424 = arith.constant 0 : i32
      %dma_start3A_425 = tpu.memref_slice %arg8[%dma_start3A_423, %dma_start3A_424] : memref<64x128xf32, #tpu.memory_space<vmem>> -> memref<8x128xf32, #tpu.memory_space<vmem>>
      %dma_start3A_426 = arith.constant 0 : i32
      %dma_start3A_427 = arith.constant 0 : i32
      %dma_start3A_428 = tpu.memref_slice %arg4[%add3A_303, %dma_start3A_422, %add3A, %dma_start3A_426, %dma_start3A_427] : memref<200x8x32x8x128xf32, #tpu.memory_space<hbm>> -> memref<1x1x1x8x128xf32, #tpu.memory_space<hbm>>
      %dma_start3A_429 = tpu.memref_squeeze %dma_start3A_428 : memref<1x1x1x8x128xf32, #tpu.memory_space<hbm>> -> memref<8x128xf32, #tpu.memory_space<hbm>>
      %dma_start3A_430 = arith.constant 0 : i32
      %dma_start3A_431 = arith.constant 0 : i32
      %dma_start3A_432 = tpu.memref_slice %arg4[%add3A_303, %dma_start3A_422, %add3A, %dma_start3A_430, %dma_start3A_431] : memref<200x8x32x8x128xf32, #tpu.memory_space<hbm>> -> memref<1x1x1x8x128xf32, #tpu.memory_space<hbm>>
      %dma_start3A_433 = tpu.memref_squeeze %dma_start3A_432 : memref<1x1x1x8x128xf32, #tpu.memory_space<hbm>> -> memref<8x128xf32, #tpu.memory_space<hbm>>
      %dma_start3A_434 = arith.constant 56 : i32
      %dma_start3A_435 = arith.constant 0 : i32
      %dma_start3A_436 = tpu.memref_slice %arg8[%dma_start3A_434, %dma_start3A_435] : memref<64x128xf32, #tpu.memory_space<vmem>> -> memref<8x128xf32, #tpu.memory_space<vmem>>
      tpu.enqueue_dma source(%dma_start3A_436 : memref<8x128xf32, #tpu.memory_space<vmem>>) target(%dma_start3A_433 : memref<8x128xf32, #tpu.memory_space<hbm>>) target_semaphore(%arg12 : memref<!tpu.dma_semaphore, #tpu.memory_space<semaphore_mem>>)
      %add3A_437 = arith.constant 2 : i32
      %add3A_438 = arith.addi %add3A_303, %add3A_437 : i32
      %lt3A = arith.constant 200 : i32
      %lt3A_439 = arith.cmpi slt, %add3A_438, %lt3A : i32
      %convert_element_type3A_440 = arith.extui %lt3A_439 : i1 to i32
      %cond3A_441 = arith.constant 0 : i32
      %cond3A_442 = arith.cmpi ne, %convert_element_type3A_440, %cond3A_441 : i32
      scf.if %cond3A_442 {
        %add3A_588 = arith.constant 2 : i32
        %add3A_589 = arith.addi %add3A_303, %add3A_588 : i32
        %dma_start3A_590 = arith.constant 0 : i32
        %dma_start3A_591 = tpu.memref_slice %arg5[%add3A_589, %dma_start3A_590] : memref<200x128xi32, #tpu.memory_space<vmem>> -> memref<1x128xi32, #tpu.memory_space<vmem>>
        %dma_start3A_592 = tpu.memref_squeeze %dma_start3A_591 : memref<1x128xi32, #tpu.memory_space<vmem>> -> memref<128xi32, #tpu.memory_space<vmem>>
        %dma_start3A_593 = arith.constant 0 : i32
        %dma_start3A_594 = arith.constant 0 : i32
        %dma_start3A_595 = tpu.memref_slice %arg2[%dma_start3A_593, %dma_start3A_594] : memref<1000000x128xf32, #tpu.memory_space<hbm>> -> memref<1000000x128xf32, #tpu.memory_space<hbm>>
        tpu.enqueue_indirect_dma source(%dma_start3A_595 : memref<1000000x128xf32, #tpu.memory_space<hbm>>) target(%arg6 : memref<128x128xf32, #tpu.memory_space<vmem>>) offsets(%dma_start3A_592 : memref<128xi32, #tpu.memory_space<vmem>>) semaphore(%arg10 : memref<!tpu.dma_semaphore, #tpu.memory_space<semaphore_mem>>)
      } else {
      }
      %add3A_443 = arith.constant 1 : i32
      %add3A_444 = arith.addi %add3A_301, %add3A_443 : i32
      %dma_wait3A_445 = arith.constant 0 : i32
      %dma_wait3A_446 = tpu.memref_slice %arg5[%add3A_444, %dma_wait3A_445] : memref<200x128xi32, #tpu.memory_space<vmem>> -> memref<1x128xi32, #tpu.memory_space<vmem>>
      %dma_wait3A_447 = tpu.memref_squeeze %dma_wait3A_446 : memref<1x128xi32, #tpu.memory_space<vmem>> -> memref<128xi32, #tpu.memory_space<vmem>>
      %dma_wait3A_448 = arith.constant 0 : i32
      %dma_wait3A_449 = arith.constant 0 : i32
      %dma_wait3A_450 = tpu.memref_slice %arg2[%dma_wait3A_448, %dma_wait3A_449] : memref<1000000x128xf32, #tpu.memory_space<hbm>> -> memref<1000000x128xf32, #tpu.memory_space<hbm>>
      tpu.wait_indirect_dma semaphore(%arg11 : memref<!tpu.dma_semaphore, #tpu.memory_space<semaphore_mem>>) src(%dma_wait3A_450 : memref<1000000x128xf32, #tpu.memory_space<hbm>>) dst(%arg7 : memref<128x128xf32, #tpu.memory_space<vmem>>)
      %ge3A_451 = arith.constant 2 : i32
      %ge3A_452 = arith.cmpi sge, %add3A_444, %ge3A_451 : i32
      %convert_element_type3A_453 = arith.extui %ge3A_452 : i1 to i32
      %cond3A_454 = arith.constant 0 : i32
      %cond3A_455 = arith.cmpi ne, %convert_element_type3A_453, %cond3A_454 : i32
      scf.if %cond3A_455 {
        %dma_wait3A_588 = arith.constant 0 : i32
        %dma_wait3A_589 = arith.constant 0 : i32
        %dma_wait3A_590 = arith.constant 0 : i32
        %dma_wait3A_591 = tpu.memref_slice %arg9[%dma_wait3A_589, %dma_wait3A_590] : memref<64x128xf32, #tpu.memory_space<vmem>> -> memref<8x128xf32, #tpu.memory_space<vmem>>
        %dma_wait3A_592 = arith.constant 0 : i32
        %dma_wait3A_593 = arith.constant 0 : i32
        %dma_wait3A_594 = tpu.memref_slice %arg4[%add3A_444, %dma_wait3A_588, %add3A, %dma_wait3A_592, %dma_wait3A_593] : memref<200x8x32x8x128xf32, #tpu.memory_space<hbm>> -> memref<1x1x1x8x128xf32, #tpu.memory_space<hbm>>
        %dma_wait3A_595 = tpu.memref_squeeze %dma_wait3A_594 : memref<1x1x1x8x128xf32, #tpu.memory_space<hbm>> -> memref<8x128xf32, #tpu.memory_space<hbm>>
        %dma_wait3A_596 = arith.constant 0 : i32
        %dma_wait3A_597 = arith.constant 0 : i32
        %dma_wait3A_598 = tpu.memref_slice %arg4[%add3A_444, %dma_wait3A_588, %add3A, %dma_wait3A_596, %dma_wait3A_597] : memref<200x8x32x8x128xf32, #tpu.memory_space<hbm>> -> memref<1x1x1x8x128xf32, #tpu.memory_space<hbm>>
        %dma_wait3A_599 = tpu.memref_squeeze %dma_wait3A_598 : memref<1x1x1x8x128xf32, #tpu.memory_space<hbm>> -> memref<8x128xf32, #tpu.memory_space<hbm>>
        %dma_wait3A_600 = arith.constant 0 : i32
        %dma_wait3A_601 = arith.constant 0 : i32
        %dma_wait3A_602 = tpu.memref_slice %arg9[%dma_wait3A_600, %dma_wait3A_601] : memref<64x128xf32, #tpu.memory_space<vmem>> -> memref<8x128xf32, #tpu.memory_space<vmem>>
        tpu.wait_dma2 semaphore(%arg13 : memref<!tpu.dma_semaphore, #tpu.memory_space<semaphore_mem>>) src(%dma_wait3A_602 : memref<8x128xf32, #tpu.memory_space<vmem>>) dst(%dma_wait3A_599 : memref<8x128xf32, #tpu.memory_space<hbm>>)
        %dma_wait3A_603 = arith.constant 1 : i32
        %dma_wait3A_604 = arith.constant 8 : i32
        %dma_wait3A_605 = arith.constant 0 : i32
        %dma_wait3A_606 = tpu.memref_slice %arg9[%dma_wait3A_604, %dma_wait3A_605] : memref<64x128xf32, #tpu.memory_space<vmem>> -> memref<8x128xf32, #tpu.memory_space<vmem>>
        %dma_wait3A_607 = arith.constant 0 : i32
        %dma_wait3A_608 = arith.constant 0 : i32
        %dma_wait3A_609 = tpu.memref_slice %arg4[%add3A_444, %dma_wait3A_603, %add3A, %dma_wait3A_607, %dma_wait3A_608] : memref<200x8x32x8x128xf32, #tpu.memory_space<hbm>> -> memref<1x1x1x8x128xf32, #tpu.memory_space<hbm>>
        %dma_wait3A_610 = tpu.memref_squeeze %dma_wait3A_609 : memref<1x1x1x8x128xf32, #tpu.memory_space<hbm>> -> memref<8x128xf32, #tpu.memory_space<hbm>>
        %dma_wait3A_611 = arith.constant 0 : i32
        %dma_wait3A_612 = arith.constant 0 : i32
        %dma_wait3A_613 = tpu.memref_slice %arg4[%add3A_444, %dma_wait3A_603, %add3A, %dma_wait3A_611, %dma_wait3A_612] : memref<200x8x32x8x128xf32, #tpu.memory_space<hbm>> -> memref<1x1x1x8x128xf32, #tpu.memory_space<hbm>>
        %dma_wait3A_614 = tpu.memref_squeeze %dma_wait3A_613 : memref<1x1x1x8x128xf32, #tpu.memory_space<hbm>> -> memref<8x128xf32, #tpu.memory_space<hbm>>
        %dma_wait3A_615 = arith.constant 8 : i32
        %dma_wait3A_616 = arith.constant 0 : i32
        %dma_wait3A_617 = tpu.memref_slice %arg9[%dma_wait3A_615, %dma_wait3A_616] : memref<64x128xf32, #tpu.memory_space<vmem>> -> memref<8x128xf32, #tpu.memory_space<vmem>>
        tpu.wait_dma2 semaphore(%arg13 : memref<!tpu.dma_semaphore, #tpu.memory_space<semaphore_mem>>) src(%dma_wait3A_617 : memref<8x128xf32, #tpu.memory_space<vmem>>) dst(%dma_wait3A_614 : memref<8x128xf32, #tpu.memory_space<hbm>>)
        %dma_wait3A_618 = arith.constant 2 : i32
        %dma_wait3A_619 = arith.constant 16 : i32
        %dma_wait3A_620 = arith.constant 0 : i32
        %dma_wait3A_621 = tpu.memref_slice %arg9[%dma_wait3A_619, %dma_wait3A_620] : memref<64x128xf32, #tpu.memory_space<vmem>> -> memref<8x128xf32, #tpu.memory_space<vmem>>
        %dma_wait3A_622 = arith.constant 0 : i32
        %dma_wait3A_623 = arith.constant 0 : i32
        %dma_wait3A_624 = tpu.memref_slice %arg4[%add3A_444, %dma_wait3A_618, %add3A, %dma_wait3A_622, %dma_wait3A_623] : memref<200x8x32x8x128xf32, #tpu.memory_space<hbm>> -> memref<1x1x1x8x128xf32, #tpu.memory_space<hbm>>
        %dma_wait3A_625 = tpu.memref_squeeze %dma_wait3A_624 : memref<1x1x1x8x128xf32, #tpu.memory_space<hbm>> -> memref<8x128xf32, #tpu.memory_space<hbm>>
        %dma_wait3A_626 = arith.constant 0 : i32
        %dma_wait3A_627 = arith.constant 0 : i32
        %dma_wait3A_628 = tpu.memref_slice %arg4[%add3A_444, %dma_wait3A_618, %add3A, %dma_wait3A_626, %dma_wait3A_627] : memref<200x8x32x8x128xf32, #tpu.memory_space<hbm>> -> memref<1x1x1x8x128xf32, #tpu.memory_space<hbm>>
        %dma_wait3A_629 = tpu.memref_squeeze %dma_wait3A_628 : memref<1x1x1x8x128xf32, #tpu.memory_space<hbm>> -> memref<8x128xf32, #tpu.memory_space<hbm>>
        %dma_wait3A_630 = arith.constant 16 : i32
        %dma_wait3A_631 = arith.constant 0 : i32
        %dma_wait3A_632 = tpu.memref_slice %arg9[%dma_wait3A_630, %dma_wait3A_631] : memref<64x128xf32, #tpu.memory_space<vmem>> -> memref<8x128xf32, #tpu.memory_space<vmem>>
        tpu.wait_dma2 semaphore(%arg13 : memref<!tpu.dma_semaphore, #tpu.memory_space<semaphore_mem>>) src(%dma_wait3A_632 : memref<8x128xf32, #tpu.memory_space<vmem>>) dst(%dma_wait3A_629 : memref<8x128xf32, #tpu.memory_space<hbm>>)
        %dma_wait3A_633 = arith.constant 3 : i32
        %dma_wait3A_634 = arith.constant 24 : i32
        %dma_wait3A_635 = arith.constant 0 : i32
        %dma_wait3A_636 = tpu.memref_slice %arg9[%dma_wait3A_634, %dma_wait3A_635] : memref<64x128xf32, #tpu.memory_space<vmem>> -> memref<8x128xf32, #tpu.memory_space<vmem>>
        %dma_wait3A_637 = arith.constant 0 : i32
        %dma_wait3A_638 = arith.constant 0 : i32
        %dma_wait3A_639 = tpu.memref_slice %arg4[%add3A_444, %dma_wait3A_633, %add3A, %dma_wait3A_637, %dma_wait3A_638] : memref<200x8x32x8x128xf32, #tpu.memory_space<hbm>> -> memref<1x1x1x8x128xf32, #tpu.memory_space<hbm>>
        %dma_wait3A_640 = tpu.memref_squeeze %dma_wait3A_639 : memref<1x1x1x8x128xf32, #tpu.memory_space<hbm>> -> memref<8x128xf32, #tpu.memory_space<hbm>>
        %dma_wait3A_641 = arith.constant 0 : i32
        %dma_wait3A_642 = arith.constant 0 : i32
        %dma_wait3A_643 = tpu.memref_slice %arg4[%add3A_444, %dma_wait3A_633, %add3A, %dma_wait3A_641, %dma_wait3A_642] : memref<200x8x32x8x128xf32, #tpu.memory_space<hbm>> -> memref<1x1x1x8x128xf32, #tpu.memory_space<hbm>>
        %dma_wait3A_644 = tpu.memref_squeeze %dma_wait3A_643 : memref<1x1x1x8x128xf32, #tpu.memory_space<hbm>> -> memref<8x128xf32, #tpu.memory_space<hbm>>
        %dma_wait3A_645 = arith.constant 24 : i32
        %dma_wait3A_646 = arith.constant 0 : i32
        %dma_wait3A_647 = tpu.memref_slice %arg9[%dma_wait3A_645, %dma_wait3A_646] : memref<64x128xf32, #tpu.memory_space<vmem>> -> memref<8x128xf32, #tpu.memory_space<vmem>>
        tpu.wait_dma2 semaphore(%arg13 : memref<!tpu.dma_semaphore, #tpu.memory_space<semaphore_mem>>) src(%dma_wait3A_647 : memref<8x128xf32, #tpu.memory_space<vmem>>) dst(%dma_wait3A_644 : memref<8x128xf32, #tpu.memory_space<hbm>>)
        %dma_wait3A_648 = arith.constant 4 : i32
        %dma_wait3A_649 = arith.constant 32 : i32
        %dma_wait3A_650 = arith.constant 0 : i32
        %dma_wait3A_651 = tpu.memref_slice %arg9[%dma_wait3A_649, %dma_wait3A_650] : memref<64x128xf32, #tpu.memory_space<vmem>> -> memref<8x128xf32, #tpu.memory_space<vmem>>
        %dma_wait3A_652 = arith.constant 0 : i32
        %dma_wait3A_653 = arith.constant 0 : i32
        %dma_wait3A_654 = tpu.memref_slice %arg4[%add3A_444, %dma_wait3A_648, %add3A, %dma_wait3A_652, %dma_wait3A_653] : memref<200x8x32x8x128xf32, #tpu.memory_space<hbm>> -> memref<1x1x1x8x128xf32, #tpu.memory_space<hbm>>
        %dma_wait3A_655 = tpu.memref_squeeze %dma_wait3A_654 : memref<1x1x1x8x128xf32, #tpu.memory_space<hbm>> -> memref<8x128xf32, #tpu.memory_space<hbm>>
        %dma_wait3A_656 = arith.constant 0 : i32
        %dma_wait3A_657 = arith.constant 0 : i32
        %dma_wait3A_658 = tpu.memref_slice %arg4[%add3A_444, %dma_wait3A_648, %add3A, %dma_wait3A_656, %dma_wait3A_657] : memref<200x8x32x8x128xf32, #tpu.memory_space<hbm>> -> memref<1x1x1x8x128xf32, #tpu.memory_space<hbm>>
        %dma_wait3A_659 = tpu.memref_squeeze %dma_wait3A_658 : memref<1x1x1x8x128xf32, #tpu.memory_space<hbm>> -> memref<8x128xf32, #tpu.memory_space<hbm>>
        %dma_wait3A_660 = arith.constant 32 : i32
        %dma_wait3A_661 = arith.constant 0 : i32
        %dma_wait3A_662 = tpu.memref_slice %arg9[%dma_wait3A_660, %dma_wait3A_661] : memref<64x128xf32, #tpu.memory_space<vmem>> -> memref<8x128xf32, #tpu.memory_space<vmem>>
        tpu.wait_dma2 semaphore(%arg13 : memref<!tpu.dma_semaphore, #tpu.memory_space<semaphore_mem>>) src(%dma_wait3A_662 : memref<8x128xf32, #tpu.memory_space<vmem>>) dst(%dma_wait3A_659 : memref<8x128xf32, #tpu.memory_space<hbm>>)
        %dma_wait3A_663 = arith.constant 5 : i32
        %dma_wait3A_664 = arith.constant 40 : i32
        %dma_wait3A_665 = arith.constant 0 : i32
        %dma_wait3A_666 = tpu.memref_slice %arg9[%dma_wait3A_664, %dma_wait3A_665] : memref<64x128xf32, #tpu.memory_space<vmem>> -> memref<8x128xf32, #tpu.memory_space<vmem>>
        %dma_wait3A_667 = arith.constant 0 : i32
        %dma_wait3A_668 = arith.constant 0 : i32
        %dma_wait3A_669 = tpu.memref_slice %arg4[%add3A_444, %dma_wait3A_663, %add3A, %dma_wait3A_667, %dma_wait3A_668] : memref<200x8x32x8x128xf32, #tpu.memory_space<hbm>> -> memref<1x1x1x8x128xf32, #tpu.memory_space<hbm>>
        %dma_wait3A_670 = tpu.memref_squeeze %dma_wait3A_669 : memref<1x1x1x8x128xf32, #tpu.memory_space<hbm>> -> memref<8x128xf32, #tpu.memory_space<hbm>>
        %dma_wait3A_671 = arith.constant 0 : i32
        %dma_wait3A_672 = arith.constant 0 : i32
        %dma_wait3A_673 = tpu.memref_slice %arg4[%add3A_444, %dma_wait3A_663, %add3A, %dma_wait3A_671, %dma_wait3A_672] : memref<200x8x32x8x128xf32, #tpu.memory_space<hbm>> -> memref<1x1x1x8x128xf32, #tpu.memory_space<hbm>>
        %dma_wait3A_674 = tpu.memref_squeeze %dma_wait3A_673 : memref<1x1x1x8x128xf32, #tpu.memory_space<hbm>> -> memref<8x128xf32, #tpu.memory_space<hbm>>
        %dma_wait3A_675 = arith.constant 40 : i32
        %dma_wait3A_676 = arith.constant 0 : i32
        %dma_wait3A_677 = tpu.memref_slice %arg9[%dma_wait3A_675, %dma_wait3A_676] : memref<64x128xf32, #tpu.memory_space<vmem>> -> memref<8x128xf32, #tpu.memory_space<vmem>>
        tpu.wait_dma2 semaphore(%arg13 : memref<!tpu.dma_semaphore, #tpu.memory_space<semaphore_mem>>) src(%dma_wait3A_677 : memref<8x128xf32, #tpu.memory_space<vmem>>) dst(%dma_wait3A_674 : memref<8x128xf32, #tpu.memory_space<hbm>>)
        %dma_wait3A_678 = arith.constant 6 : i32
        %dma_wait3A_679 = arith.constant 48 : i32
        %dma_wait3A_680 = arith.constant 0 : i32
        %dma_wait3A_681 = tpu.memref_slice %arg9[%dma_wait3A_679, %dma_wait3A_680] : memref<64x128xf32, #tpu.memory_space<vmem>> -> memref<8x128xf32, #tpu.memory_space<vmem>>
        %dma_wait3A_682 = arith.constant 0 : i32
        %dma_wait3A_683 = arith.constant 0 : i32
        %dma_wait3A_684 = tpu.memref_slice %arg4[%add3A_444, %dma_wait3A_678, %add3A, %dma_wait3A_682, %dma_wait3A_683] : memref<200x8x32x8x128xf32, #tpu.memory_space<hbm>> -> memref<1x1x1x8x128xf32, #tpu.memory_space<hbm>>
        %dma_wait3A_685 = tpu.memref_squeeze %dma_wait3A_684 : memref<1x1x1x8x128xf32, #tpu.memory_space<hbm>> -> memref<8x128xf32, #tpu.memory_space<hbm>>
        %dma_wait3A_686 = arith.constant 0 : i32
        %dma_wait3A_687 = arith.constant 0 : i32
        %dma_wait3A_688 = tpu.memref_slice %arg4[%add3A_444, %dma_wait3A_678, %add3A, %dma_wait3A_686, %dma_wait3A_687] : memref<200x8x32x8x128xf32, #tpu.memory_space<hbm>> -> memref<1x1x1x8x128xf32, #tpu.memory_space<hbm>>
        %dma_wait3A_689 = tpu.memref_squeeze %dma_wait3A_688 : memref<1x1x1x8x128xf32, #tpu.memory_space<hbm>> -> memref<8x128xf32, #tpu.memory_space<hbm>>
        %dma_wait3A_690 = arith.constant 48 : i32
        %dma_wait3A_691 = arith.constant 0 : i32
        %dma_wait3A_692 = tpu.memref_slice %arg9[%dma_wait3A_690, %dma_wait3A_691] : memref<64x128xf32, #tpu.memory_space<vmem>> -> memref<8x128xf32, #tpu.memory_space<vmem>>
        tpu.wait_dma2 semaphore(%arg13 : memref<!tpu.dma_semaphore, #tpu.memory_space<semaphore_mem>>) src(%dma_wait3A_692 : memref<8x128xf32, #tpu.memory_space<vmem>>) dst(%dma_wait3A_689 : memref<8x128xf32, #tpu.memory_space<hbm>>)
        %dma_wait3A_693 = arith.constant 7 : i32
        %dma_wait3A_694 = arith.constant 56 : i32
        %dma_wait3A_695 = arith.constant 0 : i32
        %dma_wait3A_696 = tpu.memref_slice %arg9[%dma_wait3A_694, %dma_wait3A_695] : memref<64x128xf32, #tpu.memory_space<vmem>> -> memref<8x128xf32, #tpu.memory_space<vmem>>
        %dma_wait3A_697 = arith.constant 0 : i32
        %dma_wait3A_698 = arith.constant 0 : i32
        %dma_wait3A_699 = tpu.memref_slice %arg4[%add3A_444, %dma_wait3A_693, %add3A, %dma_wait3A_697, %dma_wait3A_698] : memref<200x8x32x8x128xf32, #tpu.memory_space<hbm>> -> memref<1x1x1x8x128xf32, #tpu.memory_space<hbm>>
        %dma_wait3A_700 = tpu.memref_squeeze %dma_wait3A_699 : memref<1x1x1x8x128xf32, #tpu.memory_space<hbm>> -> memref<8x128xf32, #tpu.memory_space<hbm>>
        %dma_wait3A_701 = arith.constant 0 : i32
        %dma_wait3A_702 = arith.constant 0 : i32
        %dma_wait3A_703 = tpu.memref_slice %arg4[%add3A_444, %dma_wait3A_693, %add3A, %dma_wait3A_701, %dma_wait3A_702] : memref<200x8x32x8x128xf32, #tpu.memory_space<hbm>> -> memref<1x1x1x8x128xf32, #tpu.memory_space<hbm>>
        %dma_wait3A_704 = tpu.memref_squeeze %dma_wait3A_703 : memref<1x1x1x8x128xf32, #tpu.memory_space<hbm>> -> memref<8x128xf32, #tpu.memory_space<hbm>>
        %dma_wait3A_705 = arith.constant 56 : i32
        %dma_wait3A_706 = arith.constant 0 : i32
        %dma_wait3A_707 = tpu.memref_slice %arg9[%dma_wait3A_705, %dma_wait3A_706] : memref<64x128xf32, #tpu.memory_space<vmem>> -> memref<8x128xf32, #tpu.memory_space<vmem>>
        tpu.wait_dma2 semaphore(%arg13 : memref<!tpu.dma_semaphore, #tpu.memory_space<semaphore_mem>>) src(%dma_wait3A_707 : memref<8x128xf32, #tpu.memory_space<vmem>>) dst(%dma_wait3A_704 : memref<8x128xf32, #tpu.memory_space<hbm>>)
      } else {
      }
      %scan3A_456 = arith.constant 0 : i32
      %scan3A_457 = arith.constant 16 : i32
      %scan3A_458 = arith.addi %scan3A_456, %scan3A_457 : i32
      %scan3A_459 = arith.constant 1 : i32
      scf.for %scan3A_588 = %scan3A_456 to %scan3A_458 step %scan3A_459  : i32 {
        %mul3A_589 = arith.constant 1 : i32
        %mul3A_590 = arith.muli %scan3A_588, %mul3A_589 : i32
        %add3A_591 = arith.constant 0 : i32
        %add3A_592 = arith.addi %add3A_591, %mul3A_590 : i32
        %add3A_593 = vector.broadcast %add3A_592 : i32 to vector<16xi32>
        %add3A_594 = arith.addi %iota3A, %add3A_593 : vector<16xi32>
        %rem3A = arith.constant 16 : i32
        %rem3A_595 = vector.broadcast %rem3A : i32 to vector<16xi32>
        %rem3A_596 = arith.remsi %add3A_594, %rem3A_595 : vector<16xi32>
        %add3A_597 = arith.constant 0 : i32
        %add3A_598 = vector.broadcast %add3A_597 : i32 to vector<16xi32>
        %add3A_599 = arith.addi %rem3A_596, %add3A_598 : vector<16xi32>
        %gather3A = tpu.vector_load_idx %arg7[%add3A_3, %add3A_599] : memref<128x128xf32, #tpu.memory_space<vmem>>[vector<16xi32>, vector<16xi32>], vector<16xf32>,
        tpu.vector_store_idx %arg9[%add3A_599, %add3A_3], %gather3A : memref<64x128xf32, #tpu.memory_space<vmem>>[vector<16xi32>, vector<16xi32>], vector<16xf32>,
        %gather3A_600 = tpu.vector_load_idx %arg7[%add3A_6, %add3A_599] : memref<128x128xf32, #tpu.memory_space<vmem>>[vector<16xi32>, vector<16xi32>], vector<16xf32>,
        tpu.vector_store_idx %arg9[%add3A_599, %add3A_6], %gather3A_600 : memref<64x128xf32, #tpu.memory_space<vmem>>[vector<16xi32>, vector<16xi32>], vector<16xf32>,
        %gather3A_601 = tpu.vector_load_idx %arg7[%add3A_9, %add3A_599] : memref<128x128xf32, #tpu.memory_space<vmem>>[vector<16xi32>, vector<16xi32>], vector<16xf32>,
        tpu.vector_store_idx %arg9[%add3A_599, %add3A_9], %gather3A_601 : memref<64x128xf32, #tpu.memory_space<vmem>>[vector<16xi32>, vector<16xi32>], vector<16xf32>,
        %gather3A_602 = tpu.vector_load_idx %arg7[%add3A_12, %add3A_599] : memref<128x128xf32, #tpu.memory_space<vmem>>[vector<16xi32>, vector<16xi32>], vector<16xf32>,
        tpu.vector_store_idx %arg9[%add3A_599, %add3A_12], %gather3A_602 : memref<64x128xf32, #tpu.memory_space<vmem>>[vector<16xi32>, vector<16xi32>], vector<16xf32>,
        %gather3A_603 = tpu.vector_load_idx %arg7[%add3A_15, %add3A_599] : memref<128x128xf32, #tpu.memory_space<vmem>>[vector<16xi32>, vector<16xi32>], vector<16xf32>,
        tpu.vector_store_idx %arg9[%add3A_599, %add3A_15], %gather3A_603 : memref<64x128xf32, #tpu.memory_space<vmem>>[vector<16xi32>, vector<16xi32>], vector<16xf32>,
        %gather3A_604 = tpu.vector_load_idx %arg7[%add3A_18, %add3A_599] : memref<128x128xf32, #tpu.memory_space<vmem>>[vector<16xi32>, vector<16xi32>], vector<16xf32>,
        tpu.vector_store_idx %arg9[%add3A_599, %add3A_18], %gather3A_604 : memref<64x128xf32, #tpu.memory_space<vmem>>[vector<16xi32>, vector<16xi32>], vector<16xf32>,
        %gather3A_605 = tpu.vector_load_idx %arg7[%add3A_21, %add3A_599] : memref<128x128xf32, #tpu.memory_space<vmem>>[vector<16xi32>, vector<16xi32>], vector<16xf32>,
        tpu.vector_store_idx %arg9[%add3A_599, %add3A_21], %gather3A_605 : memref<64x128xf32, #tpu.memory_space<vmem>>[vector<16xi32>, vector<16xi32>], vector<16xf32>,
        %gather3A_606 = tpu.vector_load_idx %arg7[%add3A_24, %add3A_599] : memref<128x128xf32, #tpu.memory_space<vmem>>[vector<16xi32>, vector<16xi32>], vector<16xf32>,
        tpu.vector_store_idx %arg9[%add3A_599, %add3A_24], %gather3A_606 : memref<64x128xf32, #tpu.memory_space<vmem>>[vector<16xi32>, vector<16xi32>], vector<16xf32>,
        %add3A_607 = arith.constant 16 : i32
        %add3A_608 = vector.broadcast %add3A_607 : i32 to vector<16xi32>
        %add3A_609 = arith.addi %rem3A_596, %add3A_608 : vector<16xi32>
        %gather3A_610 = tpu.vector_load_idx %arg7[%add3A_3, %add3A_609] : memref<128x128xf32, #tpu.memory_space<vmem>>[vector<16xi32>, vector<16xi32>], vector<16xf32>,
        tpu.vector_store_idx %arg9[%add3A_609, %add3A_3], %gather3A_610 : memref<64x128xf32, #tpu.memory_space<vmem>>[vector<16xi32>, vector<16xi32>], vector<16xf32>,
        %gather3A_611 = tpu.vector_load_idx %arg7[%add3A_6, %add3A_609] : memref<128x128xf32, #tpu.memory_space<vmem>>[vector<16xi32>, vector<16xi32>], vector<16xf32>,
        tpu.vector_store_idx %arg9[%add3A_609, %add3A_6], %gather3A_611 : memref<64x128xf32, #tpu.memory_space<vmem>>[vector<16xi32>, vector<16xi32>], vector<16xf32>,
        %gather3A_612 = tpu.vector_load_idx %arg7[%add3A_9, %add3A_609] : memref<128x128xf32, #tpu.memory_space<vmem>>[vector<16xi32>, vector<16xi32>], vector<16xf32>,
        tpu.vector_store_idx %arg9[%add3A_609, %add3A_9], %gather3A_612 : memref<64x128xf32, #tpu.memory_space<vmem>>[vector<16xi32>, vector<16xi32>], vector<16xf32>,
        %gather3A_613 = tpu.vector_load_idx %arg7[%add3A_12, %add3A_609] : memref<128x128xf32, #tpu.memory_space<vmem>>[vector<16xi32>, vector<16xi32>], vector<16xf32>,
        tpu.vector_store_idx %arg9[%add3A_609, %add3A_12], %gather3A_613 : memref<64x128xf32, #tpu.memory_space<vmem>>[vector<16xi32>, vector<16xi32>], vector<16xf32>,
        %gather3A_614 = tpu.vector_load_idx %arg7[%add3A_15, %add3A_609] : memref<128x128xf32, #tpu.memory_space<vmem>>[vector<16xi32>, vector<16xi32>], vector<16xf32>,
        tpu.vector_store_idx %arg9[%add3A_609, %add3A_15], %gather3A_614 : memref<64x128xf32, #tpu.memory_space<vmem>>[vector<16xi32>, vector<16xi32>], vector<16xf32>,
        %gather3A_615 = tpu.vector_load_idx %arg7[%add3A_18, %add3A_609] : memref<128x128xf32, #tpu.memory_space<vmem>>[vector<16xi32>, vector<16xi32>], vector<16xf32>,
        tpu.vector_store_idx %arg9[%add3A_609, %add3A_18], %gather3A_615 : memref<64x128xf32, #tpu.memory_space<vmem>>[vector<16xi32>, vector<16xi32>], vector<16xf32>,
        %gather3A_616 = tpu.vector_load_idx %arg7[%add3A_21, %add3A_609] : memref<128x128xf32, #tpu.memory_space<vmem>>[vector<16xi32>, vector<16xi32>], vector<16xf32>,
        tpu.vector_store_idx %arg9[%add3A_609, %add3A_21], %gather3A_616 : memref<64x128xf32, #tpu.memory_space<vmem>>[vector<16xi32>, vector<16xi32>], vector<16xf32>,
        %gather3A_617 = tpu.vector_load_idx %arg7[%add3A_24, %add3A_609] : memref<128x128xf32, #tpu.memory_space<vmem>>[vector<16xi32>, vector<16xi32>], vector<16xf32>,
        tpu.vector_store_idx %arg9[%add3A_609, %add3A_24], %gather3A_617 : memref<64x128xf32, #tpu.memory_space<vmem>>[vector<16xi32>, vector<16xi32>], vector<16xf32>,
        %add3A_618 = arith.constant 32 : i32
        %add3A_619 = vector.broadcast %add3A_618 : i32 to vector<16xi32>
        %add3A_620 = arith.addi %rem3A_596, %add3A_619 : vector<16xi32>
        %gather3A_621 = tpu.vector_load_idx %arg7[%add3A_3, %add3A_620] : memref<128x128xf32, #tpu.memory_space<vmem>>[vector<16xi32>, vector<16xi32>], vector<16xf32>,
        tpu.vector_store_idx %arg9[%add3A_620, %add3A_3], %gather3A_621 : memref<64x128xf32, #tpu.memory_space<vmem>>[vector<16xi32>, vector<16xi32>], vector<16xf32>,
        %gather3A_622 = tpu.vector_load_idx %arg7[%add3A_6, %add3A_620] : memref<128x128xf32, #tpu.memory_space<vmem>>[vector<16xi32>, vector<16xi32>], vector<16xf32>,
        tpu.vector_store_idx %arg9[%add3A_620, %add3A_6], %gather3A_622 : memref<64x128xf32, #tpu.memory_space<vmem>>[vector<16xi32>, vector<16xi32>], vector<16xf32>,
        %gather3A_623 = tpu.vector_load_idx %arg7[%add3A_9, %add3A_620] : memref<128x128xf32, #tpu.memory_space<vmem>>[vector<16xi32>, vector<16xi32>], vector<16xf32>,
        tpu.vector_store_idx %arg9[%add3A_620, %add3A_9], %gather3A_623 : memref<64x128xf32, #tpu.memory_space<vmem>>[vector<16xi32>, vector<16xi32>], vector<16xf32>,
        %gather3A_624 = tpu.vector_load_idx %arg7[%add3A_12, %add3A_620] : memref<128x128xf32, #tpu.memory_space<vmem>>[vector<16xi32>, vector<16xi32>], vector<16xf32>,
        tpu.vector_store_idx %arg9[%add3A_620, %add3A_12], %gather3A_624 : memref<64x128xf32, #tpu.memory_space<vmem>>[vector<16xi32>, vector<16xi32>], vector<16xf32>,
        %gather3A_625 = tpu.vector_load_idx %arg7[%add3A_15, %add3A_620] : memref<128x128xf32, #tpu.memory_space<vmem>>[vector<16xi32>, vector<16xi32>], vector<16xf32>,
        tpu.vector_store_idx %arg9[%add3A_620, %add3A_15], %gather3A_625 : memref<64x128xf32, #tpu.memory_space<vmem>>[vector<16xi32>, vector<16xi32>], vector<16xf32>,
        %gather3A_626 = tpu.vector_load_idx %arg7[%add3A_18, %add3A_620] : memref<128x128xf32, #tpu.memory_space<vmem>>[vector<16xi32>, vector<16xi32>], vector<16xf32>,
        tpu.vector_store_idx %arg9[%add3A_620, %add3A_18], %gather3A_626 : memref<64x128xf32, #tpu.memory_space<vmem>>[vector<16xi32>, vector<16xi32>], vector<16xf32>,
        %gather3A_627 = tpu.vector_load_idx %arg7[%add3A_21, %add3A_620] : memref<128x128xf32, #tpu.memory_space<vmem>>[vector<16xi32>, vector<16xi32>], vector<16xf32>,
        tpu.vector_store_idx %arg9[%add3A_620, %add3A_21], %gather3A_627 : memref<64x128xf32, #tpu.memory_space<vmem>>[vector<16xi32>, vector<16xi32>], vector<16xf32>,
        %gather3A_628 = tpu.vector_load_idx %arg7[%add3A_24, %add3A_620] : memref<128x128xf32, #tpu.memory_space<vmem>>[vector<16xi32>, vector<16xi32>], vector<16xf32>,
        tpu.vector_store_idx %arg9[%add3A_620, %add3A_24], %gather3A_628 : memref<64x128xf32, #tpu.memory_space<vmem>>[vector<16xi32>, vector<16xi32>], vector<16xf32>,
        %add3A_629 = arith.constant 48 : i32
        %add3A_630 = vector.broadcast %add3A_629 : i32 to vector<16xi32>
        %add3A_631 = arith.addi %rem3A_596, %add3A_630 : vector<16xi32>
        %gather3A_632 = tpu.vector_load_idx %arg7[%add3A_3, %add3A_631] : memref<128x128xf32, #tpu.memory_space<vmem>>[vector<16xi32>, vector<16xi32>], vector<16xf32>,
        tpu.vector_store_idx %arg9[%add3A_631, %add3A_3], %gather3A_632 : memref<64x128xf32, #tpu.memory_space<vmem>>[vector<16xi32>, vector<16xi32>], vector<16xf32>,
        %gather3A_633 = tpu.vector_load_idx %arg7[%add3A_6, %add3A_631] : memref<128x128xf32, #tpu.memory_space<vmem>>[vector<16xi32>, vector<16xi32>], vector<16xf32>,
        tpu.vector_store_idx %arg9[%add3A_631, %add3A_6], %gather3A_633 : memref<64x128xf32, #tpu.memory_space<vmem>>[vector<16xi32>, vector<16xi32>], vector<16xf32>,
        %gather3A_634 = tpu.vector_load_idx %arg7[%add3A_9, %add3A_631] : memref<128x128xf32, #tpu.memory_space<vmem>>[vector<16xi32>, vector<16xi32>], vector<16xf32>,
        tpu.vector_store_idx %arg9[%add3A_631, %add3A_9], %gather3A_634 : memref<64x128xf32, #tpu.memory_space<vmem>>[vector<16xi32>, vector<16xi32>], vector<16xf32>,
        %gather3A_635 = tpu.vector_load_idx %arg7[%add3A_12, %add3A_631] : memref<128x128xf32, #tpu.memory_space<vmem>>[vector<16xi32>, vector<16xi32>], vector<16xf32>,
        tpu.vector_store_idx %arg9[%add3A_631, %add3A_12], %gather3A_635 : memref<64x128xf32, #tpu.memory_space<vmem>>[vector<16xi32>, vector<16xi32>], vector<16xf32>,
        %gather3A_636 = tpu.vector_load_idx %arg7[%add3A_15, %add3A_631] : memref<128x128xf32, #tpu.memory_space<vmem>>[vector<16xi32>, vector<16xi32>], vector<16xf32>,
        tpu.vector_store_idx %arg9[%add3A_631, %add3A_15], %gather3A_636 : memref<64x128xf32, #tpu.memory_space<vmem>>[vector<16xi32>, vector<16xi32>], vector<16xf32>,
        %gather3A_637 = tpu.vector_load_idx %arg7[%add3A_18, %add3A_631] : memref<128x128xf32, #tpu.memory_space<vmem>>[vector<16xi32>, vector<16xi32>], vector<16xf32>,
        tpu.vector_store_idx %arg9[%add3A_631, %add3A_18], %gather3A_637 : memref<64x128xf32, #tpu.memory_space<vmem>>[vector<16xi32>, vector<16xi32>], vector<16xf32>,
        %gather3A_638 = tpu.vector_load_idx %arg7[%add3A_21, %add3A_631] : memref<128x128xf32, #tpu.memory_space<vmem>>[vector<16xi32>, vector<16xi32>], vector<16xf32>,
        tpu.vector_store_idx %arg9[%add3A_631, %add3A_21], %gather3A_638 : memref<64x128xf32, #tpu.memory_space<vmem>>[vector<16xi32>, vector<16xi32>], vector<16xf32>,
        %gather3A_639 = tpu.vector_load_idx %arg7[%add3A_24, %add3A_631] : memref<128x128xf32, #tpu.memory_space<vmem>>[vector<16xi32>, vector<16xi32>], vector<16xf32>,
        tpu.vector_store_idx %arg9[%add3A_631, %add3A_24], %gather3A_639 : memref<64x128xf32, #tpu.memory_space<vmem>>[vector<16xi32>, vector<16xi32>], vector<16xf32>,
      }
      %scan3A_460 = arith.constant 16 : i32
      %dma_start3A_461 = arith.constant 0 : i32
      %dma_start3A_462 = arith.constant 0 : i32
      %dma_start3A_463 = arith.constant 0 : i32
      %dma_start3A_464 = tpu.memref_slice %arg9[%dma_start3A_462, %dma_start3A_463] : memref<64x128xf32, #tpu.memory_space<vmem>> -> memref<8x128xf32, #tpu.memory_space<vmem>>
      %dma_start3A_465 = arith.constant 0 : i32
      %dma_start3A_466 = arith.constant 0 : i32
      %dma_start3A_467 = tpu.memref_slice %arg4[%add3A_444, %dma_start3A_461, %add3A, %dma_start3A_465, %dma_start3A_466] : memref<200x8x32x8x128xf32, #tpu.memory_space<hbm>> -> memref<1x1x1x8x128xf32, #tpu.memory_space<hbm>>
      %dma_start3A_468 = tpu.memref_squeeze %dma_start3A_467 : memref<1x1x1x8x128xf32, #tpu.memory_space<hbm>> -> memref<8x128xf32, #tpu.memory_space<hbm>>
      %dma_start3A_469 = arith.constant 0 : i32
      %dma_start3A_470 = arith.constant 0 : i32
      %dma_start3A_471 = tpu.memref_slice %arg4[%add3A_444, %dma_start3A_461, %add3A, %dma_start3A_469, %dma_start3A_470] : memref<200x8x32x8x128xf32, #tpu.memory_space<hbm>> -> memref<1x1x1x8x128xf32, #tpu.memory_space<hbm>>
      %dma_start3A_472 = tpu.memref_squeeze %dma_start3A_471 : memref<1x1x1x8x128xf32, #tpu.memory_space<hbm>> -> memref<8x128xf32, #tpu.memory_space<hbm>>
      %dma_start3A_473 = arith.constant 0 : i32
      %dma_start3A_474 = arith.constant 0 : i32
      %dma_start3A_475 = tpu.memref_slice %arg9[%dma_start3A_473, %dma_start3A_474] : memref<64x128xf32, #tpu.memory_space<vmem>> -> memref<8x128xf32, #tpu.memory_space<vmem>>
      tpu.enqueue_dma source(%dma_start3A_475 : memref<8x128xf32, #tpu.memory_space<vmem>>) target(%dma_start3A_472 : memref<8x128xf32, #tpu.memory_space<hbm>>) target_semaphore(%arg13 : memref<!tpu.dma_semaphore, #tpu.memory_space<semaphore_mem>>)
      %dma_start3A_476 = arith.constant 1 : i32
      %dma_start3A_477 = arith.constant 8 : i32
      %dma_start3A_478 = arith.constant 0 : i32
      %dma_start3A_479 = tpu.memref_slice %arg9[%dma_start3A_477, %dma_start3A_478] : memref<64x128xf32, #tpu.memory_space<vmem>> -> memref<8x128xf32, #tpu.memory_space<vmem>>
      %dma_start3A_480 = arith.constant 0 : i32
      %dma_start3A_481 = arith.constant 0 : i32
      %dma_start3A_482 = tpu.memref_slice %arg4[%add3A_444, %dma_start3A_476, %add3A, %dma_start3A_480, %dma_start3A_481] : memref<200x8x32x8x128xf32, #tpu.memory_space<hbm>> -> memref<1x1x1x8x128xf32, #tpu.memory_space<hbm>>
      %dma_start3A_483 = tpu.memref_squeeze %dma_start3A_482 : memref<1x1x1x8x128xf32, #tpu.memory_space<hbm>> -> memref<8x128xf32, #tpu.memory_space<hbm>>
      %dma_start3A_484 = arith.constant 0 : i32
      %dma_start3A_485 = arith.constant 0 : i32
      %dma_start3A_486 = tpu.memref_slice %arg4[%add3A_444, %dma_start3A_476, %add3A, %dma_start3A_484, %dma_start3A_485] : memref<200x8x32x8x128xf32, #tpu.memory_space<hbm>> -> memref<1x1x1x8x128xf32, #tpu.memory_space<hbm>>
      %dma_start3A_487 = tpu.memref_squeeze %dma_start3A_486 : memref<1x1x1x8x128xf32, #tpu.memory_space<hbm>> -> memref<8x128xf32, #tpu.memory_space<hbm>>
      %dma_start3A_488 = arith.constant 8 : i32
      %dma_start3A_489 = arith.constant 0 : i32
      %dma_start3A_490 = tpu.memref_slice %arg9[%dma_start3A_488, %dma_start3A_489] : memref<64x128xf32, #tpu.memory_space<vmem>> -> memref<8x128xf32, #tpu.memory_space<vmem>>
      tpu.enqueue_dma source(%dma_start3A_490 : memref<8x128xf32, #tpu.memory_space<vmem>>) target(%dma_start3A_487 : memref<8x128xf32, #tpu.memory_space<hbm>>) target_semaphore(%arg13 : memref<!tpu.dma_semaphore, #tpu.memory_space<semaphore_mem>>)
      %dma_start3A_491 = arith.constant 2 : i32
      %dma_start3A_492 = arith.constant 16 : i32
      %dma_start3A_493 = arith.constant 0 : i32
      %dma_start3A_494 = tpu.memref_slice %arg9[%dma_start3A_492, %dma_start3A_493] : memref<64x128xf32, #tpu.memory_space<vmem>> -> memref<8x128xf32, #tpu.memory_space<vmem>>
      %dma_start3A_495 = arith.constant 0 : i32
      %dma_start3A_496 = arith.constant 0 : i32
      %dma_start3A_497 = tpu.memref_slice %arg4[%add3A_444, %dma_start3A_491, %add3A, %dma_start3A_495, %dma_start3A_496] : memref<200x8x32x8x128xf32, #tpu.memory_space<hbm>> -> memref<1x1x1x8x128xf32, #tpu.memory_space<hbm>>
      %dma_start3A_498 = tpu.memref_squeeze %dma_start3A_497 : memref<1x1x1x8x128xf32, #tpu.memory_space<hbm>> -> memref<8x128xf32, #tpu.memory_space<hbm>>
      %dma_start3A_499 = arith.constant 0 : i32
      %dma_start3A_500 = arith.constant 0 : i32
      %dma_start3A_501 = tpu.memref_slice %arg4[%add3A_444, %dma_start3A_491, %add3A, %dma_start3A_499, %dma_start3A_500] : memref<200x8x32x8x128xf32, #tpu.memory_space<hbm>> -> memref<1x1x1x8x128xf32, #tpu.memory_space<hbm>>
      %dma_start3A_502 = tpu.memref_squeeze %dma_start3A_501 : memref<1x1x1x8x128xf32, #tpu.memory_space<hbm>> -> memref<8x128xf32, #tpu.memory_space<hbm>>
      %dma_start3A_503 = arith.constant 16 : i32
      %dma_start3A_504 = arith.constant 0 : i32
      %dma_start3A_505 = tpu.memref_slice %arg9[%dma_start3A_503, %dma_start3A_504] : memref<64x128xf32, #tpu.memory_space<vmem>> -> memref<8x128xf32, #tpu.memory_space<vmem>>
      tpu.enqueue_dma source(%dma_start3A_505 : memref<8x128xf32, #tpu.memory_space<vmem>>) target(%dma_start3A_502 : memref<8x128xf32, #tpu.memory_space<hbm>>) target_semaphore(%arg13 : memref<!tpu.dma_semaphore, #tpu.memory_space<semaphore_mem>>)
      %dma_start3A_506 = arith.constant 3 : i32
      %dma_start3A_507 = arith.constant 24 : i32
      %dma_start3A_508 = arith.constant 0 : i32
      %dma_start3A_509 = tpu.memref_slice %arg9[%dma_start3A_507, %dma_start3A_508] : memref<64x128xf32, #tpu.memory_space<vmem>> -> memref<8x128xf32, #tpu.memory_space<vmem>>
      %dma_start3A_510 = arith.constant 0 : i32
      %dma_start3A_511 = arith.constant 0 : i32
      %dma_start3A_512 = tpu.memref_slice %arg4[%add3A_444, %dma_start3A_506, %add3A, %dma_start3A_510, %dma_start3A_511] : memref<200x8x32x8x128xf32, #tpu.memory_space<hbm>> -> memref<1x1x1x8x128xf32, #tpu.memory_space<hbm>>
      %dma_start3A_513 = tpu.memref_squeeze %dma_start3A_512 : memref<1x1x1x8x128xf32, #tpu.memory_space<hbm>> -> memref<8x128xf32, #tpu.memory_space<hbm>>
      %dma_start3A_514 = arith.constant 0 : i32
      %dma_start3A_515 = arith.constant 0 : i32
      %dma_start3A_516 = tpu.memref_slice %arg4[%add3A_444, %dma_start3A_506, %add3A, %dma_start3A_514, %dma_start3A_515] : memref<200x8x32x8x128xf32, #tpu.memory_space<hbm>> -> memref<1x1x1x8x128xf32, #tpu.memory_space<hbm>>
      %dma_start3A_517 = tpu.memref_squeeze %dma_start3A_516 : memref<1x1x1x8x128xf32, #tpu.memory_space<hbm>> -> memref<8x128xf32, #tpu.memory_space<hbm>>
      %dma_start3A_518 = arith.constant 24 : i32
      %dma_start3A_519 = arith.constant 0 : i32
      %dma_start3A_520 = tpu.memref_slice %arg9[%dma_start3A_518, %dma_start3A_519] : memref<64x128xf32, #tpu.memory_space<vmem>> -> memref<8x128xf32, #tpu.memory_space<vmem>>
      tpu.enqueue_dma source(%dma_start3A_520 : memref<8x128xf32, #tpu.memory_space<vmem>>) target(%dma_start3A_517 : memref<8x128xf32, #tpu.memory_space<hbm>>) target_semaphore(%arg13 : memref<!tpu.dma_semaphore, #tpu.memory_space<semaphore_mem>>)
      %dma_start3A_521 = arith.constant 4 : i32
      %dma_start3A_522 = arith.constant 32 : i32
      %dma_start3A_523 = arith.constant 0 : i32
      %dma_start3A_524 = tpu.memref_slice %arg9[%dma_start3A_522, %dma_start3A_523] : memref<64x128xf32, #tpu.memory_space<vmem>> -> memref<8x128xf32, #tpu.memory_space<vmem>>
      %dma_start3A_525 = arith.constant 0 : i32
      %dma_start3A_526 = arith.constant 0 : i32
      %dma_start3A_527 = tpu.memref_slice %arg4[%add3A_444, %dma_start3A_521, %add3A, %dma_start3A_525, %dma_start3A_526] : memref<200x8x32x8x128xf32, #tpu.memory_space<hbm>> -> memref<1x1x1x8x128xf32, #tpu.memory_space<hbm>>
      %dma_start3A_528 = tpu.memref_squeeze %dma_start3A_527 : memref<1x1x1x8x128xf32, #tpu.memory_space<hbm>> -> memref<8x128xf32, #tpu.memory_space<hbm>>
      %dma_start3A_529 = arith.constant 0 : i32
      %dma_start3A_530 = arith.constant 0 : i32
      %dma_start3A_531 = tpu.memref_slice %arg4[%add3A_444, %dma_start3A_521, %add3A, %dma_start3A_529, %dma_start3A_530] : memref<200x8x32x8x128xf32, #tpu.memory_space<hbm>> -> memref<1x1x1x8x128xf32, #tpu.memory_space<hbm>>
      %dma_start3A_532 = tpu.memref_squeeze %dma_start3A_531 : memref<1x1x1x8x128xf32, #tpu.memory_space<hbm>> -> memref<8x128xf32, #tpu.memory_space<hbm>>
      %dma_start3A_533 = arith.constant 32 : i32
      %dma_start3A_534 = arith.constant 0 : i32
      %dma_start3A_535 = tpu.memref_slice %arg9[%dma_start3A_533, %dma_start3A_534] : memref<64x128xf32, #tpu.memory_space<vmem>> -> memref<8x128xf32, #tpu.memory_space<vmem>>
      tpu.enqueue_dma source(%dma_start3A_535 : memref<8x128xf32, #tpu.memory_space<vmem>>) target(%dma_start3A_532 : memref<8x128xf32, #tpu.memory_space<hbm>>) target_semaphore(%arg13 : memref<!tpu.dma_semaphore, #tpu.memory_space<semaphore_mem>>)
      %dma_start3A_536 = arith.constant 5 : i32
      %dma_start3A_537 = arith.constant 40 : i32
      %dma_start3A_538 = arith.constant 0 : i32
      %dma_start3A_539 = tpu.memref_slice %arg9[%dma_start3A_537, %dma_start3A_538] : memref<64x128xf32, #tpu.memory_space<vmem>> -> memref<8x128xf32, #tpu.memory_space<vmem>>
      %dma_start3A_540 = arith.constant 0 : i32
      %dma_start3A_541 = arith.constant 0 : i32
      %dma_start3A_542 = tpu.memref_slice %arg4[%add3A_444, %dma_start3A_536, %add3A, %dma_start3A_540, %dma_start3A_541] : memref<200x8x32x8x128xf32, #tpu.memory_space<hbm>> -> memref<1x1x1x8x128xf32, #tpu.memory_space<hbm>>
      %dma_start3A_543 = tpu.memref_squeeze %dma_start3A_542 : memref<1x1x1x8x128xf32, #tpu.memory_space<hbm>> -> memref<8x128xf32, #tpu.memory_space<hbm>>
      %dma_start3A_544 = arith.constant 0 : i32
      %dma_start3A_545 = arith.constant 0 : i32
      %dma_start3A_546 = tpu.memref_slice %arg4[%add3A_444, %dma_start3A_536, %add3A, %dma_start3A_544, %dma_start3A_545] : memref<200x8x32x8x128xf32, #tpu.memory_space<hbm>> -> memref<1x1x1x8x128xf32, #tpu.memory_space<hbm>>
      %dma_start3A_547 = tpu.memref_squeeze %dma_start3A_546 : memref<1x1x1x8x128xf32, #tpu.memory_space<hbm>> -> memref<8x128xf32, #tpu.memory_space<hbm>>
      %dma_start3A_548 = arith.constant 40 : i32
      %dma_start3A_549 = arith.constant 0 : i32
      %dma_start3A_550 = tpu.memref_slice %arg9[%dma_start3A_548, %dma_start3A_549] : memref<64x128xf32, #tpu.memory_space<vmem>> -> memref<8x128xf32, #tpu.memory_space<vmem>>
      tpu.enqueue_dma source(%dma_start3A_550 : memref<8x128xf32, #tpu.memory_space<vmem>>) target(%dma_start3A_547 : memref<8x128xf32, #tpu.memory_space<hbm>>) target_semaphore(%arg13 : memref<!tpu.dma_semaphore, #tpu.memory_space<semaphore_mem>>)
      %dma_start3A_551 = arith.constant 6 : i32
      %dma_start3A_552 = arith.constant 48 : i32
      %dma_start3A_553 = arith.constant 0 : i32
      %dma_start3A_554 = tpu.memref_slice %arg9[%dma_start3A_552, %dma_start3A_553] : memref<64x128xf32, #tpu.memory_space<vmem>> -> memref<8x128xf32, #tpu.memory_space<vmem>>
      %dma_start3A_555 = arith.constant 0 : i32
      %dma_start3A_556 = arith.constant 0 : i32
      %dma_start3A_557 = tpu.memref_slice %arg4[%add3A_444, %dma_start3A_551, %add3A, %dma_start3A_555, %dma_start3A_556] : memref<200x8x32x8x128xf32, #tpu.memory_space<hbm>> -> memref<1x1x1x8x128xf32, #tpu.memory_space<hbm>>
      %dma_start3A_558 = tpu.memref_squeeze %dma_start3A_557 : memref<1x1x1x8x128xf32, #tpu.memory_space<hbm>> -> memref<8x128xf32, #tpu.memory_space<hbm>>
      %dma_start3A_559 = arith.constant 0 : i32
      %dma_start3A_560 = arith.constant 0 : i32
      %dma_start3A_561 = tpu.memref_slice %arg4[%add3A_444, %dma_start3A_551, %add3A, %dma_start3A_559, %dma_start3A_560] : memref<200x8x32x8x128xf32, #tpu.memory_space<hbm>> -> memref<1x1x1x8x128xf32, #tpu.memory_space<hbm>>
      %dma_start3A_562 = tpu.memref_squeeze %dma_start3A_561 : memref<1x1x1x8x128xf32, #tpu.memory_space<hbm>> -> memref<8x128xf32, #tpu.memory_space<hbm>>
      %dma_start3A_563 = arith.constant 48 : i32
      %dma_start3A_564 = arith.constant 0 : i32
      %dma_start3A_565 = tpu.memref_slice %arg9[%dma_start3A_563, %dma_start3A_564] : memref<64x128xf32, #tpu.memory_space<vmem>> -> memref<8x128xf32, #tpu.memory_space<vmem>>
      tpu.enqueue_dma source(%dma_start3A_565 : memref<8x128xf32, #tpu.memory_space<vmem>>) target(%dma_start3A_562 : memref<8x128xf32, #tpu.memory_space<hbm>>) target_semaphore(%arg13 : memref<!tpu.dma_semaphore, #tpu.memory_space<semaphore_mem>>)
      %dma_start3A_566 = arith.constant 7 : i32
      %dma_start3A_567 = arith.constant 56 : i32
      %dma_start3A_568 = arith.constant 0 : i32
      %dma_start3A_569 = tpu.memref_slice %arg9[%dma_start3A_567, %dma_start3A_568] : memref<64x128xf32, #tpu.memory_space<vmem>> -> memref<8x128xf32, #tpu.memory_space<vmem>>
      %dma_start3A_570 = arith.constant 0 : i32
      %dma_start3A_571 = arith.constant 0 : i32
      %dma_start3A_572 = tpu.memref_slice %arg4[%add3A_444, %dma_start3A_566, %add3A, %dma_start3A_570, %dma_start3A_571] : memref<200x8x32x8x128xf32, #tpu.memory_space<hbm>> -> memref<1x1x1x8x128xf32, #tpu.memory_space<hbm>>
      %dma_start3A_573 = tpu.memref_squeeze %dma_start3A_572 : memref<1x1x1x8x128xf32, #tpu.memory_space<hbm>> -> memref<8x128xf32, #tpu.memory_space<hbm>>
      %dma_start3A_574 = arith.constant 0 : i32
      %dma_start3A_575 = arith.constant 0 : i32
      %dma_start3A_576 = tpu.memref_slice %arg4[%add3A_444, %dma_start3A_566, %add3A, %dma_start3A_574, %dma_start3A_575] : memref<200x8x32x8x128xf32, #tpu.memory_space<hbm>> -> memref<1x1x1x8x128xf32, #tpu.memory_space<hbm>>
      %dma_start3A_577 = tpu.memref_squeeze %dma_start3A_576 : memref<1x1x1x8x128xf32, #tpu.memory_space<hbm>> -> memref<8x128xf32, #tpu.memory_space<hbm>>
      %dma_start3A_578 = arith.constant 56 : i32
      %dma_start3A_579 = arith.constant 0 : i32
      %dma_start3A_580 = tpu.memref_slice %arg9[%dma_start3A_578, %dma_start3A_579] : memref<64x128xf32, #tpu.memory_space<vmem>> -> memref<8x128xf32, #tpu.memory_space<vmem>>
      tpu.enqueue_dma source(%dma_start3A_580 : memref<8x128xf32, #tpu.memory_space<vmem>>) target(%dma_start3A_577 : memref<8x128xf32, #tpu.memory_space<hbm>>) target_semaphore(%arg13 : memref<!tpu.dma_semaphore, #tpu.memory_space<semaphore_mem>>)
      %add3A_581 = arith.constant 2 : i32
      %add3A_582 = arith.addi %add3A_444, %add3A_581 : i32
      %lt3A_583 = arith.constant 200 : i32
      %lt3A_584 = arith.cmpi slt, %add3A_582, %lt3A_583 : i32
      %convert_element_type3A_585 = arith.extui %lt3A_584 : i1 to i32
      %cond3A_586 = arith.constant 0 : i32
      %cond3A_587 = arith.cmpi ne, %convert_element_type3A_585, %cond3A_586 : i32
      scf.if %cond3A_587 {
        %add3A_588 = arith.constant 2 : i32
        %add3A_589 = arith.addi %add3A_444, %add3A_588 : i32
        %dma_start3A_590 = arith.constant 0 : i32
        %dma_start3A_591 = tpu.memref_slice %arg5[%add3A_589, %dma_start3A_590] : memref<200x128xi32, #tpu.memory_space<vmem>> -> memref<1x128xi32, #tpu.memory_space<vmem>>
        %dma_start3A_592 = tpu.memref_squeeze %dma_start3A_591 : memref<1x128xi32, #tpu.memory_space<vmem>> -> memref<128xi32, #tpu.memory_space<vmem>>
        %dma_start3A_593 = arith.constant 0 : i32
        %dma_start3A_594 = arith.constant 0 : i32
        %dma_start3A_595 = tpu.memref_slice %arg2[%dma_start3A_593, %dma_start3A_594] : memref<1000000x128xf32, #tpu.memory_space<hbm>> -> memref<1000000x128xf32, #tpu.memory_space<hbm>>
        tpu.enqueue_indirect_dma source(%dma_start3A_595 : memref<1000000x128xf32, #tpu.memory_space<hbm>>) target(%arg7 : memref<128x128xf32, #tpu.memory_space<vmem>>) offsets(%dma_start3A_592 : memref<128xi32, #tpu.memory_space<vmem>>) semaphore(%arg11 : memref<!tpu.dma_semaphore, #tpu.memory_space<semaphore_mem>>)
      } else {
      }
    }
    %scan3A_41 = arith.constant 100 : i32
    %dma_wait3A = arith.constant 198 : i32
    %dma_wait3A_42 = arith.constant 0 : i32
    %dma_wait3A_43 = arith.constant 0 : i32
    %dma_wait3A_44 = arith.constant 0 : i32
    %dma_wait3A_45 = tpu.memref_slice %arg8[%dma_wait3A_43, %dma_wait3A_44] : memref<64x128xf32, #tpu.memory_space<vmem>> -> memref<8x128xf32, #tpu.memory_space<vmem>>
    %dma_wait3A_46 = arith.constant 0 : i32
    %dma_wait3A_47 = arith.constant 0 : i32
    %dma_wait3A_48 = tpu.memref_slice %arg4[%dma_wait3A, %dma_wait3A_42, %add3A, %dma_wait3A_46, %dma_wait3A_47] : memref<200x8x32x8x128xf32, #tpu.memory_space<hbm>> -> memref<1x1x1x8x128xf32, #tpu.memory_space<hbm>>
    %dma_wait3A_49 = tpu.memref_squeeze %dma_wait3A_48 : memref<1x1x1x8x128xf32, #tpu.memory_space<hbm>> -> memref<8x128xf32, #tpu.memory_space<hbm>>
    %dma_wait3A_50 = arith.constant 0 : i32
    %dma_wait3A_51 = arith.constant 0 : i32
    %dma_wait3A_52 = tpu.memref_slice %arg4[%dma_wait3A, %dma_wait3A_42, %add3A, %dma_wait3A_50, %dma_wait3A_51] : memref<200x8x32x8x128xf32, #tpu.memory_space<hbm>> -> memref<1x1x1x8x128xf32, #tpu.memory_space<hbm>>
    %dma_wait3A_53 = tpu.memref_squeeze %dma_wait3A_52 : memref<1x1x1x8x128xf32, #tpu.memory_space<hbm>> -> memref<8x128xf32, #tpu.memory_space<hbm>>
    %dma_wait3A_54 = arith.constant 0 : i32
    %dma_wait3A_55 = arith.constant 0 : i32
    %dma_wait3A_56 = tpu.memref_slice %arg8[%dma_wait3A_54, %dma_wait3A_55] : memref<64x128xf32, #tpu.memory_space<vmem>> -> memref<8x128xf32, #tpu.memory_space<vmem>>
    tpu.wait_dma2 semaphore(%arg12 : memref<!tpu.dma_semaphore, #tpu.memory_space<semaphore_mem>>) src(%dma_wait3A_56 : memref<8x128xf32, #tpu.memory_space<vmem>>) dst(%dma_wait3A_53 : memref<8x128xf32, #tpu.memory_space<hbm>>)
    %dma_wait3A_57 = arith.constant 198 : i32
    %dma_wait3A_58 = arith.constant 1 : i32
    %dma_wait3A_59 = arith.constant 8 : i32
    %dma_wait3A_60 = arith.constant 0 : i32
    %dma_wait3A_61 = tpu.memref_slice %arg8[%dma_wait3A_59, %dma_wait3A_60] : memref<64x128xf32, #tpu.memory_space<vmem>> -> memref<8x128xf32, #tpu.memory_space<vmem>>
    %dma_wait3A_62 = arith.constant 0 : i32
    %dma_wait3A_63 = arith.constant 0 : i32
    %dma_wait3A_64 = tpu.memref_slice %arg4[%dma_wait3A_57, %dma_wait3A_58, %add3A, %dma_wait3A_62, %dma_wait3A_63] : memref<200x8x32x8x128xf32, #tpu.memory_space<hbm>> -> memref<1x1x1x8x128xf32, #tpu.memory_space<hbm>>
    %dma_wait3A_65 = tpu.memref_squeeze %dma_wait3A_64 : memref<1x1x1x8x128xf32, #tpu.memory_space<hbm>> -> memref<8x128xf32, #tpu.memory_space<hbm>>
    %dma_wait3A_66 = arith.constant 0 : i32
    %dma_wait3A_67 = arith.constant 0 : i32
    %dma_wait3A_68 = tpu.memref_slice %arg4[%dma_wait3A_57, %dma_wait3A_58, %add3A, %dma_wait3A_66, %dma_wait3A_67] : memref<200x8x32x8x128xf32, #tpu.memory_space<hbm>> -> memref<1x1x1x8x128xf32, #tpu.memory_space<hbm>>
    %dma_wait3A_69 = tpu.memref_squeeze %dma_wait3A_68 : memref<1x1x1x8x128xf32, #tpu.memory_space<hbm>> -> memref<8x128xf32, #tpu.memory_space<hbm>>
    %dma_wait3A_70 = arith.constant 8 : i32
    %dma_wait3A_71 = arith.constant 0 : i32
    %dma_wait3A_72 = tpu.memref_slice %arg8[%dma_wait3A_70, %dma_wait3A_71] : memref<64x128xf32, #tpu.memory_space<vmem>> -> memref<8x128xf32, #tpu.memory_space<vmem>>
    tpu.wait_dma2 semaphore(%arg12 : memref<!tpu.dma_semaphore, #tpu.memory_space<semaphore_mem>>) src(%dma_wait3A_72 : memref<8x128xf32, #tpu.memory_space<vmem>>) dst(%dma_wait3A_69 : memref<8x128xf32, #tpu.memory_space<hbm>>)
    %dma_wait3A_73 = arith.constant 198 : i32
    %dma_wait3A_74 = arith.constant 2 : i32
    %dma_wait3A_75 = arith.constant 16 : i32
    %dma_wait3A_76 = arith.constant 0 : i32
    %dma_wait3A_77 = tpu.memref_slice %arg8[%dma_wait3A_75, %dma_wait3A_76] : memref<64x128xf32, #tpu.memory_space<vmem>> -> memref<8x128xf32, #tpu.memory_space<vmem>>
    %dma_wait3A_78 = arith.constant 0 : i32
    %dma_wait3A_79 = arith.constant 0 : i32
    %dma_wait3A_80 = tpu.memref_slice %arg4[%dma_wait3A_73, %dma_wait3A_74, %add3A, %dma_wait3A_78, %dma_wait3A_79] : memref<200x8x32x8x128xf32, #tpu.memory_space<hbm>> -> memref<1x1x1x8x128xf32, #tpu.memory_space<hbm>>
    %dma_wait3A_81 = tpu.memref_squeeze %dma_wait3A_80 : memref<1x1x1x8x128xf32, #tpu.memory_space<hbm>> -> memref<8x128xf32, #tpu.memory_space<hbm>>
    %dma_wait3A_82 = arith.constant 0 : i32
    %dma_wait3A_83 = arith.constant 0 : i32
    %dma_wait3A_84 = tpu.memref_slice %arg4[%dma_wait3A_73, %dma_wait3A_74, %add3A, %dma_wait3A_82, %dma_wait3A_83] : memref<200x8x32x8x128xf32, #tpu.memory_space<hbm>> -> memref<1x1x1x8x128xf32, #tpu.memory_space<hbm>>
    %dma_wait3A_85 = tpu.memref_squeeze %dma_wait3A_84 : memref<1x1x1x8x128xf32, #tpu.memory_space<hbm>> -> memref<8x128xf32, #tpu.memory_space<hbm>>
    %dma_wait3A_86 = arith.constant 16 : i32
    %dma_wait3A_87 = arith.constant 0 : i32
    %dma_wait3A_88 = tpu.memref_slice %arg8[%dma_wait3A_86, %dma_wait3A_87] : memref<64x128xf32, #tpu.memory_space<vmem>> -> memref<8x128xf32, #tpu.memory_space<vmem>>
    tpu.wait_dma2 semaphore(%arg12 : memref<!tpu.dma_semaphore, #tpu.memory_space<semaphore_mem>>) src(%dma_wait3A_88 : memref<8x128xf32, #tpu.memory_space<vmem>>) dst(%dma_wait3A_85 : memref<8x128xf32, #tpu.memory_space<hbm>>)
    %dma_wait3A_89 = arith.constant 198 : i32
    %dma_wait3A_90 = arith.constant 3 : i32
    %dma_wait3A_91 = arith.constant 24 : i32
    %dma_wait3A_92 = arith.constant 0 : i32
    %dma_wait3A_93 = tpu.memref_slice %arg8[%dma_wait3A_91, %dma_wait3A_92] : memref<64x128xf32, #tpu.memory_space<vmem>> -> memref<8x128xf32, #tpu.memory_space<vmem>>
    %dma_wait3A_94 = arith.constant 0 : i32
    %dma_wait3A_95 = arith.constant 0 : i32
    %dma_wait3A_96 = tpu.memref_slice %arg4[%dma_wait3A_89, %dma_wait3A_90, %add3A, %dma_wait3A_94, %dma_wait3A_95] : memref<200x8x32x8x128xf32, #tpu.memory_space<hbm>> -> memref<1x1x1x8x128xf32, #tpu.memory_space<hbm>>
    %dma_wait3A_97 = tpu.memref_squeeze %dma_wait3A_96 : memref<1x1x1x8x128xf32, #tpu.memory_space<hbm>> -> memref<8x128xf32, #tpu.memory_space<hbm>>
    %dma_wait3A_98 = arith.constant 0 : i32
    %dma_wait3A_99 = arith.constant 0 : i32
    %dma_wait3A_100 = tpu.memref_slice %arg4[%dma_wait3A_89, %dma_wait3A_90, %add3A, %dma_wait3A_98, %dma_wait3A_99] : memref<200x8x32x8x128xf32, #tpu.memory_space<hbm>> -> memref<1x1x1x8x128xf32, #tpu.memory_space<hbm>>
    %dma_wait3A_101 = tpu.memref_squeeze %dma_wait3A_100 : memref<1x1x1x8x128xf32, #tpu.memory_space<hbm>> -> memref<8x128xf32, #tpu.memory_space<hbm>>
    %dma_wait3A_102 = arith.constant 24 : i32
    %dma_wait3A_103 = arith.constant 0 : i32
    %dma_wait3A_104 = tpu.memref_slice %arg8[%dma_wait3A_102, %dma_wait3A_103] : memref<64x128xf32, #tpu.memory_space<vmem>> -> memref<8x128xf32, #tpu.memory_space<vmem>>
    tpu.wait_dma2 semaphore(%arg12 : memref<!tpu.dma_semaphore, #tpu.memory_space<semaphore_mem>>) src(%dma_wait3A_104 : memref<8x128xf32, #tpu.memory_space<vmem>>) dst(%dma_wait3A_101 : memref<8x128xf32, #tpu.memory_space<hbm>>)
    %dma_wait3A_105 = arith.constant 198 : i32
    %dma_wait3A_106 = arith.constant 4 : i32
    %dma_wait3A_107 = arith.constant 32 : i32
    %dma_wait3A_108 = arith.constant 0 : i32
    %dma_wait3A_109 = tpu.memref_slice %arg8[%dma_wait3A_107, %dma_wait3A_108] : memref<64x128xf32, #tpu.memory_space<vmem>> -> memref<8x128xf32, #tpu.memory_space<vmem>>
    %dma_wait3A_110 = arith.constant 0 : i32
    %dma_wait3A_111 = arith.constant 0 : i32
    %dma_wait3A_112 = tpu.memref_slice %arg4[%dma_wait3A_105, %dma_wait3A_106, %add3A, %dma_wait3A_110, %dma_wait3A_111] : memref<200x8x32x8x128xf32, #tpu.memory_space<hbm>> -> memref<1x1x1x8x128xf32, #tpu.memory_space<hbm>>
    %dma_wait3A_113 = tpu.memref_squeeze %dma_wait3A_112 : memref<1x1x1x8x128xf32, #tpu.memory_space<hbm>> -> memref<8x128xf32, #tpu.memory_space<hbm>>
    %dma_wait3A_114 = arith.constant 0 : i32
    %dma_wait3A_115 = arith.constant 0 : i32
    %dma_wait3A_116 = tpu.memref_slice %arg4[%dma_wait3A_105, %dma_wait3A_106, %add3A, %dma_wait3A_114, %dma_wait3A_115] : memref<200x8x32x8x128xf32, #tpu.memory_space<hbm>> -> memref<1x1x1x8x128xf32, #tpu.memory_space<hbm>>
    %dma_wait3A_117 = tpu.memref_squeeze %dma_wait3A_116 : memref<1x1x1x8x128xf32, #tpu.memory_space<hbm>> -> memref<8x128xf32, #tpu.memory_space<hbm>>
    %dma_wait3A_118 = arith.constant 32 : i32
    %dma_wait3A_119 = arith.constant 0 : i32
    %dma_wait3A_120 = tpu.memref_slice %arg8[%dma_wait3A_118, %dma_wait3A_119] : memref<64x128xf32, #tpu.memory_space<vmem>> -> memref<8x128xf32, #tpu.memory_space<vmem>>
    tpu.wait_dma2 semaphore(%arg12 : memref<!tpu.dma_semaphore, #tpu.memory_space<semaphore_mem>>) src(%dma_wait3A_120 : memref<8x128xf32, #tpu.memory_space<vmem>>) dst(%dma_wait3A_117 : memref<8x128xf32, #tpu.memory_space<hbm>>)
    %dma_wait3A_121 = arith.constant 198 : i32
    %dma_wait3A_122 = arith.constant 5 : i32
    %dma_wait3A_123 = arith.constant 40 : i32
    %dma_wait3A_124 = arith.constant 0 : i32
    %dma_wait3A_125 = tpu.memref_slice %arg8[%dma_wait3A_123, %dma_wait3A_124] : memref<64x128xf32, #tpu.memory_space<vmem>> -> memref<8x128xf32, #tpu.memory_space<vmem>>
    %dma_wait3A_126 = arith.constant 0 : i32
    %dma_wait3A_127 = arith.constant 0 : i32
    %dma_wait3A_128 = tpu.memref_slice %arg4[%dma_wait3A_121, %dma_wait3A_122, %add3A, %dma_wait3A_126, %dma_wait3A_127] : memref<200x8x32x8x128xf32, #tpu.memory_space<hbm>> -> memref<1x1x1x8x128xf32, #tpu.memory_space<hbm>>
    %dma_wait3A_129 = tpu.memref_squeeze %dma_wait3A_128 : memref<1x1x1x8x128xf32, #tpu.memory_space<hbm>> -> memref<8x128xf32, #tpu.memory_space<hbm>>
    %dma_wait3A_130 = arith.constant 0 : i32
    %dma_wait3A_131 = arith.constant 0 : i32
    %dma_wait3A_132 = tpu.memref_slice %arg4[%dma_wait3A_121, %dma_wait3A_122, %add3A, %dma_wait3A_130, %dma_wait3A_131] : memref<200x8x32x8x128xf32, #tpu.memory_space<hbm>> -> memref<1x1x1x8x128xf32, #tpu.memory_space<hbm>>
    %dma_wait3A_133 = tpu.memref_squeeze %dma_wait3A_132 : memref<1x1x1x8x128xf32, #tpu.memory_space<hbm>> -> memref<8x128xf32, #tpu.memory_space<hbm>>
    %dma_wait3A_134 = arith.constant 40 : i32
    %dma_wait3A_135 = arith.constant 0 : i32
    %dma_wait3A_136 = tpu.memref_slice %arg8[%dma_wait3A_134, %dma_wait3A_135] : memref<64x128xf32, #tpu.memory_space<vmem>> -> memref<8x128xf32, #tpu.memory_space<vmem>>
    tpu.wait_dma2 semaphore(%arg12 : memref<!tpu.dma_semaphore, #tpu.memory_space<semaphore_mem>>) src(%dma_wait3A_136 : memref<8x128xf32, #tpu.memory_space<vmem>>) dst(%dma_wait3A_133 : memref<8x128xf32, #tpu.memory_space<hbm>>)
    %dma_wait3A_137 = arith.constant 198 : i32
    %dma_wait3A_138 = arith.constant 6 : i32
    %dma_wait3A_139 = arith.constant 48 : i32
    %dma_wait3A_140 = arith.constant 0 : i32
    %dma_wait3A_141 = tpu.memref_slice %arg8[%dma_wait3A_139, %dma_wait3A_140] : memref<64x128xf32, #tpu.memory_space<vmem>> -> memref<8x128xf32, #tpu.memory_space<vmem>>
    %dma_wait3A_142 = arith.constant 0 : i32
    %dma_wait3A_143 = arith.constant 0 : i32
    %dma_wait3A_144 = tpu.memref_slice %arg4[%dma_wait3A_137, %dma_wait3A_138, %add3A, %dma_wait3A_142, %dma_wait3A_143] : memref<200x8x32x8x128xf32, #tpu.memory_space<hbm>> -> memref<1x1x1x8x128xf32, #tpu.memory_space<hbm>>
    %dma_wait3A_145 = tpu.memref_squeeze %dma_wait3A_144 : memref<1x1x1x8x128xf32, #tpu.memory_space<hbm>> -> memref<8x128xf32, #tpu.memory_space<hbm>>
    %dma_wait3A_146 = arith.constant 0 : i32
    %dma_wait3A_147 = arith.constant 0 : i32
    %dma_wait3A_148 = tpu.memref_slice %arg4[%dma_wait3A_137, %dma_wait3A_138, %add3A, %dma_wait3A_146, %dma_wait3A_147] : memref<200x8x32x8x128xf32, #tpu.memory_space<hbm>> -> memref<1x1x1x8x128xf32, #tpu.memory_space<hbm>>
    %dma_wait3A_149 = tpu.memref_squeeze %dma_wait3A_148 : memref<1x1x1x8x128xf32, #tpu.memory_space<hbm>> -> memref<8x128xf32, #tpu.memory_space<hbm>>
    %dma_wait3A_150 = arith.constant 48 : i32
    %dma_wait3A_151 = arith.constant 0 : i32
    %dma_wait3A_152 = tpu.memref_slice %arg8[%dma_wait3A_150, %dma_wait3A_151] : memref<64x128xf32, #tpu.memory_space<vmem>> -> memref<8x128xf32, #tpu.memory_space<vmem>>
    tpu.wait_dma2 semaphore(%arg12 : memref<!tpu.dma_semaphore, #tpu.memory_space<semaphore_mem>>) src(%dma_wait3A_152 : memref<8x128xf32, #tpu.memory_space<vmem>>) dst(%dma_wait3A_149 : memref<8x128xf32, #tpu.memory_space<hbm>>)
    %dma_wait3A_153 = arith.constant 198 : i32
    %dma_wait3A_154 = arith.constant 7 : i32
    %dma_wait3A_155 = arith.constant 56 : i32
    %dma_wait3A_156 = arith.constant 0 : i32
    %dma_wait3A_157 = tpu.memref_slice %arg8[%dma_wait3A_155, %dma_wait3A_156] : memref<64x128xf32, #tpu.memory_space<vmem>> -> memref<8x128xf32, #tpu.memory_space<vmem>>
    %dma_wait3A_158 = arith.constant 0 : i32
    %dma_wait3A_159 = arith.constant 0 : i32
    %dma_wait3A_160 = tpu.memref_slice %arg4[%dma_wait3A_153, %dma_wait3A_154, %add3A, %dma_wait3A_158, %dma_wait3A_159] : memref<200x8x32x8x128xf32, #tpu.memory_space<hbm>> -> memref<1x1x1x8x128xf32, #tpu.memory_space<hbm>>
    %dma_wait3A_161 = tpu.memref_squeeze %dma_wait3A_160 : memref<1x1x1x8x128xf32, #tpu.memory_space<hbm>> -> memref<8x128xf32, #tpu.memory_space<hbm>>
    %dma_wait3A_162 = arith.constant 0 : i32
    %dma_wait3A_163 = arith.constant 0 : i32
    %dma_wait3A_164 = tpu.memref_slice %arg4[%dma_wait3A_153, %dma_wait3A_154, %add3A, %dma_wait3A_162, %dma_wait3A_163] : memref<200x8x32x8x128xf32, #tpu.memory_space<hbm>> -> memref<1x1x1x8x128xf32, #tpu.memory_space<hbm>>
    %dma_wait3A_165 = tpu.memref_squeeze %dma_wait3A_164 : memref<1x1x1x8x128xf32, #tpu.memory_space<hbm>> -> memref<8x128xf32, #tpu.memory_space<hbm>>
    %dma_wait3A_166 = arith.constant 56 : i32
    %dma_wait3A_167 = arith.constant 0 : i32
    %dma_wait3A_168 = tpu.memref_slice %arg8[%dma_wait3A_166, %dma_wait3A_167] : memref<64x128xf32, #tpu.memory_space<vmem>> -> memref<8x128xf32, #tpu.memory_space<vmem>>
    tpu.wait_dma2 semaphore(%arg12 : memref<!tpu.dma_semaphore, #tpu.memory_space<semaphore_mem>>) src(%dma_wait3A_168 : memref<8x128xf32, #tpu.memory_space<vmem>>) dst(%dma_wait3A_165 : memref<8x128xf32, #tpu.memory_space<hbm>>)
    %dma_wait3A_169 = arith.constant 199 : i32
    %dma_wait3A_170 = arith.constant 0 : i32
    %dma_wait3A_171 = arith.constant 0 : i32
    %dma_wait3A_172 = arith.constant 0 : i32
    %dma_wait3A_173 = tpu.memref_slice %arg9[%dma_wait3A_171, %dma_wait3A_172] : memref<64x128xf32, #tpu.memory_space<vmem>> -> memref<8x128xf32, #tpu.memory_space<vmem>>
    %dma_wait3A_174 = arith.constant 0 : i32
    %dma_wait3A_175 = arith.constant 0 : i32
    %dma_wait3A_176 = tpu.memref_slice %arg4[%dma_wait3A_169, %dma_wait3A_170, %add3A, %dma_wait3A_174, %dma_wait3A_175] : memref<200x8x32x8x128xf32, #tpu.memory_space<hbm>> -> memref<1x1x1x8x128xf32, #tpu.memory_space<hbm>>
    %dma_wait3A_177 = tpu.memref_squeeze %dma_wait3A_176 : memref<1x1x1x8x128xf32, #tpu.memory_space<hbm>> -> memref<8x128xf32, #tpu.memory_space<hbm>>
    %dma_wait3A_178 = arith.constant 0 : i32
    %dma_wait3A_179 = arith.constant 0 : i32
    %dma_wait3A_180 = tpu.memref_slice %arg4[%dma_wait3A_169, %dma_wait3A_170, %add3A, %dma_wait3A_178, %dma_wait3A_179] : memref<200x8x32x8x128xf32, #tpu.memory_space<hbm>> -> memref<1x1x1x8x128xf32, #tpu.memory_space<hbm>>
    %dma_wait3A_181 = tpu.memref_squeeze %dma_wait3A_180 : memref<1x1x1x8x128xf32, #tpu.memory_space<hbm>> -> memref<8x128xf32, #tpu.memory_space<hbm>>
    %dma_wait3A_182 = arith.constant 0 : i32
    %dma_wait3A_183 = arith.constant 0 : i32
    %dma_wait3A_184 = tpu.memref_slice %arg9[%dma_wait3A_182, %dma_wait3A_183] : memref<64x128xf32, #tpu.memory_space<vmem>> -> memref<8x128xf32, #tpu.memory_space<vmem>>
    tpu.wait_dma2 semaphore(%arg13 : memref<!tpu.dma_semaphore, #tpu.memory_space<semaphore_mem>>) src(%dma_wait3A_184 : memref<8x128xf32, #tpu.memory_space<vmem>>) dst(%dma_wait3A_181 : memref<8x128xf32, #tpu.memory_space<hbm>>)
    %dma_wait3A_185 = arith.constant 199 : i32
    %dma_wait3A_186 = arith.constant 1 : i32
    %dma_wait3A_187 = arith.constant 8 : i32
    %dma_wait3A_188 = arith.constant 0 : i32
    %dma_wait3A_189 = tpu.memref_slice %arg9[%dma_wait3A_187, %dma_wait3A_188] : memref<64x128xf32, #tpu.memory_space<vmem>> -> memref<8x128xf32, #tpu.memory_space<vmem>>
    %dma_wait3A_190 = arith.constant 0 : i32
    %dma_wait3A_191 = arith.constant 0 : i32
    %dma_wait3A_192 = tpu.memref_slice %arg4[%dma_wait3A_185, %dma_wait3A_186, %add3A, %dma_wait3A_190, %dma_wait3A_191] : memref<200x8x32x8x128xf32, #tpu.memory_space<hbm>> -> memref<1x1x1x8x128xf32, #tpu.memory_space<hbm>>
    %dma_wait3A_193 = tpu.memref_squeeze %dma_wait3A_192 : memref<1x1x1x8x128xf32, #tpu.memory_space<hbm>> -> memref<8x128xf32, #tpu.memory_space<hbm>>
    %dma_wait3A_194 = arith.constant 0 : i32
    %dma_wait3A_195 = arith.constant 0 : i32
    %dma_wait3A_196 = tpu.memref_slice %arg4[%dma_wait3A_185, %dma_wait3A_186, %add3A, %dma_wait3A_194, %dma_wait3A_195] : memref<200x8x32x8x128xf32, #tpu.memory_space<hbm>> -> memref<1x1x1x8x128xf32, #tpu.memory_space<hbm>>
    %dma_wait3A_197 = tpu.memref_squeeze %dma_wait3A_196 : memref<1x1x1x8x128xf32, #tpu.memory_space<hbm>> -> memref<8x128xf32, #tpu.memory_space<hbm>>
    %dma_wait3A_198 = arith.constant 8 : i32
    %dma_wait3A_199 = arith.constant 0 : i32
    %dma_wait3A_200 = tpu.memref_slice %arg9[%dma_wait3A_198, %dma_wait3A_199] : memref<64x128xf32, #tpu.memory_space<vmem>> -> memref<8x128xf32, #tpu.memory_space<vmem>>
    tpu.wait_dma2 semaphore(%arg13 : memref<!tpu.dma_semaphore, #tpu.memory_space<semaphore_mem>>) src(%dma_wait3A_200 : memref<8x128xf32, #tpu.memory_space<vmem>>) dst(%dma_wait3A_197 : memref<8x128xf32, #tpu.memory_space<hbm>>)
    %dma_wait3A_201 = arith.constant 199 : i32
    %dma_wait3A_202 = arith.constant 2 : i32
    %dma_wait3A_203 = arith.constant 16 : i32
    %dma_wait3A_204 = arith.constant 0 : i32
    %dma_wait3A_205 = tpu.memref_slice %arg9[%dma_wait3A_203, %dma_wait3A_204] : memref<64x128xf32, #tpu.memory_space<vmem>> -> memref<8x128xf32, #tpu.memory_space<vmem>>
    %dma_wait3A_206 = arith.constant 0 : i32
    %dma_wait3A_207 = arith.constant 0 : i32
    %dma_wait3A_208 = tpu.memref_slice %arg4[%dma_wait3A_201, %dma_wait3A_202, %add3A, %dma_wait3A_206, %dma_wait3A_207] : memref<200x8x32x8x128xf32, #tpu.memory_space<hbm>> -> memref<1x1x1x8x128xf32, #tpu.memory_space<hbm>>
    %dma_wait3A_209 = tpu.memref_squeeze %dma_wait3A_208 : memref<1x1x1x8x128xf32, #tpu.memory_space<hbm>> -> memref<8x128xf32, #tpu.memory_space<hbm>>
    %dma_wait3A_210 = arith.constant 0 : i32
    %dma_wait3A_211 = arith.constant 0 : i32
    %dma_wait3A_212 = tpu.memref_slice %arg4[%dma_wait3A_201, %dma_wait3A_202, %add3A, %dma_wait3A_210, %dma_wait3A_211] : memref<200x8x32x8x128xf32, #tpu.memory_space<hbm>> -> memref<1x1x1x8x128xf32, #tpu.memory_space<hbm>>
    %dma_wait3A_213 = tpu.memref_squeeze %dma_wait3A_212 : memref<1x1x1x8x128xf32, #tpu.memory_space<hbm>> -> memref<8x128xf32, #tpu.memory_space<hbm>>
    %dma_wait3A_214 = arith.constant 16 : i32
    %dma_wait3A_215 = arith.constant 0 : i32
    %dma_wait3A_216 = tpu.memref_slice %arg9[%dma_wait3A_214, %dma_wait3A_215] : memref<64x128xf32, #tpu.memory_space<vmem>> -> memref<8x128xf32, #tpu.memory_space<vmem>>
    tpu.wait_dma2 semaphore(%arg13 : memref<!tpu.dma_semaphore, #tpu.memory_space<semaphore_mem>>) src(%dma_wait3A_216 : memref<8x128xf32, #tpu.memory_space<vmem>>) dst(%dma_wait3A_213 : memref<8x128xf32, #tpu.memory_space<hbm>>)
    %dma_wait3A_217 = arith.constant 199 : i32
    %dma_wait3A_218 = arith.constant 3 : i32
    %dma_wait3A_219 = arith.constant 24 : i32
    %dma_wait3A_220 = arith.constant 0 : i32
    %dma_wait3A_221 = tpu.memref_slice %arg9[%dma_wait3A_219, %dma_wait3A_220] : memref<64x128xf32, #tpu.memory_space<vmem>> -> memref<8x128xf32, #tpu.memory_space<vmem>>
    %dma_wait3A_222 = arith.constant 0 : i32
    %dma_wait3A_223 = arith.constant 0 : i32
    %dma_wait3A_224 = tpu.memref_slice %arg4[%dma_wait3A_217, %dma_wait3A_218, %add3A, %dma_wait3A_222, %dma_wait3A_223] : memref<200x8x32x8x128xf32, #tpu.memory_space<hbm>> -> memref<1x1x1x8x128xf32, #tpu.memory_space<hbm>>
    %dma_wait3A_225 = tpu.memref_squeeze %dma_wait3A_224 : memref<1x1x1x8x128xf32, #tpu.memory_space<hbm>> -> memref<8x128xf32, #tpu.memory_space<hbm>>
    %dma_wait3A_226 = arith.constant 0 : i32
    %dma_wait3A_227 = arith.constant 0 : i32
    %dma_wait3A_228 = tpu.memref_slice %arg4[%dma_wait3A_217, %dma_wait3A_218, %add3A, %dma_wait3A_226, %dma_wait3A_227] : memref<200x8x32x8x128xf32, #tpu.memory_space<hbm>> -> memref<1x1x1x8x128xf32, #tpu.memory_space<hbm>>
    %dma_wait3A_229 = tpu.memref_squeeze %dma_wait3A_228 : memref<1x1x1x8x128xf32, #tpu.memory_space<hbm>> -> memref<8x128xf32, #tpu.memory_space<hbm>>
    %dma_wait3A_230 = arith.constant 24 : i32
    %dma_wait3A_231 = arith.constant 0 : i32
    %dma_wait3A_232 = tpu.memref_slice %arg9[%dma_wait3A_230, %dma_wait3A_231] : memref<64x128xf32, #tpu.memory_space<vmem>> -> memref<8x128xf32, #tpu.memory_space<vmem>>
    tpu.wait_dma2 semaphore(%arg13 : memref<!tpu.dma_semaphore, #tpu.memory_space<semaphore_mem>>) src(%dma_wait3A_232 : memref<8x128xf32, #tpu.memory_space<vmem>>) dst(%dma_wait3A_229 : memref<8x128xf32, #tpu.memory_space<hbm>>)
    %dma_wait3A_233 = arith.constant 199 : i32
    %dma_wait3A_234 = arith.constant 4 : i32
    %dma_wait3A_235 = arith.constant 32 : i32
    %dma_wait3A_236 = arith.constant 0 : i32
    %dma_wait3A_237 = tpu.memref_slice %arg9[%dma_wait3A_235, %dma_wait3A_236] : memref<64x128xf32, #tpu.memory_space<vmem>> -> memref<8x128xf32, #tpu.memory_space<vmem>>
    %dma_wait3A_238 = arith.constant 0 : i32
    %dma_wait3A_239 = arith.constant 0 : i32
    %dma_wait3A_240 = tpu.memref_slice %arg4[%dma_wait3A_233, %dma_wait3A_234, %add3A, %dma_wait3A_238, %dma_wait3A_239] : memref<200x8x32x8x128xf32, #tpu.memory_space<hbm>> -> memref<1x1x1x8x128xf32, #tpu.memory_space<hbm>>
    %dma_wait3A_241 = tpu.memref_squeeze %dma_wait3A_240 : memref<1x1x1x8x128xf32, #tpu.memory_space<hbm>> -> memref<8x128xf32, #tpu.memory_space<hbm>>
    %dma_wait3A_242 = arith.constant 0 : i32
    %dma_wait3A_243 = arith.constant 0 : i32
    %dma_wait3A_244 = tpu.memref_slice %arg4[%dma_wait3A_233, %dma_wait3A_234, %add3A, %dma_wait3A_242, %dma_wait3A_243] : memref<200x8x32x8x128xf32, #tpu.memory_space<hbm>> -> memref<1x1x1x8x128xf32, #tpu.memory_space<hbm>>
    %dma_wait3A_245 = tpu.memref_squeeze %dma_wait3A_244 : memref<1x1x1x8x128xf32, #tpu.memory_space<hbm>> -> memref<8x128xf32, #tpu.memory_space<hbm>>
    %dma_wait3A_246 = arith.constant 32 : i32
    %dma_wait3A_247 = arith.constant 0 : i32
    %dma_wait3A_248 = tpu.memref_slice %arg9[%dma_wait3A_246, %dma_wait3A_247] : memref<64x128xf32, #tpu.memory_space<vmem>> -> memref<8x128xf32, #tpu.memory_space<vmem>>
    tpu.wait_dma2 semaphore(%arg13 : memref<!tpu.dma_semaphore, #tpu.memory_space<semaphore_mem>>) src(%dma_wait3A_248 : memref<8x128xf32, #tpu.memory_space<vmem>>) dst(%dma_wait3A_245 : memref<8x128xf32, #tpu.memory_space<hbm>>)
    %dma_wait3A_249 = arith.constant 199 : i32
    %dma_wait3A_250 = arith.constant 5 : i32
    %dma_wait3A_251 = arith.constant 40 : i32
    %dma_wait3A_252 = arith.constant 0 : i32
    %dma_wait3A_253 = tpu.memref_slice %arg9[%dma_wait3A_251, %dma_wait3A_252] : memref<64x128xf32, #tpu.memory_space<vmem>> -> memref<8x128xf32, #tpu.memory_space<vmem>>
    %dma_wait3A_254 = arith.constant 0 : i32
    %dma_wait3A_255 = arith.constant 0 : i32
    %dma_wait3A_256 = tpu.memref_slice %arg4[%dma_wait3A_249, %dma_wait3A_250, %add3A, %dma_wait3A_254, %dma_wait3A_255] : memref<200x8x32x8x128xf32, #tpu.memory_space<hbm>> -> memref<1x1x1x8x128xf32, #tpu.memory_space<hbm>>
    %dma_wait3A_257 = tpu.memref_squeeze %dma_wait3A_256 : memref<1x1x1x8x128xf32, #tpu.memory_space<hbm>> -> memref<8x128xf32, #tpu.memory_space<hbm>>
    %dma_wait3A_258 = arith.constant 0 : i32
    %dma_wait3A_259 = arith.constant 0 : i32
    %dma_wait3A_260 = tpu.memref_slice %arg4[%dma_wait3A_249, %dma_wait3A_250, %add3A, %dma_wait3A_258, %dma_wait3A_259] : memref<200x8x32x8x128xf32, #tpu.memory_space<hbm>> -> memref<1x1x1x8x128xf32, #tpu.memory_space<hbm>>
    %dma_wait3A_261 = tpu.memref_squeeze %dma_wait3A_260 : memref<1x1x1x8x128xf32, #tpu.memory_space<hbm>> -> memref<8x128xf32, #tpu.memory_space<hbm>>
    %dma_wait3A_262 = arith.constant 40 : i32
    %dma_wait3A_263 = arith.constant 0 : i32
    %dma_wait3A_264 = tpu.memref_slice %arg9[%dma_wait3A_262, %dma_wait3A_263] : memref<64x128xf32, #tpu.memory_space<vmem>> -> memref<8x128xf32, #tpu.memory_space<vmem>>
    tpu.wait_dma2 semaphore(%arg13 : memref<!tpu.dma_semaphore, #tpu.memory_space<semaphore_mem>>) src(%dma_wait3A_264 : memref<8x128xf32, #tpu.memory_space<vmem>>) dst(%dma_wait3A_261 : memref<8x128xf32, #tpu.memory_space<hbm>>)
    %dma_wait3A_265 = arith.constant 199 : i32
    %dma_wait3A_266 = arith.constant 6 : i32
    %dma_wait3A_267 = arith.constant 48 : i32
    %dma_wait3A_268 = arith.constant 0 : i32
    %dma_wait3A_269 = tpu.memref_slice %arg9[%dma_wait3A_267, %dma_wait3A_268] : memref<64x128xf32, #tpu.memory_space<vmem>> -> memref<8x128xf32, #tpu.memory_space<vmem>>
    %dma_wait3A_270 = arith.constant 0 : i32
    %dma_wait3A_271 = arith.constant 0 : i32
    %dma_wait3A_272 = tpu.memref_slice %arg4[%dma_wait3A_265, %dma_wait3A_266, %add3A, %dma_wait3A_270, %dma_wait3A_271] : memref<200x8x32x8x128xf32, #tpu.memory_space<hbm>> -> memref<1x1x1x8x128xf32, #tpu.memory_space<hbm>>
    %dma_wait3A_273 = tpu.memref_squeeze %dma_wait3A_272 : memref<1x1x1x8x128xf32, #tpu.memory_space<hbm>> -> memref<8x128xf32, #tpu.memory_space<hbm>>
    %dma_wait3A_274 = arith.constant 0 : i32
    %dma_wait3A_275 = arith.constant 0 : i32
    %dma_wait3A_276 = tpu.memref_slice %arg4[%dma_wait3A_265, %dma_wait3A_266, %add3A, %dma_wait3A_274, %dma_wait3A_275] : memref<200x8x32x8x128xf32, #tpu.memory_space<hbm>> -> memref<1x1x1x8x128xf32, #tpu.memory_space<hbm>>
    %dma_wait3A_277 = tpu.memref_squeeze %dma_wait3A_276 : memref<1x1x1x8x128xf32, #tpu.memory_space<hbm>> -> memref<8x128xf32, #tpu.memory_space<hbm>>
    %dma_wait3A_278 = arith.constant 48 : i32
    %dma_wait3A_279 = arith.constant 0 : i32
    %dma_wait3A_280 = tpu.memref_slice %arg9[%dma_wait3A_278, %dma_wait3A_279] : memref<64x128xf32, #tpu.memory_space<vmem>> -> memref<8x128xf32, #tpu.memory_space<vmem>>
    tpu.wait_dma2 semaphore(%arg13 : memref<!tpu.dma_semaphore, #tpu.memory_space<semaphore_mem>>) src(%dma_wait3A_280 : memref<8x128xf32, #tpu.memory_space<vmem>>) dst(%dma_wait3A_277 : memref<8x128xf32, #tpu.memory_space<hbm>>)
    %dma_wait3A_281 = arith.constant 199 : i32
    %dma_wait3A_282 = arith.constant 7 : i32
    %dma_wait3A_283 = arith.constant 56 : i32
    %dma_wait3A_284 = arith.constant 0 : i32
    %dma_wait3A_285 = tpu.memref_slice %arg9[%dma_wait3A_283, %dma_wait3A_284] : memref<64x128xf32, #tpu.memory_space<vmem>> -> memref<8x128xf32, #tpu.memory_space<vmem>>
    %dma_wait3A_286 = arith.constant 0 : i32
    %dma_wait3A_287 = arith.constant 0 : i32
    %dma_wait3A_288 = tpu.memref_slice %arg4[%dma_wait3A_281, %dma_wait3A_282, %add3A, %dma_wait3A_286, %dma_wait3A_287] : memref<200x8x32x8x128xf32, #tpu.memory_space<hbm>> -> memref<1x1x1x8x128xf32, #tpu.memory_space<hbm>>
    %dma_wait3A_289 = tpu.memref_squeeze %dma_wait3A_288 : memref<1x1x1x8x128xf32, #tpu.memory_space<hbm>> -> memref<8x128xf32, #tpu.memory_space<hbm>>
    %dma_wait3A_290 = arith.constant 0 : i32
    %dma_wait3A_291 = arith.constant 0 : i32
    %dma_wait3A_292 = tpu.memref_slice %arg4[%dma_wait3A_281, %dma_wait3A_282, %add3A, %dma_wait3A_290, %dma_wait3A_291] : memref<200x8x32x8x128xf32, #tpu.memory_space<hbm>> -> memref<1x1x1x8x128xf32, #tpu.memory_space<hbm>>
    %dma_wait3A_293 = tpu.memref_squeeze %dma_wait3A_292 : memref<1x1x1x8x128xf32, #tpu.memory_space<hbm>> -> memref<8x128xf32, #tpu.memory_space<hbm>>
    %dma_wait3A_294 = arith.constant 56 : i32
    %dma_wait3A_295 = arith.constant 0 : i32
    %dma_wait3A_296 = tpu.memref_slice %arg9[%dma_wait3A_294, %dma_wait3A_295] : memref<64x128xf32, #tpu.memory_space<vmem>> -> memref<8x128xf32, #tpu.memory_space<vmem>>
    tpu.wait_dma2 semaphore(%arg13 : memref<!tpu.dma_semaphore, #tpu.memory_space<semaphore_mem>>) src(%dma_wait3A_296 : memref<8x128xf32, #tpu.memory_space<vmem>>) dst(%dma_wait3A_293 : memref<8x128xf32, #tpu.memory_space<hbm>>)
    return
  }
}

module attributes {stable_mosaic.version = 14 : i64} {
  func.func @_relayout_block(%arg0: i32, %arg1: memref<64x2048xf32, #tpu.memory_space<vmem>>, %arg2: memref<2048x128xf32, #tpu.memory_space<vmem>>) attributes {dimension_semantics = [#tpu.dimension_semantics<arbitrary>], iteration_bounds = array<i64: 489>, scalar_prefetch = 0 : i64, scratch_operands = 0 : i64, tpu.core_type = #tpu.core_type<tc>, window_params = [{transform_indices = @transform_0, window_bounds = array<i64: 64, 2048>}, {transform_indices = @transform_1, window_bounds = array<i64: 2048, 128>}]} {
    %get3A = arith.constant 0 : index
    %get3A_0 = arith.constant 0 : index
    %get3A_1 = vector.load %arg1[%get3A, %get3A_0] : memref<64x2048xf32, #tpu.memory_space<vmem>>, vector<64x2048xf32>
    %transpose3A = tpu.transpose %get3A_1, [1, 0] : vector<64x2048xf32> -> vector<2048x64xf32>
    %mul3A = arith.constant 8.000000e+00 : f32
    %mul3A_2 = vector.broadcast %mul3A : f32 to vector<2048x64xf32>
    %mul3A_3 = arith.mulf %transpose3A, %mul3A_2 : vector<2048x64xf32>
    %swap3A = arith.constant 0 : index
    %swap3A_4 = arith.constant 0 : index
    %swap3A_5 = vector.load %arg2[%swap3A, %swap3A_4] : memref<2048x128xf32, #tpu.memory_space<vmem>>, vector<2048x64xf32>
    tpu.vector_store %arg2[%swap3A, %swap3A_4], %mul3A_3 {strides = array<i32>} : memref<2048x128xf32, #tpu.memory_space<vmem>>, vector<2048x64xf32>,
    return
  }
  func.func @transform_0(%arg0: i32) -> (i32, i32) {
    %c0_i32 = arith.constant 0 : i32
    %c0_i32_0 = arith.constant 0 : i32
    return %c0_i32, %arg0 : i32, i32
  }
  func.func @transform_1(%arg0: i32) -> (i32, i32) {
    %c0_i32 = arith.constant 0 : i32
    %c0_i32_0 = arith.constant 0 : i32
    return %arg0, %c0_i32 : i32, i32
  }
}

</mosaic_0001>

<sc_bundles>
// kernel: kernel.4.cloned.1.call-start
scs
__scs_entry_jumppad:
0x0: {  	(pc) =	sbr.rel $0x88, $3  }
0x1: {  	(tag) =	ssettag $0x0;
	lr =	simm.s32 $0x1  }
0x2: {  	[smem:$0x3F9F] =	sst lr;
	_ =	strace $0xD0000000  }
0x3: {  	_ = 	snop  }
0x4: {  	_ = 	snop  }
0x5: {  	_ = 	snop  }
0x6: {  	_ = 	snop  }
0x7: {  	_ = 	snop  }
__scs_overlays_trampoline_lowered:
0x8: {  	[smem:$0x3FAE] =	sst s0  }
0x9: {  	[smem:$0x3FAF] =	sst s1  }
0xa: {  	[smem:$0x3FB0] =	sst s2  }
0xb: {  	[smem:$0x3FB1] =	sst s3  }
0xc: {  	[smem:$0x3FB2] =	sst s4  }
0xd: {  	[smem:$0x3FB3] =	sst s5  }
0xe: {  	[smem:$0x3FB4] =	sst s6  }
0xf: {  	[smem:$0x3FB5] =	sst s7  }
0x10: {  	[smem:$0x3FB6] =	sst s8  }
0x11: {  	[smem:$0x3FB7] =	sst s9;
	s0 =	simm.s32 @!p0 $0x0  }
0x12: {  	s1 =	sld [smem:$0x3F9D];
	s0 =	simm.s32 @p0 $0x1  }
0x13: {  	[smem:$0x3FB8] =	sst s0;
	s0 =	simm.s32 @!p1 $0x0  }
0x14: {  	s2 =	sld [smem:$0x3F9C];
	s0 =	simm.s32 @p1 $0x1  }
0x15: {  	[smem:$0x3FB9] =	sst s0;
	s0 =	simm.s32 @!p2 $0x0  }
0x16: {  	s3 =	sld [smem:$0x3FDB];
	s0 =	simm.s32 @p2 $0x1  }
0x17: {  	s4 =	simm.s32 $0x1BF5;
	[smem:$0x3FBB] =	sst s0  }
0x18: {  	s0 =	sld [smem:$0x3F9E];
	_ =	swait.ge [sflag:s4], $0x0  }
0x19: {  	s7 =	sld [smem:$0x3F9F]  }
0x1a: {  	s8 =	sadd.s32 $0xFFFFE003, lr  }
0x1b: {  	s9 =	sadd.s32 $0xFFFFFEF7, lr;
	s5 =	simm.s32 $0xFFFFFFFF;
	p2 =	slt.u32 s8, $0xFFFFF086  }
0x1c: {  	p1 =	slt.u32 s9, $0xF7A;
	s5 =	simm.s32 @!p2 $0x0  }
0x1d: {  	s5 =	simm.s32 @p1 $0x1;
	p0 =	seq.s32 s7, s2  }
0x1e: {  	s7 =	smul.u32 @!p0 $0xF7A, s2;
	p2 =	seq.s32 @!p0 s5, $0x0  }
0x1f: {  	s9 =	smul.u32 $0xF7A, s1;
	s8 =	simm.s32 @!p0 $0x1BF5;
	p2 =	por !p2, p0  }
0x20: {  	[sflag:s8] =	ssyncset.s32 @!p0 $0xFFFFF086;
	s6 =	sadd.s32 @!p0 s3, s7;
	s7 =	simm.s32 @!p0 $0x108  }
0x21: {  	s3 =	sadd.s32 s3, s9;
	s6 =	sadd.s32 @!p0 $0x88, s6;
	s7 =	simm.s32 @p2 $0x1082  }
0x22: {  	[simem:s7], [sflag:s8] =	dma.local @!p0 [hbm:s6], $0xF7A  }
0x23: {  	s9 =	sor.u32 $0xD0000000, s2;
	s6 =	simm.s32 $0x108;
	_ =	swait.ge @!p0 [sflag:s8], $0x0  }
0x24: {  	s3 =	sadd.s32 $0x88, s3;
	s6 =	simm.s32 @!p1 $0x1082;
	[sflag:s4] =	ssyncset.s32 $0xFFFFF086  }
0x25: {  	[simem:s6], [sflag:s4] =	dma.local [hbm:s3], $0xF7A  }
0x26: {  	[smem:$0x3F9F] =	sst s1;
	(tag) =	ssettag s2;
	_ =	strace s9  }
0x27: {  	s1 =	sld [smem:$0x3FAF]  }
0x28: {  	s2 =	sld [smem:$0x3FB0]  }
0x29: {  	s4 =	sld [smem:$0x3FB2]  }
0x2a: {  	p0 =	seq.s32 s5, $0x0;
	s5 =	sld [smem:$0x3FB3]  }
0x2b: {  	s6 =	sld [smem:$0x3FB4]  }
0x2c: {  	s7 =	sld [smem:$0x3FB5]  }
0x2d: {  	s3 =	simm.s32 $0x108;
	s8 =	sld [smem:$0x3FB6]  }
0x2e: {  	s3 =	simm.s32 @!p0 $0x1082;
	s9 =	sld [smem:$0x3FB7]  }
0x2f: {  	lr =	sadd.s32 s0, s3;
	s0 =	sld [smem:$0x3FAE]  }
0x30: {  	s3 =	sld [smem:$0x3FB1]  }
0x31: {  	[smem:$0x3FBA] =	sst s10  }
0x32: {  	s10 =	sld [smem:$0x3FB8];
	_ =	sdelay $0x3  }
0x33: {  	p0 =	seq.s32 s10, $0x1;
	s10 =	sld [smem:$0x3FBA];
	_ =	sdelay $0x3  }
0x34: {  	[smem:$0x3FBA] =	sst s10  }
0x35: {  	s10 =	sld [smem:$0x3FB9];
	_ =	sdelay $0x3  }
0x36: {  	p1 =	seq.s32 s10, $0x1;
	s10 =	sld [smem:$0x3FBA];
	_ =	sdelay $0x3  }
0x37: {  	[smem:$0x3FBA] =	sst s10  }
0x38: {  	s10 =	sld [smem:$0x3FBB]  }
0x39: {  	_ = 	snop;
	(pc) =	sbr.ind lr, $3  }
0x3a: {  	_ = 	snop  }
0x3b: {  	_ = 	snop  }
0x3c: {  	p2 =	seq.s32 s10, $0x1;
	s10 =	sld [smem:$0x3FBA]  }
0x3d: {  	_ =	shalt  }
0x3e: {  	_ =	shalt  }
0x3f: {  	_ =	shalt  }
0x40: {  	_ =	shalt  }
0x41: {  	_ =	shalt  }
0x42: {  	_ =	shalt  }
0x43: {  	_ =	shalt  }
0x44: {  	_ =	shalt  }
0x45: {  	_ =	shalt  }
0x46: {  	_ =	shalt  }
0x47: {  	_ =	shalt  }
0x48: {  	_ =	shalt  }
0x49: {  	_ =	shalt  }
0x4a: {  	_ =	shalt  }
0x4b: {  	_ =	shalt  }
0x4c: {  	_ =	shalt  }
0x4d: {  	_ =	shalt  }
0x4e: {  	_ =	shalt  }
0x4f: {  	_ =	shalt  }
0x50: {  	_ =	shalt  }
0x51: {  	_ =	shalt  }
0x52: {  	_ =	shalt  }
0x53: {  	_ =	shalt  }
0x54: {  	_ =	shalt  }
0x55: {  	_ =	shalt  }
0x56: {  	_ =	shalt  }
0x57: {  	_ =	shalt  }
0x58: {  	_ =	shalt  }
0x59: {  	_ =	shalt  }
0x5a: {  	_ =	shalt  }
0x5b: {  	_ =	shalt  }
0x5c: {  	_ =	shalt  }
0x5d: {  	_ =	shalt  }
0x5e: {  	_ =	shalt  }
0x5f: {  	_ =	shalt  }
0x60: {  	_ =	shalt  }
0x61: {  	_ =	shalt  }
0x62: {  	_ =	shalt  }
0x63: {  	_ =	shalt  }
0x64: {  	_ =	shalt  }
0x65: {  	_ =	shalt  }
0x66: {  	_ =	shalt  }
0x67: {  	_ =	shalt  }
0x68: {  	_ =	shalt  }
0x69: {  	_ =	shalt  }
0x6a: {  	_ =	shalt  }
0x6b: {  	_ =	shalt  }
0x6c: {  	_ =	shalt  }
0x6d: {  	_ =	shalt  }
0x6e: {  	_ =	shalt  }
0x6f: {  	_ =	shalt  }
0x70: {  	_ =	shalt  }
0x71: {  	_ =	shalt  }
0x72: {  	_ =	shalt  }
0x73: {  	_ =	shalt  }
0x74: {  	_ =	shalt  }
0x75: {  	_ =	shalt  }
0x76: {  	_ =	shalt  }
0x77: {  	_ =	shalt  }
0x78: {  	_ =	shalt  }
0x79: {  	_ =	shalt  }
0x7a: {  	_ =	shalt  }
0x7b: {  	_ =	shalt  }
0x7c: {  	_ =	shalt  }
0x7d: {  	_ =	shalt  }
0x7e: {  	_ =	shalt  }
0x7f: {  	_ =	shalt  }
0x80: {  	_ =	shalt  }
0x81: {  	_ =	shalt  }
0x82: {  	_ =	shalt  }
0x83: {  	_ =	shalt  }
0x84: {  	_ =	shalt  }
0x85: {  	_ =	shalt  }
0x86: {  	_ =	shalt  }
0x87: {  	_ =	shalt  }
.Lfunc_end0:
.L_simem_size_0:
called_computation_lowered:
.L_overlay_start_0:
0x88: {  	s2 =	sld [smem:$0x3FD9]  }
0x89: {  	s3 =	sld [smem:$0x3FFE];
	_ =	sdelay $0x1  }
0x8a: {  	s1 =	srdreg.scid  }
0x8b: {  	s0 =	sand.u32 $0x1, s1  }
0x8c: {  	s17 =	sshll.u32 s0, $0xA;
	s2 =	sadd.s32 s3, s2  }
0x8d: {  	s2 =	sadd.s32 s2, s17  }
0x8e: {  	[smem:$0x3FC6] =	sst s2  }
0x8f: {  	_ = 	snop  }
0x90: {  	s2 =	sld [smem:$0x3FD0];
	(tm) =	ssettm $0x1  }
0x91: {  	s18 =	sld [smem:$0x3FFB];
	_ =	sdelay $0x3  }
0x92: {  	_ =	strace s18  }
0x93: {  	s3 =	sld [smem:$0x3FFC];
	_ =	sdelay $0x3  }
0x94: {  	_ =	strace s3  }
0x95: {  	s3 =	sld [smem:$0x3FFD];
	_ =	sdelay $0x3  }
0x96: {  	_ =	strace s3  }
0x97: {  	_ =	strace $0x8FFFFFFF  }
0x98: {  	s19 =	sld [smem:$0x3FDB];
	_ =	sdelay $0x1  }
0x99: {  	s4 =	simm.s32 $_scs_section_size  }
0x9a: {  	s5 =	simm.s32 $_size__tile_overlayer_lowered;
	s6 =	simm.s32 $_tile_overlayer_lowered  }
0x9b: {  	s22 =	simm.s32 $0x1BFF;
	s21 =	sshll.u32 s6, $0x1;
	s3 =	sadd.s32 s4, s19  }
0x9c: {  	s7 =	simm.s32 $0x0;
	s20 =	sshll.u32 s5, $0x1;
	s5 =	sadd.s32 s21, s3  }
0x9d: {  	[timem:s7], [sflag:s22] =	dma.local [hbm:s5], s20  }
0x9e: {  	_ =	swait.ge [sflag:s22], s20  }
0x9f: {  	s4 =	ssub.s32 $0x0, s20;
	[sflag:s22] =	ssyncset.done $0x0  }
0xa0: {  	[sflag:s22] =	ssyncadd.s32 s4;
	_ =	sdelay $0x1  }
0xa1: {  	s23 =	simm.s32 $0x1B8B  }
0xa2: {  	_ =	swait.ge [sflag:s23], $0x1  }
0xa3: {  	[sflag:s23] =	ssyncset.done $0x0  }
0xa4: {  	s25 =	simm.s32 $0x1B8E;
	s24 =	sld [smem:$0x3FFE];
	[sflag:s23] =	ssyncadd.s32 $0xFFFFFFFF  }
0xa5: {  	s26 =	simm.s32 $execute0_lowered;
	[smem:$0x3FD2] =	sst s25  }
0xa6: {  	s5 =	sshll.u32 s26, $0x1;
	_ =	strace $0x80000046;
	[dreg:$0x1] =	wrdreg $0xFFFFFFFF  }
0xa7: {  	s28 =	simm.s32 $_size_execute0_lowered;
	s3 =	sadd.s32 s3, s5;
	[dreg:$0x0] =	wrdreg $0x0  }
0xa8: {  	s5 =	sshll.u32 s28, $0x1;
	[dreg:$0x2] =	wrdreg s3  }
0xa9: {  	[dreg:$0x3] =	wrdreg s5  }
0xaa: {  	[dreg:$0x4] =	wrdreg $0xC0  }
0xab: {  	_ =	task [dreg:s7], $0x5FFFF  }
0xac: {  	[dreg:$0x1] =	wrdreg $0xFFFFFFFF  }
0xad: {  	[dreg:$0x0] =	wrdreg $0x60  }
0xae: {  	[dreg:$0x2] =	wrdreg s24  }
0xaf: {  	[dreg:$0x3] =	wrdreg s2  }
0xb0: {  	[dreg:$0x4] =	wrdreg $0x9  }
0xb1: {  	_ =	task.clear_ibuf [dreg:s7], $0x5FFFF;
	_ =	strace $0x90000046  }
0xb2: {  	s29 =	simm.s32 $0x9;
	_ =	strace $0x80000048  }
0xb3: {  	_ =	swait.ge [sflag:s29], $0x1  }
0xb4: {  	[sflag:s29] =	ssyncadd.s32 $0xFFFFFFFF  }
0xb5: {  	_ =	strace $0x90000048  }
0xb6: {  	_ =	sfence  }
0xb7: {  	s30 =	sld [smem:$0x0];
	_ =	sdelay $0x2  }
0xb8: {  	s31 =	sshll.u32 s1, $0xD;
	s1 =	sshrl.u32 s1, $0x2  }
0xb9: {  	s3 =	sand.u32 $0x4000, s31;
	s1 =	sadd.s32 s1, s30  }
0xba: {  	s0 =	sor.u32 s3, s0;
	s1 =	sshll.u32 s1, $0x11  }
0xbb: {  	s0 =	sor.u32 s1, s0  }
0xbc: {  	s0 =	sadd.s32 $0x8F2B, s0  }
0xbd: {  	[sflag:s0] =	ssyncadd.remote.s32 $0x1  }
0xbe: {  	_ =	sfence.sel $0xFFFF  }
0xbf: {  	[dreg:$0x0] =	wrdreg $0xFFFFFFFF;
	(pc) =	sbr.abs _section_cstart, $3  }
0xc0: {  	[dreg:$0x1] =	wrdreg $0xFFFFFFFF  }
0xc1: {  	_ =	task.clear_ibuf [dreg:s7], $0x2FFFF;
	_ =	strace $0x9FFFFFFF  }
0xc2: {  	(tm) =	ssettm $0x7FFFFFFF  }
0xc3: {  	_ =	shalt  }
tec
execute0_lowered:
.L_overlay_start_1:
0x0: {  	(tag) =	ssettag $0x1  }
0x1: {  	s0 =	srdreg.scid;
	s1 =	rddreg [dreg:$0x0]  }
0x2: {  	s2 =	stileid.u32;
	s21 =	rddreg [dreg:$0x1]  }
0x3: {  	s3 =	simm.s32 $0x0;
	s24 =	simm.s32 $0x80;
	s25 =	simm.s32 $0x6400  }
0x4: {  	s28 =	simm.s32 $0x1;
	s29 =	simm.s32 $0xE400;
	s30 =	simm.s32 $0x4  }
0x5: {  	s31 =	simm.s32 $0x10400;
	s0 =	sand.u32 $0x1, s0;
	s2 =	sshll.u32 s2, $0x1  }
0x6: {  	[smem:$0x7FF] =	sst s3;
	s7 =	sadd.s32 $0x1000, s21;
	s8 =	sadd.s32 $0x2000, s21  }
0x7: {  	s9 =	sadd.s32 $0x3000, s21;
	s10 =	sadd.s32 $0x4000, s21;
	s11 =	sadd.s32 $0x5000, s21  }
0x8: {  	s12 =	sadd.s32 $0x6000, s21;
	s13 =	sadd.s32 $0x7000, s21;
	s14 =	sadd.s32 $0x8000, s21  }
0x9: {  	s15 =	sadd.s32 $0x9000, s21;
	s16 =	sadd.s32 $0xA000, s21;
	s17 =	sadd.s32 $0xB000, s21  }
0xa: {  	s18 =	sadd.s32 $0xC000, s21;
	s19 =	sadd.s32 $0xD000, s21;
	s2 =	sor.u32 s0, s2  }
0xb: {  	v0 =	vlaneseq.u32;
	s20 =	sadd.s32 $0xE000, s21;
	s0 =	ssub.s32 $0x2, s0;
	s4 =	smul.u32 $0xC80, s2  }
.Ltmp0:
0xc: {  	s21 =	sadd.s32 $0xF000, s21;
	v1 =	vmul.u32 $0x80, v0;
	v3 =	vor.u32 $0x10, v0;
	v5 =	vor.u32 $0x20, v0;
	s6 =	sshrl.u32 s0, $0x1;
	(pc) =	sbr.rel .LBB2_1-.Ltmp0, $4  }
0xd: {  	v7 =	vor.u32 $0x30, v0;
	v9 =	vor.u32 $0x40, v0;
	v11 =	vor.u32 $0x50, v0;
	_ =	strace $0x80000047;
	s0 =	ssub.s32 s0, s6;
	s6 =	sshll.u32 s2, $0x7  }
0xe: {  	v13 =	vor.u32 $0x60, v0;
	v15 =	vor.u32 $0x70, v0;
	v2 =	vor.u32 $0x800, v1;
	s2 =	simm.s32 $0x2;
	s5 =	sadd.s32 s4, s1;
	s0 =	smax.u32 s0, $0x1  }
0xf: {  	v4 =	vor.u32 $0x1000, v1;
	v6 =	vor.u32 $0x1800, v1;
	v8 =	vor.u32 $0x2000, v1;
	s4 =	sadd.s32 $0x19600, s1;
	s26 =	sadd.s32 $0x600, s5;
	[dreg:$0x4] =	wrdreg s0  }
0x10: {  	v10 =	vor.u32 $0x2800, v1;
	v12 =	vor.u32 $0x3000, v1;
	v14 =	vor.u32 $0x3800, v1;
	s0 =	simm.s32 $0x0;
	[dreg:$0x3] =	wrdreg s26;
	s26 =	simm.s32 $0xA400  }
.LBB2_12:
0x11: {  	s0 =	simm.s32 $0x3  }
0x12: {  	_ =	swait.ge [sflag:s0], $0x400  }
0x13: {  	[sflag:s0] =	ssyncset.done $0x0  }
0x14: {  	[sflag:s0] =	ssyncadd.s32 $0xFFFFFC00  }
0x15: {  	_ =	swait.ge [sflag:s0], $0x400  }
0x16: {  	[sflag:s0] =	ssyncset.done $0x0  }
0x17: {  	[sflag:s0] =	ssyncadd.s32 $0xFFFFFC00  }
0x18: {  	_ =	swait.ge [sflag:s0], $0x400  }
0x19: {  	[sflag:s0] =	ssyncset.done $0x0  }
0x1a: {  	[sflag:s0] =	ssyncadd.s32 $0xFFFFFC00  }
0x1b: {  	_ =	swait.ge [sflag:s0], $0x400  }
0x1c: {  	[sflag:s0] =	ssyncset.done $0x0  }
0x1d: {  	[sflag:s0] =	ssyncadd.s32 $0xFFFFFC00  }
0x1e: {  	_ =	swait.ge [sflag:s0], $0x400  }
0x1f: {  	[sflag:s0] =	ssyncset.done $0x0  }
0x20: {  	[sflag:s0] =	ssyncadd.s32 $0xFFFFFC00  }
0x21: {  	_ =	swait.ge [sflag:s0], $0x400  }
0x22: {  	[sflag:s0] =	ssyncset.done $0x0  }
0x23: {  	[sflag:s0] =	ssyncadd.s32 $0xFFFFFC00  }
0x24: {  	_ =	swait.ge [sflag:s0], $0x400  }
0x25: {  	[sflag:s0] =	ssyncset.done $0x0  }
0x26: {  	[sflag:s0] =	ssyncadd.s32 $0xFFFFFC00  }
0x27: {  	_ =	swait.ge [sflag:s0], $0x400  }
0x28: {  	[sflag:s0] =	ssyncset.done $0x0  }
0x29: {  	[sflag:s0] =	ssyncadd.s32 $0xFFFFFC00  }
0x2a: {  	_ =	swait.ge [sflag:s30], $0x400  }
0x2b: {  	[sflag:s30] =	ssyncset.done $0x0  }
0x2c: {  	[sflag:s30] =	ssyncadd.s32 $0xFFFFFC00  }
0x2d: {  	_ =	swait.ge [sflag:s30], $0x400  }
0x2e: {  	[sflag:s30] =	ssyncset.done $0x0  }
0x2f: {  	[sflag:s30] =	ssyncadd.s32 $0xFFFFFC00  }
0x30: {  	_ =	swait.ge [sflag:s30], $0x400  }
0x31: {  	[sflag:s30] =	ssyncset.done $0x0  }
0x32: {  	[sflag:s30] =	ssyncadd.s32 $0xFFFFFC00  }
0x33: {  	_ =	swait.ge [sflag:s30], $0x400  }
0x34: {  	[sflag:s30] =	ssyncset.done $0x0  }
0x35: {  	[sflag:s30] =	ssyncadd.s32 $0xFFFFFC00  }
0x36: {  	_ =	swait.ge [sflag:s30], $0x400  }
0x37: {  	[sflag:s30] =	ssyncset.done $0x0  }
0x38: {  	[sflag:s30] =	ssyncadd.s32 $0xFFFFFC00  }
0x39: {  	_ =	swait.ge [sflag:s30], $0x400  }
0x3a: {  	[sflag:s30] =	ssyncset.done $0x0  }
0x3b: {  	[sflag:s30] =	ssyncadd.s32 $0xFFFFFC00  }
0x3c: {  	_ =	swait.ge [sflag:s30], $0x400  }
0x3d: {  	[sflag:s30] =	ssyncset.done $0x0  }
0x3e: {  	[sflag:s30] =	ssyncadd.s32 $0xFFFFFC00  }
0x3f: {  	_ =	swait.ge [sflag:s30], $0x400  }
0x40: {  	s23 =	rddreg [dreg:$0x5]  }
0x41: {  	s1 =	rddreg [dreg:$0x4];
	s0 =	sadd.s32 $0x1, s23  }
0x42: {  	p0 =	sne.s32 s0, s1  }
.Ltmp1:
0x43: {  	_ = 	snop;
	(pc) =	sbr.rel @!p0 .LBB2_13-.Ltmp1, $3  }
0x44: {  	_ =	sdelay $0x1  }
0x45: {  	[sflag:s30] =	ssyncset.done $0x0  }
0x46: {  	[sflag:s30] =	ssyncadd.s32 $0xFFFFFC00  }
.LBB2_1:
0x47: {  	[dreg:$0x5] =	wrdreg s0  }
0x48: {  	s1 =	rddreg [dreg:$0x3];
	s23 =	simm.s32 $0x5  }
0x49: {  	[tilespmem:s3], [sflag:$0x5] =	stream.linear.gather [hbm4b:s1+s3], $0x6400, $0x38;
	[tilespmem:$0x12400] =	vst v63  }
0x4a: {  	_ =	swait.ge [sflag:s23], $0x6400  }
0x4b: {  	[sflag:s23] =	ssyncset.done $0x0  }
0x4c: {  	[sflag:s23] =	ssyncadd.s32 $0xFFFF9C00  }
0x4d: {  	[tilespmem:s25], [sflag:$0x1] =	stream.indirect.gather [hbm4b:s4+s24], $0x80, s3, s24, $0xb8;
	[tilespmem:$0x12400] =	vst v63  }
0x4e: {  	s5 =	simm.s32 $0x0  }
0x4f: {  	[tilespmem:s26], [sflag:$0x2] =	stream.indirect.gather [hbm4b:s4+s24], $0x80, s24, s24, $0xb8;
	[tilespmem:$0x12400] =	vst v63  }
.LBB2_2:
0x50: {  	_ =	swait.ge [sflag:s28], $0x4000  }
0x51: {  	p0 =	seq.s32 s5, $0x0;
	[sflag:s28] =	ssyncset.done $0x0  }
0x52: {  	s1 =	simm.s32 @!p0 $0x3;
	[sflag:s28] =	ssyncadd.s32 $0xFFFFC000  }
0x53: {  	_ =	swait.ge @!p0 [sflag:s1], $0x400  }
0x54: {  	[sflag:s1] =	ssyncset.done @!p0 $0x0  }
0x55: {  	[sflag:s1] =	ssyncadd.s32 @!p0 $0xFFFFFC00  }
0x56: {  	_ =	swait.ge @!p0 [sflag:s1], $0x400  }
0x57: {  	[sflag:s1] =	ssyncset.done @!p0 $0x0  }
0x58: {  	[sflag:s1] =	ssyncadd.s32 @!p0 $0xFFFFFC00  }
0x59: {  	_ =	swait.ge @!p0 [sflag:s1], $0x400  }
0x5a: {  	[sflag:s1] =	ssyncset.done @!p0 $0x0  }
0x5b: {  	[sflag:s1] =	ssyncadd.s32 @!p0 $0xFFFFFC00  }
0x5c: {  	_ =	swait.ge @!p0 [sflag:s1], $0x400  }
0x5d: {  	[sflag:s1] =	ssyncset.done @!p0 $0x0  }
0x5e: {  	[sflag:s1] =	ssyncadd.s32 @!p0 $0xFFFFFC00  }
0x5f: {  	_ =	swait.ge @!p0 [sflag:s1], $0x400  }
0x60: {  	[sflag:s1] =	ssyncset.done @!p0 $0x0  }
0x61: {  	[sflag:s1] =	ssyncadd.s32 @!p0 $0xFFFFFC00  }
0x62: {  	_ =	swait.ge @!p0 [sflag:s1], $0x400  }
0x63: {  	s22 =	simm.s32 $0x0;
	[sflag:s1] =	ssyncset.done @!p0 $0x0  }
0x64: {  	v16 =	vadd.s32 s22, v0;
	[sflag:s1] =	ssyncadd.s32 @!p0 $0xFFFFFC00  }
0x65: {  	v17 =	vand.u32 $0xF, v16;
	_ =	swait.ge @!p0 [sflag:s1], $0x400  }
0x66: {  	v18 =	vor.u32 v1, v17;
	[sflag:s1] =	ssyncset.done @!p0 $0x0  }
0x67: {  	[sflag:s1] =	ssyncadd.s32 @!p0 $0xFFFFFC00  }
0x68: {  	_ =	swait.ge @!p0 [sflag:s1], $0x400  }
0x69: {  	[sflag:s1] =	ssyncset.done @!p0 $0x0  }
0x6a: {  	v19 =	vshll.u32 v17, $0x7;
	[sflag:s1] =	ssyncadd.s32 @!p0 $0xFFFFFC00  }
0x6b: {  	v20 =	vor.u32 v0, v19;
	v18 =	vld.idx.msk [tilespmem:v18+s25+$0x0], $0xffff  }
0x6c: {  	v21 =	vor.u32 v2, v17;
	_ =	sdelay $0x3  }
0x6d: {  	[tilespmem:v20+s29+$0x0] =	vst.idx.msk $0xffff, v18  }
0x6e: {  	v20 =	vor.u32 v3, v19;
	v18 =	vld.idx.msk [tilespmem:v21+s25+$0x0], $0xffff  }
0x6f: {  	v45 =	vor.u32 v4, v17;
	_ =	sdelay $0x3  }
0x70: {  	[tilespmem:v20+s29+$0x0] =	vst.idx.msk $0xffff, v18  }
0x71: {  	v20 =	vor.u32 v5, v19;
	v18 =	vld.idx.msk [tilespmem:v45+s25+$0x0], $0xffff  }
0x72: {  	v46 =	vor.u32 v6, v17;
	_ =	sdelay $0x3  }
0x73: {  	[tilespmem:v20+s29+$0x0] =	vst.idx.msk $0xffff, v18  }
0x74: {  	v20 =	vor.u32 v7, v19;
	v18 =	vld.idx.msk [tilespmem:v46+s25+$0x0], $0xffff  }
0x75: {  	v47 =	vor.u32 v8, v17;
	_ =	sdelay $0x3  }
0x76: {  	[tilespmem:v20+s29+$0x0] =	vst.idx.msk $0xffff, v18  }
0x77: {  	v20 =	vor.u32 v9, v19;
	v18 =	vld.idx.msk [tilespmem:v47+s25+$0x0], $0xffff  }
0x78: {  	v48 =	vor.u32 v10, v17;
	_ =	sdelay $0x3  }
0x79: {  	[tilespmem:v20+s29+$0x0] =	vst.idx.msk $0xffff, v18  }
0x7a: {  	v20 =	vor.u32 v11, v19;
	v18 =	vld.idx.msk [tilespmem:v48+s25+$0x0], $0xffff  }
0x7b: {  	v49 =	vor.u32 v12, v17;
	_ =	sdelay $0x3  }
0x7c: {  	[tilespmem:v20+s29+$0x0] =	vst.idx.msk $0xffff, v18  }
0x7d: {  	v20 =	vor.u32 v13, v19;
	v18 =	vld.idx.msk [tilespmem:v49+s25+$0x0], $0xffff  }
0x7e: {  	v50 =	vor.u32 v14, v17;
	_ =	sdelay $0x3  }
0x7f: {  	[tilespmem:v20+s29+$0x0] =	vst.idx.msk $0xffff, v18;
	v18 =	vor.u32 $0x10, v16  }
0x80: {  	v19 =	vor.u32 v15, v19;
	v20 =	vld.idx.msk [tilespmem:v50+s25+$0x0], $0xffff;
	v51 =	vand.u32 $0x1F, v18  }
0x81: {  	v22 =	vor.u32 v1, v51;
	_ =	sdelay $0x3  }
0x82: {  	v18 =	vshll.u32 v18, $0x7;
	[tilespmem:v19+s29+$0x0] =	vst.idx.msk $0xffff, v20  }
0x83: {  	v20 =	vor.u32 v0, v18;
	v19 =	vld.idx.msk [tilespmem:v22+s25+$0x0], $0xffff  }
0x84: {  	v52 =	vor.u32 v2, v51;
	_ =	sdelay $0x3  }
0x85: {  	[tilespmem:v20+s29+$0x0] =	vst.idx.msk $0xffff, v19  }
0x86: {  	v20 =	vor.u32 v3, v18;
	v19 =	vld.idx.msk [tilespmem:v52+s25+$0x0], $0xffff  }
0x87: {  	v53 =	vor.u32 v4, v51;
	_ =	sdelay $0x3  }
0x88: {  	[tilespmem:v20+s29+$0x0] =	vst.idx.msk $0xffff, v19  }
0x89: {  	v20 =	vor.u32 v5, v18;
	v19 =	vld.idx.msk [tilespmem:v53+s25+$0x0], $0xffff  }
0x8a: {  	v54 =	vor.u32 v6, v51;
	_ =	sdelay $0x3  }
0x8b: {  	[tilespmem:v20+s29+$0x0] =	vst.idx.msk $0xffff, v19  }
0x8c: {  	v20 =	vor.u32 v7, v18;
	v19 =	vld.idx.msk [tilespmem:v54+s25+$0x0], $0xffff  }
0x8d: {  	v55 =	vor.u32 v8, v51;
	_ =	sdelay $0x3  }
0x8e: {  	[tilespmem:v20+s29+$0x0] =	vst.idx.msk $0xffff, v19  }
0x8f: {  	v20 =	vor.u32 v9, v18;
	v19 =	vld.idx.msk [tilespmem:v55+s25+$0x0], $0xffff  }
0x90: {  	v56 =	vor.u32 v10, v51;
	_ =	sdelay $0x3  }
0x91: {  	[tilespmem:v20+s29+$0x0] =	vst.idx.msk $0xffff, v19  }
0x92: {  	v20 =	vor.u32 v11, v18;
	v19 =	vld.idx.msk [tilespmem:v56+s25+$0x0], $0xffff  }
0x93: {  	v57 =	vor.u32 v12, v51;
	_ =	sdelay $0x3  }
0x94: {  	[tilespmem:v20+s29+$0x0] =	vst.idx.msk $0xffff, v19  }
0x95: {  	v20 =	vor.u32 v13, v18;
	v19 =	vld.idx.msk [tilespmem:v57+s25+$0x0], $0xffff  }
0x96: {  	v21 =	vor.u32 v14, v51;
	_ =	sdelay $0x2  }
0x97: {  	v17 =	vor.u32 $0x20, v17  }
0x98: {  	[tilespmem:v20+s29+$0x0] =	vst.idx.msk $0xffff, v19;
	v19 =	vand.u32 $0x7, v16;
	v20 =	vand.u32 $0x28, v17  }
0x99: {  	v18 =	vor.u32 v15, v18;
	v21 =	vld.idx.msk [tilespmem:v21+s25+$0x0], $0xffff;
	v19 =	vor.u32 v19, v20  }
0x9a: {  	v20 =	vor.u32 v1, v19;
	_ =	sdelay $0x3  }
0x9b: {  	v17 =	vshll.u32 v17, $0x7;
	[tilespmem:v18+s29+$0x0] =	vst.idx.msk $0xffff, v21  }
0x9c: {  	v18 =	vld.idx.msk [tilespmem:v20+s25+$0x0], $0xffff;
	v20 =	vor.u32 v0, v17  }
0x9d: {  	v58 =	vor.u32 v2, v19;
	_ =	sdelay $0x3  }
0x9e: {  	[tilespmem:v20+s29+$0x0] =	vst.idx.msk $0xffff, v18  }
0x9f: {  	v20 =	vor.u32 v3, v17;
	v18 =	vld.idx.msk [tilespmem:v58+s25+$0x0], $0xffff  }
0xa0: {  	v59 =	vor.u32 v4, v19;
	_ =	sdelay $0x3  }
0xa1: {  	[tilespmem:v20+s29+$0x0] =	vst.idx.msk $0xffff, v18  }
0xa2: {  	v20 =	vor.u32 v5, v17;
	v18 =	vld.idx.msk [tilespmem:v59+s25+$0x0], $0xffff  }
0xa3: {  	v60 =	vor.u32 v6, v19;
	_ =	sdelay $0x3  }
0xa4: {  	[tilespmem:v20+s29+$0x0] =	vst.idx.msk $0xffff, v18  }
0xa5: {  	v20 =	vor.u32 v7, v17;
	v18 =	vld.idx.msk [tilespmem:v60+s25+$0x0], $0xffff  }
0xa6: {  	v61 =	vor.u32 v8, v19;
	_ =	sdelay $0x3  }
0xa7: {  	[tilespmem:v20+s29+$0x0] =	vst.idx.msk $0xffff, v18  }
0xa8: {  	v20 =	vor.u32 v9, v17;
	v18 =	vld.idx.msk [tilespmem:v61+s25+$0x0], $0xffff  }
0xa9: {  	v62 =	vor.u32 v10, v19;
	_ =	sdelay $0x3  }
0xaa: {  	[tilespmem:v20+s29+$0x0] =	vst.idx.msk $0xffff, v18  }
0xab: {  	v20 =	vor.u32 v11, v17;
	v18 =	vld.idx.msk [tilespmem:v62+s25+$0x0], $0xffff  }
0xac: {  	v63 =	vor.u32 v12, v19;
	_ =	sdelay $0x3  }
0xad: {  	[tilespmem:v20+s29+$0x0] =	vst.idx.msk $0xffff, v18  }
0xae: {  	v20 =	vor.u32 v13, v17;
	v18 =	vld.idx.msk [tilespmem:v63+s25+$0x0], $0xffff  }
0xaf: {  	v19 =	vor.u32 v14, v19;
	_ =	sdelay $0x3  }
0xb0: {  	v16 =	vor.u32 $0x30, v16;
	[tilespmem:v20+s29+$0x0] =	vst.idx.msk $0xffff, v18  }
0xb1: {  	v17 =	vor.u32 v15, v17;
	v18 =	vld.idx.msk [tilespmem:v19+s25+$0x0], $0xffff;
	v19 =	vand.u32 $0x3F, v16  }
0xb2: {  	v20 =	vor.u32 v1, v19;
	_ =	sdelay $0x3  }
0xb3: {  	[tilespmem:v17+s29+$0x0] =	vst.idx.msk $0xffff, v18;
	v18 =	vshll.u32 v16, $0x7  }
0xb4: {  	v16 =	vld.idx.msk [tilespmem:v20+s25+$0x0], $0xffff;
	v17 =	vor.u32 v0, v18  }
0xb5: {  	v20 =	vor.u32 v2, v19;
	_ =	sdelay $0x3  }
0xb6: {  	[tilespmem:v17+s29+$0x0] =	vst.idx.msk $0xffff, v16  }
0xb7: {  	v17 =	vor.u32 v3, v18;
	v16 =	vld.idx.msk [tilespmem:v20+s25+$0x0], $0xffff  }
0xb8: {  	v20 =	vor.u32 v4, v19;
	_ =	sdelay $0x3  }
0xb9: {  	[tilespmem:v17+s29+$0x0] =	vst.idx.msk $0xffff, v16  }
0xba: {  	v17 =	vor.u32 v5, v18;
	v16 =	vld.idx.msk [tilespmem:v20+s25+$0x0], $0xffff  }
0xbb: {  	v20 =	vor.u32 v6, v19;
	_ =	sdelay $0x3  }
0xbc: {  	[tilespmem:v17+s29+$0x0] =	vst.idx.msk $0xffff, v16  }
0xbd: {  	v17 =	vor.u32 v7, v18;
	v16 =	vld.idx.msk [tilespmem:v20+s25+$0x0], $0xffff  }
0xbe: {  	v20 =	vor.u32 v8, v19;
	_ =	sdelay $0x3  }
0xbf: {  	[tilespmem:v17+s29+$0x0] =	vst.idx.msk $0xffff, v16  }
0xc0: {  	v17 =	vor.u32 v9, v18;
	v16 =	vld.idx.msk [tilespmem:v20+s25+$0x0], $0xffff  }
0xc1: {  	v20 =	vor.u32 v10, v19;
	_ =	sdelay $0x3  }
0xc2: {  	[tilespmem:v17+s29+$0x0] =	vst.idx.msk $0xffff, v16  }
0xc3: {  	v17 =	vor.u32 v11, v18;
	v16 =	vld.idx.msk [tilespmem:v20+s25+$0x0], $0xffff  }
0xc4: {  	v20 =	vor.u32 v12, v19;
	_ =	sdelay $0x3  }
0xc5: {  	[tilespmem:v17+s29+$0x0] =	vst.idx.msk $0xffff, v16  }
0xc6: {  	v17 =	vor.u32 v13, v18;
	v16 =	vld.idx.msk [tilespmem:v20+s25+$0x0], $0xffff  }
0xc7: {  	v19 =	vor.u32 v14, v19;
	_ =	sdelay $0x3  }
0xc8: {  	s23 =	simm.s32 $0x1;
	[tilespmem:v17+s29+$0x0] =	vst.idx.msk $0xffff, v16  }
0xc9: {  	s22 =	sshll.u32 s5, $0xA;
	v16 =	vadd.s32 s23, v0;
	s23 =	simm.s32 $0x2;
	v19 =	vld.idx.msk [tilespmem:v19+s25+$0x0], $0xffff  }
.LBB2_3:
0xca: {  	p1 =	sne.s32 s23, $0xF;
	v17 =	vand.u32 $0xF, v16;
	v18 =	vor.u32 v15, v18  }
0xcb: {  	v20 =	vor.u32 v1, v17;
	_ =	sdelay $0x3  }
0xcc: {  	[tilespmem:v18+s29+$0x0] =	vst.idx.msk $0xffff, v19  }
0xcd: {  	v19 =	vshll.u32 v17, $0x7;
	v18 =	vld.idx.msk [tilespmem:v20+s25+$0x0], $0xffff  }
0xce: {  	v20 =	vor.u32 v0, v19  }
0xcf: {  	v21 =	vor.u32 v2, v17;
	_ =	sdelay $0x3  }
0xd0: {  	[tilespmem:v20+s29+$0x0] =	vst.idx.msk $0xffff, v18  }
0xd1: {  	v18 =	vld.idx.msk [tilespmem:v21+s25+$0x0], $0xffff  }
0xd2: {  	v20 =	vor.u32 v3, v19  }
0xd3: {  	v21 =	vor.u32 v4, v17;
	_ =	sdelay $0x3  }
0xd4: {  	[tilespmem:v20+s29+$0x0] =	vst.idx.msk $0xffff, v18  }
0xd5: {  	v18 =	vld.idx.msk [tilespmem:v21+s25+$0x0], $0xffff  }
0xd6: {  	v20 =	vor.u32 v5, v19  }
0xd7: {  	v21 =	vor.u32 v6, v17;
	_ =	sdelay $0x3  }
0xd8: {  	[tilespmem:v20+s29+$0x0] =	vst.idx.msk $0xffff, v18  }
0xd9: {  	v18 =	vld.idx.msk [tilespmem:v21+s25+$0x0], $0xffff  }
0xda: {  	v20 =	vor.u32 v7, v19  }
0xdb: {  	v21 =	vor.u32 v8, v17;
	_ =	sdelay $0x3  }
0xdc: {  	[tilespmem:v20+s29+$0x0] =	vst.idx.msk $0xffff, v18  }
0xdd: {  	v18 =	vld.idx.msk [tilespmem:v21+s25+$0x0], $0xffff  }
0xde: {  	v20 =	vor.u32 v9, v19  }
0xdf: {  	v21 =	vor.u32 v10, v17;
	_ =	sdelay $0x3  }
0xe0: {  	[tilespmem:v20+s29+$0x0] =	vst.idx.msk $0xffff, v18  }
0xe1: {  	v18 =	vld.idx.msk [tilespmem:v21+s25+$0x0], $0xffff  }
0xe2: {  	v20 =	vor.u32 v11, v19  }
0xe3: {  	v21 =	vor.u32 v12, v17;
	_ =	sdelay $0x3  }
0xe4: {  	[tilespmem:v20+s29+$0x0] =	vst.idx.msk $0xffff, v18  }
0xe5: {  	v18 =	vld.idx.msk [tilespmem:v21+s25+$0x0], $0xffff  }
0xe6: {  	v20 =	vor.u32 v13, v19  }
0xe7: {  	v21 =	vor.u32 v14, v17;
	_ =	sdelay $0x3  }
0xe8: {  	[tilespmem:v20+s29+$0x0] =	vst.idx.msk $0xffff, v18  }
0xe9: {  	v20 =	vor.u32 $0x10, v16;
	v18 =	vld.idx.msk [tilespmem:v21+s25+$0x0], $0xffff  }
0xea: {  	v19 =	vor.u32 v15, v19;
	v21 =	vand.u32 $0x1F, v20  }
0xeb: {  	v22 =	vor.u32 v1, v21;
	_ =	sdelay $0x3  }
0xec: {  	[tilespmem:v19+s29+$0x0] =	vst.idx.msk $0xffff, v18  }
0xed: {  	v19 =	vshll.u32 v20, $0x7;
	v18 =	vld.idx.msk [tilespmem:v22+s25+$0x0], $0xffff  }
0xee: {  	v20 =	vor.u32 v0, v19  }
0xef: {  	v22 =	vor.u32 v2, v21;
	_ =	sdelay $0x3  }
0xf0: {  	[tilespmem:v20+s29+$0x0] =	vst.idx.msk $0xffff, v18  }
0xf1: {  	v18 =	vld.idx.msk [tilespmem:v22+s25+$0x0], $0xffff  }
0xf2: {  	v20 =	vor.u32 v3, v19  }
0xf3: {  	v22 =	vor.u32 v4, v21;
	_ =	sdelay $0x3  }
0xf4: {  	[tilespmem:v20+s29+$0x0] =	vst.idx.msk $0xffff, v18  }
0xf5: {  	v18 =	vld.idx.msk [tilespmem:v22+s25+$0x0], $0xffff  }
0xf6: {  	v20 =	vor.u32 v5, v19  }
0xf7: {  	v22 =	vor.u32 v6, v21;
	_ =	sdelay $0x3  }
0xf8: {  	[tilespmem:v20+s29+$0x0] =	vst.idx.msk $0xffff, v18  }
0xf9: {  	v18 =	vld.idx.msk [tilespmem:v22+s25+$0x0], $0xffff  }
0xfa: {  	v20 =	vor.u32 v7, v19  }
0xfb: {  	v22 =	vor.u32 v8, v21;
	_ =	sdelay $0x3  }
0xfc: {  	[tilespmem:v20+s29+$0x0] =	vst.idx.msk $0xffff, v18  }
0xfd: {  	v18 =	vld.idx.msk [tilespmem:v22+s25+$0x0], $0xffff  }
0xfe: {  	v20 =	vor.u32 v9, v19  }
0xff: {  	v22 =	vor.u32 v10, v21;
	_ =	sdelay $0x3  }
0x100: {  	[tilespmem:v20+s29+$0x0] =	vst.idx.msk $0xffff, v18  }
0x101: {  	v18 =	vld.idx.msk [tilespmem:v22+s25+$0x0], $0xffff  }
0x102: {  	v20 =	vor.u32 v11, v19  }
0x103: {  	v22 =	vor.u32 v12, v21;
	_ =	sdelay $0x3  }
0x104: {  	[tilespmem:v20+s29+$0x0] =	vst.idx.msk $0xffff, v18  }
0x105: {  	v18 =	vld.idx.msk [tilespmem:v22+s25+$0x0], $0xffff  }
0x106: {  	v20 =	vor.u32 v13, v19  }
0x107: {  	v21 =	vor.u32 v14, v21;
	_ =	sdelay $0x3  }
0x108: {  	v17 =	vor.u32 $0x20, v17;
	[tilespmem:v20+s29+$0x0] =	vst.idx.msk $0xffff, v18  }
0x109: {  	v18 =	vand.u32 $0x7, v16;
	v20 =	vld.idx.msk [tilespmem:v21+s25+$0x0], $0xffff;
	v21 =	vand.u32 $0x28, v17  }
0x10a: {  	v19 =	vor.u32 v15, v19;
	v18 =	vor.u32 v18, v21  }
0x10b: {  	v21 =	vor.u32 v1, v18;
	_ =	sdelay $0x3  }
0x10c: {  	[tilespmem:v19+s29+$0x0] =	vst.idx.msk $0xffff, v20  }
0x10d: {  	v17 =	vshll.u32 v17, $0x7;
	v19 =	vld.idx.msk [tilespmem:v21+s25+$0x0], $0xffff  }
0x10e: {  	v20 =	vor.u32 v0, v17  }
0x10f: {  	v21 =	vor.u32 v2, v18;
	_ =	sdelay $0x3  }
0x110: {  	[tilespmem:v20+s29+$0x0] =	vst.idx.msk $0xffff, v19  }
0x111: {  	v19 =	vld.idx.msk [tilespmem:v21+s25+$0x0], $0xffff  }
0x112: {  	v20 =	vor.u32 v3, v17  }
0x113: {  	v21 =	vor.u32 v4, v18;
	_ =	sdelay $0x3  }
0x114: {  	[tilespmem:v20+s29+$0x0] =	vst.idx.msk $0xffff, v19  }
0x115: {  	v19 =	vld.idx.msk [tilespmem:v21+s25+$0x0], $0xffff  }
0x116: {  	v20 =	vor.u32 v5, v17  }
0x117: {  	v21 =	vor.u32 v6, v18;
	_ =	sdelay $0x3  }
0x118: {  	[tilespmem:v20+s29+$0x0] =	vst.idx.msk $0xffff, v19  }
0x119: {  	v19 =	vld.idx.msk [tilespmem:v21+s25+$0x0], $0xffff  }
0x11a: {  	v20 =	vor.u32 v7, v17  }
0x11b: {  	v21 =	vor.u32 v8, v18;
	_ =	sdelay $0x3  }
0x11c: {  	[tilespmem:v20+s29+$0x0] =	vst.idx.msk $0xffff, v19  }
0x11d: {  	v19 =	vld.idx.msk [tilespmem:v21+s25+$0x0], $0xffff  }
0x11e: {  	v20 =	vor.u32 v9, v17  }
0x11f: {  	v21 =	vor.u32 v10, v18;
	_ =	sdelay $0x3  }
0x120: {  	[tilespmem:v20+s29+$0x0] =	vst.idx.msk $0xffff, v19  }
0x121: {  	v19 =	vld.idx.msk [tilespmem:v21+s25+$0x0], $0xffff  }
0x122: {  	v20 =	vor.u32 v11, v17  }
0x123: {  	v21 =	vor.u32 v12, v18;
	_ =	sdelay $0x3  }
0x124: {  	[tilespmem:v20+s29+$0x0] =	vst.idx.msk $0xffff, v19  }
0x125: {  	v19 =	vld.idx.msk [tilespmem:v21+s25+$0x0], $0xffff  }
0x126: {  	v20 =	vor.u32 v13, v17  }
0x127: {  	v18 =	vor.u32 v14, v18;
	_ =	sdelay $0x3  }
0x128: {  	[tilespmem:v20+s29+$0x0] =	vst.idx.msk $0xffff, v19  }
0x129: {  	v16 =	vor.u32 $0x30, v16;
	v18 =	vld.idx.msk [tilespmem:v18+s25+$0x0], $0xffff  }
0x12a: {  	v17 =	vor.u32 v15, v17;
	v19 =	vand.u32 $0x3F, v16  }
0x12b: {  	v20 =	vor.u32 v1, v19;
	_ =	sdelay $0x3  }
0x12c: {  	[tilespmem:v17+s29+$0x0] =	vst.idx.msk $0xffff, v18  }
0x12d: {  	v18 =	vshll.u32 v16, $0x7;
	v17 =	vld.idx.msk [tilespmem:v20+s25+$0x0], $0xffff  }
0x12e: {  	v16 =	vor.u32 v0, v18  }
0x12f: {  	v20 =	vor.u32 v2, v19;
	_ =	sdelay $0x3  }
0x130: {  	[tilespmem:v16+s29+$0x0] =	vst.idx.msk $0xffff, v17  }
0x131: {  	v16 =	vld.idx.msk [tilespmem:v20+s25+$0x0], $0xffff  }
0x132: {  	v17 =	vor.u32 v3, v18  }
0x133: {  	v20 =	vor.u32 v4, v19;
	_ =	sdelay $0x3  }
0x134: {  	[tilespmem:v17+s29+$0x0] =	vst.idx.msk $0xffff, v16  }
0x135: {  	v16 =	vld.idx.msk [tilespmem:v20+s25+$0x0], $0xffff  }
0x136: {  	v17 =	vor.u32 v5, v18  }
0x137: {  	v20 =	vor.u32 v6, v19;
	_ =	sdelay $0x3  }
0x138: {  	[tilespmem:v17+s29+$0x0] =	vst.idx.msk $0xffff, v16  }
0x139: {  	v16 =	vld.idx.msk [tilespmem:v20+s25+$0x0], $0xffff  }
0x13a: {  	v17 =	vor.u32 v7, v18  }
0x13b: {  	v20 =	vor.u32 v8, v19;
	_ =	sdelay $0x3  }
0x13c: {  	[tilespmem:v17+s29+$0x0] =	vst.idx.msk $0xffff, v16  }
0x13d: {  	v16 =	vld.idx.msk [tilespmem:v20+s25+$0x0], $0xffff  }
0x13e: {  	v17 =	vor.u32 v9, v18  }
0x13f: {  	v20 =	vor.u32 v10, v19;
	_ =	sdelay $0x3  }
0x140: {  	[tilespmem:v17+s29+$0x0] =	vst.idx.msk $0xffff, v16  }
0x141: {  	v16 =	vld.idx.msk [tilespmem:v20+s25+$0x0], $0xffff  }
0x142: {  	v17 =	vor.u32 v11, v18  }
0x143: {  	v20 =	vor.u32 v12, v19;
	_ =	sdelay $0x3  }
0x144: {  	[tilespmem:v17+s29+$0x0] =	vst.idx.msk $0xffff, v16  }
0x145: {  	v16 =	vld.idx.msk [tilespmem:v20+s25+$0x0], $0xffff  }
0x146: {  	v17 =	vor.u32 v13, v18  }
0x147: {  	v19 =	vor.u32 v14, v19  }
.Ltmp2:
0x148: {  	(pc) =	sbr.rel @p1 .LBB2_3-.Ltmp2, $3  }
0x149: {  	_ =	sdelay $0x1  }
0x14a: {  	[tilespmem:v17+s29+$0x0] =	vst.idx.msk $0xffff, v16  }
0x14b: {  	v16 =	vadd.s32 s23, v0;
	s23 =	sadd.s32 $0x1, s23;
	v19 =	vld.idx.msk [tilespmem:v19+s25+$0x0], $0xffff  }
0x14c: {  	v17 =	vand.u32 $0xF, v16;
	v18 =	vor.u32 v15, v18  }
0x14d: {  	v20 =	vor.u32 v1, v17;
	_ =	sdelay $0x3  }
0x14e: {  	v43 =	vshll.u32 v17, $0x7;
	[tilespmem:v18+s29+$0x0] =	vst.idx.msk $0xffff, v19  }
0x14f: {  	v44 =	vor.u32 v0, v43;
	v19 =	vld.idx.msk [tilespmem:v20+s25+$0x0], $0xffff  }
0x150: {  	v21 =	vor.u32 v2, v17;
	_ =	sdelay $0x3  }
0x151: {  	[tilespmem:v44+s29+$0x0] =	vst.idx.msk $0xffff, v19  }
0x152: {  	v45 =	vor.u32 v3, v43;
	v19 =	vld.idx.msk [tilespmem:v21+s25+$0x0], $0xffff  }
0x153: {  	v46 =	vor.u32 v4, v17;
	_ =	sdelay $0x3  }
0x154: {  	[tilespmem:v45+s29+$0x0] =	vst.idx.msk $0xffff, v19  }
0x155: {  	v47 =	vor.u32 v5, v43;
	v19 =	vld.idx.msk [tilespmem:v46+s25+$0x0], $0xffff  }
0x156: {  	v48 =	vor.u32 v6, v17;
	_ =	sdelay $0x3  }
0x157: {  	[tilespmem:v47+s29+$0x0] =	vst.idx.msk $0xffff, v19  }
0x158: {  	v49 =	vor.u32 v7, v43;
	v19 =	vld.idx.msk [tilespmem:v48+s25+$0x0], $0xffff  }
0x159: {  	v50 =	vor.u32 v8, v17;
	_ =	sdelay $0x3  }
0x15a: {  	[tilespmem:v49+s29+$0x0] =	vst.idx.msk $0xffff, v19  }
0x15b: {  	v51 =	vor.u32 v9, v43;
	v19 =	vld.idx.msk [tilespmem:v50+s25+$0x0], $0xffff  }
0x15c: {  	v52 =	vor.u32 v10, v17;
	_ =	sdelay $0x3  }
0x15d: {  	[tilespmem:v51+s29+$0x0] =	vst.idx.msk $0xffff, v19  }
0x15e: {  	v53 =	vor.u32 v11, v43;
	v19 =	vld.idx.msk [tilespmem:v52+s25+$0x0], $0xffff  }
0x15f: {  	v54 =	vor.u32 v12, v17;
	_ =	sdelay $0x3  }
0x160: {  	[tilespmem:v53+s29+$0x0] =	vst.idx.msk $0xffff, v19  }
0x161: {  	v55 =	vor.u32 v13, v43;
	v19 =	vld.idx.msk [tilespmem:v54+s25+$0x0], $0xffff  }
0x162: {  	v56 =	vor.u32 v14, v17;
	_ =	sdelay $0x3  }
0x163: {  	v57 =	vor.u32 $0x10, v16;
	[tilespmem:v55+s29+$0x0] =	vst.idx.msk $0xffff, v19  }
0x164: {  	v58 =	vand.u32 $0x1F, v57;
	v18 =	vor.u32 v15, v43;
	v20 =	vld.idx.msk [tilespmem:v56+s25+$0x0], $0xffff  }
0x165: {  	v22 =	vor.u32 v1, v58;
	_ =	sdelay $0x3  }
0x166: {  	v59 =	vshll.u32 v57, $0x7;
	[tilespmem:v18+s29+$0x0] =	vst.idx.msk $0xffff, v20  }
0x167: {  	v61 =	vor.u32 v0, v59;
	v60 =	vld.idx.msk [tilespmem:v22+s25+$0x0], $0xffff  }
0x168: {  	v62 =	vor.u32 v2, v58;
	_ =	sdelay $0x3  }
0x169: {  	[tilespmem:v61+s29+$0x0] =	vst.idx.msk $0xffff, v60  }
0x16a: {  	v63 =	vor.u32 v3, v59;
	v19 =	vld.idx.msk [tilespmem:v62+s25+$0x0], $0xffff  }
0x16b: {  	v24 =	vor.u32 v4, v58;
	_ =	sdelay $0x3  }
0x16c: {  	[tilespmem:v63+s29+$0x0] =	vst.idx.msk $0xffff, v19  }
0x16d: {  	v25 =	vor.u32 v5, v59;
	v19 =	vld.idx.msk [tilespmem:v24+s25+$0x0], $0xffff  }
0x16e: {  	v26 =	vor.u32 v6, v58;
	_ =	sdelay $0x3  }
0x16f: {  	[tilespmem:v25+s29+$0x0] =	vst.idx.msk $0xffff, v19  }
0x170: {  	v27 =	vor.u32 v7, v59;
	v19 =	vld.idx.msk [tilespmem:v26+s25+$0x0], $0xffff  }
0x171: {  	v28 =	vor.u32 v8, v58;
	_ =	sdelay $0x3  }
0x172: {  	[tilespmem:v27+s29+$0x0] =	vst.idx.msk $0xffff, v19  }
0x173: {  	v29 =	vor.u32 v9, v59;
	v19 =	vld.idx.msk [tilespmem:v28+s25+$0x0], $0xffff  }
0x174: {  	v30 =	vor.u32 v10, v58;
	_ =	sdelay $0x3  }
0x175: {  	[tilespmem:v29+s29+$0x0] =	vst.idx.msk $0xffff, v19  }
0x176: {  	v31 =	vor.u32 v11, v59;
	v19 =	vld.idx.msk [tilespmem:v30+s25+$0x0], $0xffff  }
0x177: {  	v32 =	vor.u32 v12, v58;
	_ =	sdelay $0x3  }
0x178: {  	[tilespmem:v31+s29+$0x0] =	vst.idx.msk $0xffff, v19  }
0x179: {  	v33 =	vor.u32 v13, v59;
	v19 =	vld.idx.msk [tilespmem:v32+s25+$0x0], $0xffff  }
0x17a: {  	v21 =	vor.u32 v14, v58;
	_ =	sdelay $0x2  }
0x17b: {  	v17 =	vor.u32 $0x20, v17  }
0x17c: {  	v34 =	vand.u32 $0x7, v16;
	v35 =	vand.u32 $0x28, v17;
	[tilespmem:v33+s29+$0x0] =	vst.idx.msk $0xffff, v19  }
0x17d: {  	v18 =	vor.u32 v15, v59;
	v19 =	vor.u32 v34, v35;
	v21 =	vld.idx.msk [tilespmem:v21+s25+$0x0], $0xffff  }
0x17e: {  	v20 =	vor.u32 v1, v19;
	_ =	sdelay $0x3  }
0x17f: {  	v17 =	vshll.u32 v17, $0x7;
	[tilespmem:v18+s29+$0x0] =	vst.idx.msk $0xffff, v21  }
0x180: {  	v36 =	vor.u32 v0, v17;
	v18 =	vld.idx.msk [tilespmem:v20+s25+$0x0], $0xffff  }
0x181: {  	v37 =	vor.u32 v2, v19;
	_ =	sdelay $0x3  }
0x182: {  	[tilespmem:v36+s29+$0x0] =	vst.idx.msk $0xffff, v18  }
0x183: {  	v38 =	vor.u32 v3, v17;
	v18 =	vld.idx.msk [tilespmem:v37+s25+$0x0], $0xffff  }
0x184: {  	v39 =	vor.u32 v4, v19;
	_ =	sdelay $0x3  }
0x185: {  	[tilespmem:v38+s29+$0x0] =	vst.idx.msk $0xffff, v18  }
0x186: {  	v40 =	vor.u32 v5, v17;
	v18 =	vld.idx.msk [tilespmem:v39+s25+$0x0], $0xffff  }
0x187: {  	v41 =	vor.u32 v6, v19;
	_ =	sdelay $0x3  }
0x188: {  	[tilespmem:v40+s29+$0x0] =	vst.idx.msk $0xffff, v18  }
0x189: {  	v42 =	vor.u32 v7, v17;
	v18 =	vld.idx.msk [tilespmem:v41+s25+$0x0], $0xffff  }
0x18a: {  	v43 =	vor.u32 v8, v19;
	_ =	sdelay $0x3  }
0x18b: {  	[tilespmem:v42+s29+$0x0] =	vst.idx.msk $0xffff, v18  }
0x18c: {  	v44 =	vor.u32 v9, v17;
	v18 =	vld.idx.msk [tilespmem:v43+s25+$0x0], $0xffff  }
0x18d: {  	v45 =	vor.u32 v10, v19;
	_ =	sdelay $0x3  }
0x18e: {  	[tilespmem:v44+s29+$0x0] =	vst.idx.msk $0xffff, v18  }
0x18f: {  	v46 =	vor.u32 v11, v17;
	v18 =	vld.idx.msk [tilespmem:v45+s25+$0x0], $0xffff  }
0x190: {  	v47 =	vor.u32 v12, v19;
	_ =	sdelay $0x3  }
0x191: {  	[tilespmem:v46+s29+$0x0] =	vst.idx.msk $0xffff, v18  }
0x192: {  	v48 =	vor.u32 v13, v17;
	v18 =	vld.idx.msk [tilespmem:v47+s25+$0x0], $0xffff  }
0x193: {  	v19 =	vor.u32 v14, v19;
	_ =	sdelay $0x3  }
0x194: {  	v16 =	vor.u32 $0x30, v16;
	[tilespmem:v48+s29+$0x0] =	vst.idx.msk $0xffff, v18  }
0x195: {  	v17 =	vor.u32 v15, v17;
	v49 =	vand.u32 $0x3F, v16;
	v18 =	vld.idx.msk [tilespmem:v19+s25+$0x0], $0xffff  }
0x196: {  	v50 =	vor.u32 v1, v49;
	_ =	sdelay $0x3  }
0x197: {  	v16 =	vshll.u32 v16, $0x7;
	[tilespmem:v17+s29+$0x0] =	vst.idx.msk $0xffff, v18  }
0x198: {  	v51 =	vor.u32 v0, v16;
	v17 =	vld.idx.msk [tilespmem:v50+s25+$0x0], $0xffff  }
0x199: {  	v52 =	vor.u32 v2, v49;
	_ =	sdelay $0x3  }
0x19a: {  	[tilespmem:v51+s29+$0x0] =	vst.idx.msk $0xffff, v17  }
0x19b: {  	v53 =	vor.u32 v3, v16;
	v17 =	vld.idx.msk [tilespmem:v52+s25+$0x0], $0xffff  }
0x19c: {  	v54 =	vor.u32 v4, v49;
	_ =	sdelay $0x3  }
0x19d: {  	[tilespmem:v53+s29+$0x0] =	vst.idx.msk $0xffff, v17  }
0x19e: {  	v55 =	vor.u32 v5, v16;
	v17 =	vld.idx.msk [tilespmem:v54+s25+$0x0], $0xffff  }
0x19f: {  	v56 =	vor.u32 v6, v49;
	_ =	sdelay $0x3  }
0x1a0: {  	[tilespmem:v55+s29+$0x0] =	vst.idx.msk $0xffff, v17  }
0x1a1: {  	v57 =	vor.u32 v7, v16;
	v17 =	vld.idx.msk [tilespmem:v56+s25+$0x0], $0xffff  }
0x1a2: {  	v58 =	vor.u32 v8, v49;
	_ =	sdelay $0x3  }
0x1a3: {  	[tilespmem:v57+s29+$0x0] =	vst.idx.msk $0xffff, v17  }
0x1a4: {  	v59 =	vor.u32 v9, v16;
	v17 =	vld.idx.msk [tilespmem:v58+s25+$0x0], $0xffff  }
0x1a5: {  	v60 =	vor.u32 v10, v49;
	_ =	sdelay $0x3  }
0x1a6: {  	[tilespmem:v59+s29+$0x0] =	vst.idx.msk $0xffff, v17  }
0x1a7: {  	v61 =	vor.u32 v11, v16;
	v17 =	vld.idx.msk [tilespmem:v60+s25+$0x0], $0xffff  }
0x1a8: {  	v62 =	vor.u32 v12, v49;
	_ =	sdelay $0x3  }
0x1a9: {  	[tilespmem:v61+s29+$0x0] =	vst.idx.msk $0xffff, v17  }
0x1aa: {  	v63 =	vor.u32 v13, v16;
	v17 =	vld.idx.msk [tilespmem:v62+s25+$0x0], $0xffff  }
0x1ab: {  	v19 =	vor.u32 v14, v49;
	_ =	sdelay $0x3  }
0x1ac: {  	[tilespmem:v63+s29+$0x0] =	vst.idx.msk $0xffff, v17  }
0x1ad: {  	v16 =	vor.u32 v15, v16;
	v17 =	vld.idx.msk [tilespmem:v19+s25+$0x0], $0xffff;
	_ =	sdelay $0x2  }
0x1ae: {  	s1 =	sshll.u32 s5, $0x10  }
0x1af: {  	s0 =	rddreg [dreg:$0x1];
	s23 =	sor.u32 s6, s1  }
0x1b0: {  	s1 =	sadd.s32 s0, s23;
	[tilespmem:v16+s29+$0x0] =	vst.idx.msk $0xffff, v17  }
0x1b1: {  	[hbm4b:s1+s3] =	stream.linear.scatter [tilespmem:s29], [sflag:$0x3], $0x400, $0x38;
	[tilespmem:$0x12400] =	vst v63  }
0x1b2: {  	s0 =	simm.s32 $0xE800;
	s1 =	sadd.s32 s23, s7  }
0x1b3: {  	[hbm4b:s1+s3] =	stream.linear.scatter [tilespmem:s0], [sflag:$0x3], $0x400, $0x38;
	[tilespmem:$0x12400] =	vst v63  }
0x1b4: {  	s1 =	sadd.s32 s23, s8;
	s0 =	simm.s32 $0xEC00  }
0x1b5: {  	[hbm4b:s1+s3] =	stream.linear.scatter [tilespmem:s0], [sflag:$0x3], $0x400, $0x38;
	[tilespmem:$0x12400] =	vst v63  }
0x1b6: {  	s1 =	sadd.s32 s23, s9;
	s0 =	simm.s32 $0xF000  }
0x1b7: {  	[hbm4b:s1+s3] =	stream.linear.scatter [tilespmem:s0], [sflag:$0x3], $0x400, $0x38;
	[tilespmem:$0x12400] =	vst v63  }
0x1b8: {  	s1 =	sadd.s32 s23, s10;
	s0 =	simm.s32 $0xF400  }
0x1b9: {  	[hbm4b:s1+s3] =	stream.linear.scatter [tilespmem:s0], [sflag:$0x3], $0x400, $0x38;
	[tilespmem:$0x12400] =	vst v63  }
0x1ba: {  	p1 =	sne.s32 s5, $0x63;
	s1 =	sadd.s32 s23, s11;
	s0 =	simm.s32 $0xF800  }
0x1bb: {  	[hbm4b:s1+s3] =	stream.linear.scatter [tilespmem:s0], [sflag:$0x3], $0x400, $0x38;
	[tilespmem:$0x12400] =	vst v63  }
.Ltmp3:
0x1bc: {  	_ = 	snop;
	(pc) =	sbr.rel @p1 .LBB2_6-.Ltmp3, $4  }
0x1bd: {  	s1 =	sadd.s32 s23, s12;
	s0 =	simm.s32 $0xFC00  }
0x1be: {  	[hbm4b:s1+s3] =	stream.linear.scatter [tilespmem:s0], [sflag:$0x3], $0x400, $0x38;
	[tilespmem:$0x12400] =	vst v63  }
0x1bf: {  	s1 =	sadd.s32 s23, s13;
	s0 =	simm.s32 $0x10000  }
0x1c0: {  	[hbm4b:s1+s3] =	stream.linear.scatter [tilespmem:s0], [sflag:$0x3], $0x400, $0x38;
	[tilespmem:$0x12400] =	vst v63  }
.Ltmp4:
0x1c1: {  	(pc) =	sbr.rel .LBB2_7-.Ltmp4, $4  }
0x1c2: {  	_ = 	snop  }
0x1c3: {  	_ =	swait.ge [sflag:s2], $0x4000  }
0x1c4: {  	[sflag:s2] =	ssyncset.done $0x0  }
0x1c5: {  	[sflag:s2] =	ssyncadd.s32 $0xFFFFC000  }
.LBB2_6:
0x1c6: {  	s1 =	sshrl.u32 s22, $0x2  }
.Ltmp5:
0x1c7: {  	s1 =	sadd.s32 $0x100, s1;
	(pc) =	sbr.rel @p0 .LBB2_8-.Ltmp5, $4  }
0x1c8: {  	[tilespmem:s25], [sflag:$0x1] =	stream.indirect.gather [hbm4b:s4+s24], $0x80, s1, s24, $0xb8;
	[tilespmem:$0x12400] =	vst v63  }
0x1c9: {  	_ =	swait.ge [sflag:s2], $0x4000  }
0x1ca: {  	[sflag:s2] =	ssyncset.done $0x0  }
0x1cb: {  	[sflag:s2] =	ssyncadd.s32 $0xFFFFC000  }
.LBB2_7:
0x1cc: {  	_ =	swait.ge [sflag:s30], $0x400  }
0x1cd: {  	[sflag:s30] =	ssyncset.done $0x0  }
0x1ce: {  	[sflag:s30] =	ssyncadd.s32 $0xFFFFFC00  }
0x1cf: {  	_ =	swait.ge [sflag:s30], $0x400  }
0x1d0: {  	[sflag:s30] =	ssyncset.done $0x0  }
0x1d1: {  	[sflag:s30] =	ssyncadd.s32 $0xFFFFFC00  }
0x1d2: {  	_ =	swait.ge [sflag:s30], $0x400  }
0x1d3: {  	[sflag:s30] =	ssyncset.done $0x0  }
0x1d4: {  	[sflag:s30] =	ssyncadd.s32 $0xFFFFFC00  }
0x1d5: {  	_ =	swait.ge [sflag:s30], $0x400  }
0x1d6: {  	[sflag:s30] =	ssyncset.done $0x0  }
0x1d7: {  	[sflag:s30] =	ssyncadd.s32 $0xFFFFFC00  }
0x1d8: {  	_ =	swait.ge [sflag:s30], $0x400  }
0x1d9: {  	[sflag:s30] =	ssyncset.done $0x0  }
0x1da: {  	[sflag:s30] =	ssyncadd.s32 $0xFFFFFC00  }
0x1db: {  	_ =	swait.ge [sflag:s30], $0x400  }
0x1dc: {  	[sflag:s30] =	ssyncset.done $0x0  }
0x1dd: {  	[sflag:s30] =	ssyncadd.s32 $0xFFFFFC00  }
0x1de: {  	_ =	swait.ge [sflag:s30], $0x400  }
0x1df: {  	[sflag:s30] =	ssyncset.done $0x0  }
0x1e0: {  	[sflag:s30] =	ssyncadd.s32 $0xFFFFFC00  }
0x1e1: {  	_ =	swait.ge [sflag:s30], $0x400  }
0x1e2: {  	[sflag:s30] =	ssyncset.done $0x0  }
0x1e3: {  	[sflag:s30] =	ssyncadd.s32 $0xFFFFFC00  }
.LBB2_8:
0x1e4: {  	s1 =	simm.s32 $0x0  }
0x1e5: {  	v16 =	vadd.s32 s1, v0  }
0x1e6: {  	v17 =	vand.u32 $0xF, v16  }
0x1e7: {  	v18 =	vor.u32 v1, v17;
	_ =	sdelay $0x3  }
0x1e8: {  	v19 =	vshll.u32 v17, $0x7  }
0x1e9: {  	v20 =	vor.u32 v0, v19;
	v18 =	vld.idx.msk [tilespmem:v18+s26+$0x0], $0xffff  }
0x1ea: {  	v21 =	vor.u32 v2, v17;
	_ =	sdelay $0x3  }
0x1eb: {  	[tilespmem:v20+s31+$0x0] =	vst.idx.msk $0xffff, v18  }
0x1ec: {  	v20 =	vor.u32 v3, v19;
	v18 =	vld.idx.msk [tilespmem:v21+s26+$0x0], $0xffff  }
0x1ed: {  	v45 =	vor.u32 v4, v17;
	_ =	sdelay $0x3  }
0x1ee: {  	[tilespmem:v20+s31+$0x0] =	vst.idx.msk $0xffff, v18  }
0x1ef: {  	v20 =	vor.u32 v5, v19;
	v18 =	vld.idx.msk [tilespmem:v45+s26+$0x0], $0xffff  }
0x1f0: {  	v46 =	vor.u32 v6, v17;
	_ =	sdelay $0x3  }
0x1f1: {  	[tilespmem:v20+s31+$0x0] =	vst.idx.msk $0xffff, v18  }
0x1f2: {  	v20 =	vor.u32 v7, v19;
	v18 =	vld.idx.msk [tilespmem:v46+s26+$0x0], $0xffff  }
0x1f3: {  	v47 =	vor.u32 v8, v17;
	_ =	sdelay $0x3  }
0x1f4: {  	[tilespmem:v20+s31+$0x0] =	vst.idx.msk $0xffff, v18  }
0x1f5: {  	v20 =	vor.u32 v9, v19;
	v18 =	vld.idx.msk [tilespmem:v47+s26+$0x0], $0xffff  }
0x1f6: {  	v48 =	vor.u32 v10, v17;
	_ =	sdelay $0x3  }
0x1f7: {  	[tilespmem:v20+s31+$0x0] =	vst.idx.msk $0xffff, v18  }
0x1f8: {  	v20 =	vor.u32 v11, v19;
	v18 =	vld.idx.msk [tilespmem:v48+s26+$0x0], $0xffff  }
0x1f9: {  	v49 =	vor.u32 v12, v17;
	_ =	sdelay $0x3  }
0x1fa: {  	[tilespmem:v20+s31+$0x0] =	vst.idx.msk $0xffff, v18  }
0x1fb: {  	v20 =	vor.u32 v13, v19;
	v18 =	vld.idx.msk [tilespmem:v49+s26+$0x0], $0xffff  }
0x1fc: {  	v50 =	vor.u32 v14, v17;
	_ =	sdelay $0x3  }
0x1fd: {  	[tilespmem:v20+s31+$0x0] =	vst.idx.msk $0xffff, v18;
	v18 =	vor.u32 $0x10, v16  }
0x1fe: {  	v19 =	vor.u32 v15, v19;
	v20 =	vld.idx.msk [tilespmem:v50+s26+$0x0], $0xffff;
	v51 =	vand.u32 $0x1F, v18  }
0x1ff: {  	v22 =	vor.u32 v1, v51;
	_ =	sdelay $0x3  }
0x200: {  	v18 =	vshll.u32 v18, $0x7;
	[tilespmem:v19+s31+$0x0] =	vst.idx.msk $0xffff, v20  }
0x201: {  	v20 =	vor.u32 v0, v18;
	v19 =	vld.idx.msk [tilespmem:v22+s26+$0x0], $0xffff  }
0x202: {  	v52 =	vor.u32 v2, v51;
	_ =	sdelay $0x3  }
0x203: {  	[tilespmem:v20+s31+$0x0] =	vst.idx.msk $0xffff, v19  }
0x204: {  	v20 =	vor.u32 v3, v18;
	v19 =	vld.idx.msk [tilespmem:v52+s26+$0x0], $0xffff  }
0x205: {  	v53 =	vor.u32 v4, v51;
	_ =	sdelay $0x3  }
0x206: {  	[tilespmem:v20+s31+$0x0] =	vst.idx.msk $0xffff, v19  }
0x207: {  	v20 =	vor.u32 v5, v18;
	v19 =	vld.idx.msk [tilespmem:v53+s26+$0x0], $0xffff  }
0x208: {  	v54 =	vor.u32 v6, v51;
	_ =	sdelay $0x3  }
0x209: {  	[tilespmem:v20+s31+$0x0] =	vst.idx.msk $0xffff, v19  }
0x20a: {  	v20 =	vor.u32 v7, v18;
	v19 =	vld.idx.msk [tilespmem:v54+s26+$0x0], $0xffff  }
0x20b: {  	v55 =	vor.u32 v8, v51;
	_ =	sdelay $0x3  }
0x20c: {  	[tilespmem:v20+s31+$0x0] =	vst.idx.msk $0xffff, v19  }
0x20d: {  	v20 =	vor.u32 v9, v18;
	v19 =	vld.idx.msk [tilespmem:v55+s26+$0x0], $0xffff  }
0x20e: {  	v56 =	vor.u32 v10, v51;
	_ =	sdelay $0x3  }
0x20f: {  	[tilespmem:v20+s31+$0x0] =	vst.idx.msk $0xffff, v19  }
0x210: {  	v20 =	vor.u32 v11, v18;
	v19 =	vld.idx.msk [tilespmem:v56+s26+$0x0], $0xffff  }
0x211: {  	v57 =	vor.u32 v12, v51;
	_ =	sdelay $0x3  }
0x212: {  	[tilespmem:v20+s31+$0x0] =	vst.idx.msk $0xffff, v19  }
0x213: {  	v20 =	vor.u32 v13, v18;
	v19 =	vld.idx.msk [tilespmem:v57+s26+$0x0], $0xffff  }
0x214: {  	v21 =	vor.u32 v14, v51;
	_ =	sdelay $0x2  }
0x215: {  	v17 =	vor.u32 $0x20, v17  }
0x216: {  	[tilespmem:v20+s31+$0x0] =	vst.idx.msk $0xffff, v19;
	v19 =	vand.u32 $0x7, v16;
	v20 =	vand.u32 $0x28, v17  }
0x217: {  	v18 =	vor.u32 v15, v18;
	v21 =	vld.idx.msk [tilespmem:v21+s26+$0x0], $0xffff;
	v19 =	vor.u32 v19, v20  }
0x218: {  	v20 =	vor.u32 v1, v19;
	_ =	sdelay $0x3  }
0x219: {  	v17 =	vshll.u32 v17, $0x7;
	[tilespmem:v18+s31+$0x0] =	vst.idx.msk $0xffff, v21  }
0x21a: {  	v18 =	vld.idx.msk [tilespmem:v20+s26+$0x0], $0xffff;
	v20 =	vor.u32 v0, v17  }
0x21b: {  	v58 =	vor.u32 v2, v19;
	_ =	sdelay $0x3  }
0x21c: {  	[tilespmem:v20+s31+$0x0] =	vst.idx.msk $0xffff, v18  }
0x21d: {  	v20 =	vor.u32 v3, v17;
	v18 =	vld.idx.msk [tilespmem:v58+s26+$0x0], $0xffff  }
0x21e: {  	v59 =	vor.u32 v4, v19;
	_ =	sdelay $0x3  }
0x21f: {  	[tilespmem:v20+s31+$0x0] =	vst.idx.msk $0xffff, v18  }
0x220: {  	v20 =	vor.u32 v5, v17;
	v18 =	vld.idx.msk [tilespmem:v59+s26+$0x0], $0xffff  }
0x221: {  	v60 =	vor.u32 v6, v19;
	_ =	sdelay $0x3  }
0x222: {  	[tilespmem:v20+s31+$0x0] =	vst.idx.msk $0xffff, v18  }
0x223: {  	v20 =	vor.u32 v7, v17;
	v18 =	vld.idx.msk [tilespmem:v60+s26+$0x0], $0xffff  }
0x224: {  	v61 =	vor.u32 v8, v19;
	_ =	sdelay $0x3  }
0x225: {  	[tilespmem:v20+s31+$0x0] =	vst.idx.msk $0xffff, v18  }
0x226: {  	v20 =	vor.u32 v9, v17;
	v18 =	vld.idx.msk [tilespmem:v61+s26+$0x0], $0xffff  }
0x227: {  	v62 =	vor.u32 v10, v19;
	_ =	sdelay $0x3  }
0x228: {  	[tilespmem:v20+s31+$0x0] =	vst.idx.msk $0xffff, v18  }
0x229: {  	v20 =	vor.u32 v11, v17;
	v18 =	vld.idx.msk [tilespmem:v62+s26+$0x0], $0xffff  }
0x22a: {  	v63 =	vor.u32 v12, v19;
	_ =	sdelay $0x3  }
0x22b: {  	[tilespmem:v20+s31+$0x0] =	vst.idx.msk $0xffff, v18  }
0x22c: {  	v20 =	vor.u32 v13, v17;
	v18 =	vld.idx.msk [tilespmem:v63+s26+$0x0], $0xffff  }
0x22d: {  	v19 =	vor.u32 v14, v19;
	_ =	sdelay $0x3  }
0x22e: {  	v16 =	vor.u32 $0x30, v16;
	[tilespmem:v20+s31+$0x0] =	vst.idx.msk $0xffff, v18  }
0x22f: {  	v17 =	vor.u32 v15, v17;
	v18 =	vld.idx.msk [tilespmem:v19+s26+$0x0], $0xffff;
	v19 =	vand.u32 $0x3F, v16  }
0x230: {  	v20 =	vor.u32 v1, v19;
	_ =	sdelay $0x3  }
0x231: {  	[tilespmem:v17+s31+$0x0] =	vst.idx.msk $0xffff, v18;
	v18 =	vshll.u32 v16, $0x7  }
0x232: {  	v16 =	vld.idx.msk [tilespmem:v20+s26+$0x0], $0xffff;
	v17 =	vor.u32 v0, v18  }
0x233: {  	v20 =	vor.u32 v2, v19;
	_ =	sdelay $0x3  }
0x234: {  	[tilespmem:v17+s31+$0x0] =	vst.idx.msk $0xffff, v16  }
0x235: {  	v17 =	vor.u32 v3, v18;
	v16 =	vld.idx.msk [tilespmem:v20+s26+$0x0], $0xffff  }
0x236: {  	v20 =	vor.u32 v4, v19;
	_ =	sdelay $0x3  }
0x237: {  	[tilespmem:v17+s31+$0x0] =	vst.idx.msk $0xffff, v16  }
0x238: {  	v17 =	vor.u32 v5, v18;
	v16 =	vld.idx.msk [tilespmem:v20+s26+$0x0], $0xffff  }
0x239: {  	v20 =	vor.u32 v6, v19;
	_ =	sdelay $0x3  }
0x23a: {  	[tilespmem:v17+s31+$0x0] =	vst.idx.msk $0xffff, v16  }
0x23b: {  	v17 =	vor.u32 v7, v18;
	v16 =	vld.idx.msk [tilespmem:v20+s26+$0x0], $0xffff  }
0x23c: {  	v20 =	vor.u32 v8, v19;
	_ =	sdelay $0x3  }
0x23d: {  	[tilespmem:v17+s31+$0x0] =	vst.idx.msk $0xffff, v16  }
0x23e: {  	v17 =	vor.u32 v9, v18;
	v16 =	vld.idx.msk [tilespmem:v20+s26+$0x0], $0xffff  }
0x23f: {  	v20 =	vor.u32 v10, v19;
	_ =	sdelay $0x3  }
0x240: {  	[tilespmem:v17+s31+$0x0] =	vst.idx.msk $0xffff, v16  }
0x241: {  	v17 =	vor.u32 v11, v18;
	v16 =	vld.idx.msk [tilespmem:v20+s26+$0x0], $0xffff  }
0x242: {  	v20 =	vor.u32 v12, v19;
	_ =	sdelay $0x3  }
0x243: {  	[tilespmem:v17+s31+$0x0] =	vst.idx.msk $0xffff, v16  }
0x244: {  	v17 =	vor.u32 v13, v18;
	v16 =	vld.idx.msk [tilespmem:v20+s26+$0x0], $0xffff  }
0x245: {  	v19 =	vor.u32 v14, v19;
	_ =	sdelay $0x3  }
0x246: {  	s0 =	simm.s32 $0x1;
	[tilespmem:v17+s31+$0x0] =	vst.idx.msk $0xffff, v16  }
0x247: {  	s1 =	simm.s32 $0x2;
	v16 =	vadd.s32 s0, v0;
	v19 =	vld.idx.msk [tilespmem:v19+s26+$0x0], $0xffff  }
.LBB2_9:
0x248: {  	p0 =	sne.s32 s1, $0xF;
	v17 =	vand.u32 $0xF, v16;
	v18 =	vor.u32 v15, v18  }
0x249: {  	v20 =	vor.u32 v1, v17;
	_ =	sdelay $0x3  }
0x24a: {  	[tilespmem:v18+s31+$0x0] =	vst.idx.msk $0xffff, v19  }
0x24b: {  	v19 =	vshll.u32 v17, $0x7;
	v18 =	vld.idx.msk [tilespmem:v20+s26+$0x0], $0xffff  }
0x24c: {  	v20 =	vor.u32 v0, v19  }
0x24d: {  	v21 =	vor.u32 v2, v17;
	_ =	sdelay $0x3  }
0x24e: {  	[tilespmem:v20+s31+$0x0] =	vst.idx.msk $0xffff, v18  }
0x24f: {  	v18 =	vld.idx.msk [tilespmem:v21+s26+$0x0], $0xffff  }
0x250: {  	v20 =	vor.u32 v3, v19  }
0x251: {  	v21 =	vor.u32 v4, v17;
	_ =	sdelay $0x3  }
0x252: {  	[tilespmem:v20+s31+$0x0] =	vst.idx.msk $0xffff, v18  }
0x253: {  	v18 =	vld.idx.msk [tilespmem:v21+s26+$0x0], $0xffff  }
0x254: {  	v20 =	vor.u32 v5, v19  }
0x255: {  	v21 =	vor.u32 v6, v17;
	_ =	sdelay $0x3  }
0x256: {  	[tilespmem:v20+s31+$0x0] =	vst.idx.msk $0xffff, v18  }
0x257: {  	v18 =	vld.idx.msk [tilespmem:v21+s26+$0x0], $0xffff  }
0x258: {  	v20 =	vor.u32 v7, v19  }
0x259: {  	v21 =	vor.u32 v8, v17;
	_ =	sdelay $0x3  }
0x25a: {  	[tilespmem:v20+s31+$0x0] =	vst.idx.msk $0xffff, v18  }
0x25b: {  	v18 =	vld.idx.msk [tilespmem:v21+s26+$0x0], $0xffff  }
0x25c: {  	v20 =	vor.u32 v9, v19  }
0x25d: {  	v21 =	vor.u32 v10, v17;
	_ =	sdelay $0x3  }
0x25e: {  	[tilespmem:v20+s31+$0x0] =	vst.idx.msk $0xffff, v18  }
0x25f: {  	v18 =	vld.idx.msk [tilespmem:v21+s26+$0x0], $0xffff  }
0x260: {  	v20 =	vor.u32 v11, v19  }
0x261: {  	v21 =	vor.u32 v12, v17;
	_ =	sdelay $0x3  }
0x262: {  	[tilespmem:v20+s31+$0x0] =	vst.idx.msk $0xffff, v18  }
0x263: {  	v18 =	vld.idx.msk [tilespmem:v21+s26+$0x0], $0xffff  }
0x264: {  	v20 =	vor.u32 v13, v19  }
0x265: {  	v21 =	vor.u32 v14, v17;
	_ =	sdelay $0x3  }
0x266: {  	[tilespmem:v20+s31+$0x0] =	vst.idx.msk $0xffff, v18  }
0x267: {  	v20 =	vor.u32 $0x10, v16;
	v18 =	vld.idx.msk [tilespmem:v21+s26+$0x0], $0xffff  }
0x268: {  	v19 =	vor.u32 v15, v19;
	v21 =	vand.u32 $0x1F, v20  }
0x269: {  	v22 =	vor.u32 v1, v21;
	_ =	sdelay $0x3  }
0x26a: {  	[tilespmem:v19+s31+$0x0] =	vst.idx.msk $0xffff, v18  }
0x26b: {  	v19 =	vshll.u32 v20, $0x7;
	v18 =	vld.idx.msk [tilespmem:v22+s26+$0x0], $0xffff  }
0x26c: {  	v20 =	vor.u32 v0, v19  }
0x26d: {  	v22 =	vor.u32 v2, v21;
	_ =	sdelay $0x3  }
0x26e: {  	[tilespmem:v20+s31+$0x0] =	vst.idx.msk $0xffff, v18  }
0x26f: {  	v18 =	vld.idx.msk [tilespmem:v22+s26+$0x0], $0xffff  }
0x270: {  	v20 =	vor.u32 v3, v19  }
0x271: {  	v22 =	vor.u32 v4, v21;
	_ =	sdelay $0x3  }
0x272: {  	[tilespmem:v20+s31+$0x0] =	vst.idx.msk $0xffff, v18  }
0x273: {  	v18 =	vld.idx.msk [tilespmem:v22+s26+$0x0], $0xffff  }
0x274: {  	v20 =	vor.u32 v5, v19  }
0x275: {  	v22 =	vor.u32 v6, v21;
	_ =	sdelay $0x3  }
0x276: {  	[tilespmem:v20+s31+$0x0] =	vst.idx.msk $0xffff, v18  }
0x277: {  	v18 =	vld.idx.msk [tilespmem:v22+s26+$0x0], $0xffff  }
0x278: {  	v20 =	vor.u32 v7, v19  }
0x279: {  	v22 =	vor.u32 v8, v21;
	_ =	sdelay $0x3  }
0x27a: {  	[tilespmem:v20+s31+$0x0] =	vst.idx.msk $0xffff, v18  }
0x27b: {  	v18 =	vld.idx.msk [tilespmem:v22+s26+$0x0], $0xffff  }
0x27c: {  	v20 =	vor.u32 v9, v19  }
0x27d: {  	v22 =	vor.u32 v10, v21;
	_ =	sdelay $0x3  }
0x27e: {  	[tilespmem:v20+s31+$0x0] =	vst.idx.msk $0xffff, v18  }
0x27f: {  	v18 =	vld.idx.msk [tilespmem:v22+s26+$0x0], $0xffff  }
0x280: {  	v20 =	vor.u32 v11, v19  }
0x281: {  	v22 =	vor.u32 v12, v21;
	_ =	sdelay $0x3  }
0x282: {  	[tilespmem:v20+s31+$0x0] =	vst.idx.msk $0xffff, v18  }
0x283: {  	v18 =	vld.idx.msk [tilespmem:v22+s26+$0x0], $0xffff  }
0x284: {  	v20 =	vor.u32 v13, v19  }
0x285: {  	v21 =	vor.u32 v14, v21;
	_ =	sdelay $0x3  }
0x286: {  	v17 =	vor.u32 $0x20, v17;
	[tilespmem:v20+s31+$0x0] =	vst.idx.msk $0xffff, v18  }
0x287: {  	v18 =	vand.u32 $0x7, v16;
	v20 =	vld.idx.msk [tilespmem:v21+s26+$0x0], $0xffff;
	v21 =	vand.u32 $0x28, v17  }
0x288: {  	v19 =	vor.u32 v15, v19;
	v18 =	vor.u32 v18, v21  }
0x289: {  	v21 =	vor.u32 v1, v18;
	_ =	sdelay $0x3  }
0x28a: {  	[tilespmem:v19+s31+$0x0] =	vst.idx.msk $0xffff, v20  }
0x28b: {  	v17 =	vshll.u32 v17, $0x7;
	v19 =	vld.idx.msk [tilespmem:v21+s26+$0x0], $0xffff  }
0x28c: {  	v20 =	vor.u32 v0, v17  }
0x28d: {  	v21 =	vor.u32 v2, v18;
	_ =	sdelay $0x3  }
0x28e: {  	[tilespmem:v20+s31+$0x0] =	vst.idx.msk $0xffff, v19  }
0x28f: {  	v19 =	vld.idx.msk [tilespmem:v21+s26+$0x0], $0xffff  }
0x290: {  	v20 =	vor.u32 v3, v17  }
0x291: {  	v21 =	vor.u32 v4, v18;
	_ =	sdelay $0x3  }
0x292: {  	[tilespmem:v20+s31+$0x0] =	vst.idx.msk $0xffff, v19  }
0x293: {  	v19 =	vld.idx.msk [tilespmem:v21+s26+$0x0], $0xffff  }
0x294: {  	v20 =	vor.u32 v5, v17  }
0x295: {  	v21 =	vor.u32 v6, v18;
	_ =	sdelay $0x3  }
0x296: {  	[tilespmem:v20+s31+$0x0] =	vst.idx.msk $0xffff, v19  }
0x297: {  	v19 =	vld.idx.msk [tilespmem:v21+s26+$0x0], $0xffff  }
0x298: {  	v20 =	vor.u32 v7, v17  }
0x299: {  	v21 =	vor.u32 v8, v18;
	_ =	sdelay $0x3  }
0x29a: {  	[tilespmem:v20+s31+$0x0] =	vst.idx.msk $0xffff, v19  }
0x29b: {  	v19 =	vld.idx.msk [tilespmem:v21+s26+$0x0], $0xffff  }
0x29c: {  	v20 =	vor.u32 v9, v17  }
0x29d: {  	v21 =	vor.u32 v10, v18;
	_ =	sdelay $0x3  }
0x29e: {  	[tilespmem:v20+s31+$0x0] =	vst.idx.msk $0xffff, v19  }
0x29f: {  	v19 =	vld.idx.msk [tilespmem:v21+s26+$0x0], $0xffff  }
0x2a0: {  	v20 =	vor.u32 v11, v17  }
0x2a1: {  	v21 =	vor.u32 v12, v18;
	_ =	sdelay $0x3  }
0x2a2: {  	[tilespmem:v20+s31+$0x0] =	vst.idx.msk $0xffff, v19  }
0x2a3: {  	v19 =	vld.idx.msk [tilespmem:v21+s26+$0x0], $0xffff  }
0x2a4: {  	v20 =	vor.u32 v13, v17  }
0x2a5: {  	v18 =	vor.u32 v14, v18;
	_ =	sdelay $0x3  }
0x2a6: {  	[tilespmem:v20+s31+$0x0] =	vst.idx.msk $0xffff, v19  }
0x2a7: {  	v16 =	vor.u32 $0x30, v16;
	v18 =	vld.idx.msk [tilespmem:v18+s26+$0x0], $0xffff  }
0x2a8: {  	v17 =	vor.u32 v15, v17;
	v19 =	vand.u32 $0x3F, v16  }
0x2a9: {  	v20 =	vor.u32 v1, v19;
	_ =	sdelay $0x3  }
0x2aa: {  	[tilespmem:v17+s31+$0x0] =	vst.idx.msk $0xffff, v18  }
0x2ab: {  	v18 =	vshll.u32 v16, $0x7;
	v17 =	vld.idx.msk [tilespmem:v20+s26+$0x0], $0xffff  }
0x2ac: {  	v16 =	vor.u32 v0, v18  }
0x2ad: {  	v20 =	vor.u32 v2, v19;
	_ =	sdelay $0x3  }
0x2ae: {  	[tilespmem:v16+s31+$0x0] =	vst.idx.msk $0xffff, v17  }
0x2af: {  	v16 =	vld.idx.msk [tilespmem:v20+s26+$0x0], $0xffff  }
0x2b0: {  	v17 =	vor.u32 v3, v18  }
0x2b1: {  	v20 =	vor.u32 v4, v19;
	_ =	sdelay $0x3  }
0x2b2: {  	[tilespmem:v17+s31+$0x0] =	vst.idx.msk $0xffff, v16  }
0x2b3: {  	v16 =	vld.idx.msk [tilespmem:v20+s26+$0x0], $0xffff  }
0x2b4: {  	v17 =	vor.u32 v5, v18  }
0x2b5: {  	v20 =	vor.u32 v6, v19;
	_ =	sdelay $0x3  }
0x2b6: {  	[tilespmem:v17+s31+$0x0] =	vst.idx.msk $0xffff, v16  }
0x2b7: {  	v16 =	vld.idx.msk [tilespmem:v20+s26+$0x0], $0xffff  }
0x2b8: {  	v17 =	vor.u32 v7, v18  }
0x2b9: {  	v20 =	vor.u32 v8, v19;
	_ =	sdelay $0x3  }
0x2ba: {  	[tilespmem:v17+s31+$0x0] =	vst.idx.msk $0xffff, v16  }
0x2bb: {  	v16 =	vld.idx.msk [tilespmem:v20+s26+$0x0], $0xffff  }
0x2bc: {  	v17 =	vor.u32 v9, v18  }
0x2bd: {  	v20 =	vor.u32 v10, v19;
	_ =	sdelay $0x3  }
0x2be: {  	[tilespmem:v17+s31+$0x0] =	vst.idx.msk $0xffff, v16  }
0x2bf: {  	v16 =	vld.idx.msk [tilespmem:v20+s26+$0x0], $0xffff  }
0x2c0: {  	v17 =	vor.u32 v11, v18  }
0x2c1: {  	v20 =	vor.u32 v12, v19;
	_ =	sdelay $0x3  }
0x2c2: {  	[tilespmem:v17+s31+$0x0] =	vst.idx.msk $0xffff, v16  }
0x2c3: {  	v16 =	vld.idx.msk [tilespmem:v20+s26+$0x0], $0xffff  }
0x2c4: {  	v17 =	vor.u32 v13, v18  }
0x2c5: {  	v19 =	vor.u32 v14, v19  }
.Ltmp6:
0x2c6: {  	(pc) =	sbr.rel @p0 .LBB2_9-.Ltmp6, $3  }
0x2c7: {  	_ =	sdelay $0x1  }
0x2c8: {  	[tilespmem:v17+s31+$0x0] =	vst.idx.msk $0xffff, v16  }
0x2c9: {  	v16 =	vadd.s32 s1, v0;
	s1 =	sadd.s32 $0x1, s1;
	v19 =	vld.idx.msk [tilespmem:v19+s26+$0x0], $0xffff  }
0x2ca: {  	v17 =	vand.u32 $0xF, v16;
	v18 =	vor.u32 v15, v18  }
0x2cb: {  	v20 =	vor.u32 v1, v17;
	_ =	sdelay $0x3  }
0x2cc: {  	v43 =	vshll.u32 v17, $0x7;
	[tilespmem:v18+s31+$0x0] =	vst.idx.msk $0xffff, v19  }
0x2cd: {  	v44 =	vor.u32 v0, v43;
	v19 =	vld.idx.msk [tilespmem:v20+s26+$0x0], $0xffff  }
0x2ce: {  	v21 =	vor.u32 v2, v17;
	_ =	sdelay $0x3  }
0x2cf: {  	[tilespmem:v44+s31+$0x0] =	vst.idx.msk $0xffff, v19  }
0x2d0: {  	v45 =	vor.u32 v3, v43;
	v19 =	vld.idx.msk [tilespmem:v21+s26+$0x0], $0xffff  }
0x2d1: {  	v46 =	vor.u32 v4, v17;
	_ =	sdelay $0x3  }
0x2d2: {  	[tilespmem:v45+s31+$0x0] =	vst.idx.msk $0xffff, v19  }
0x2d3: {  	v47 =	vor.u32 v5, v43;
	v19 =	vld.idx.msk [tilespmem:v46+s26+$0x0], $0xffff  }
0x2d4: {  	v48 =	vor.u32 v6, v17;
	_ =	sdelay $0x3  }
0x2d5: {  	[tilespmem:v47+s31+$0x0] =	vst.idx.msk $0xffff, v19  }
0x2d6: {  	v49 =	vor.u32 v7, v43;
	v19 =	vld.idx.msk [tilespmem:v48+s26+$0x0], $0xffff  }
0x2d7: {  	v50 =	vor.u32 v8, v17;
	_ =	sdelay $0x3  }
0x2d8: {  	[tilespmem:v49+s31+$0x0] =	vst.idx.msk $0xffff, v19  }
0x2d9: {  	v51 =	vor.u32 v9, v43;
	v19 =	vld.idx.msk [tilespmem:v50+s26+$0x0], $0xffff  }
0x2da: {  	v52 =	vor.u32 v10, v17;
	_ =	sdelay $0x3  }
0x2db: {  	[tilespmem:v51+s31+$0x0] =	vst.idx.msk $0xffff, v19  }
0x2dc: {  	v53 =	vor.u32 v11, v43;
	v19 =	vld.idx.msk [tilespmem:v52+s26+$0x0], $0xffff  }
0x2dd: {  	v54 =	vor.u32 v12, v17;
	_ =	sdelay $0x3  }
0x2de: {  	[tilespmem:v53+s31+$0x0] =	vst.idx.msk $0xffff, v19  }
0x2df: {  	v55 =	vor.u32 v13, v43;
	v19 =	vld.idx.msk [tilespmem:v54+s26+$0x0], $0xffff  }
0x2e0: {  	v56 =	vor.u32 v14, v17;
	_ =	sdelay $0x3  }
0x2e1: {  	v57 =	vor.u32 $0x10, v16;
	[tilespmem:v55+s31+$0x0] =	vst.idx.msk $0xffff, v19  }
0x2e2: {  	v58 =	vand.u32 $0x1F, v57;
	v18 =	vor.u32 v15, v43;
	v20 =	vld.idx.msk [tilespmem:v56+s26+$0x0], $0xffff  }
0x2e3: {  	v22 =	vor.u32 v1, v58;
	_ =	sdelay $0x3  }
0x2e4: {  	v59 =	vshll.u32 v57, $0x7;
	[tilespmem:v18+s31+$0x0] =	vst.idx.msk $0xffff, v20  }
0x2e5: {  	v61 =	vor.u32 v0, v59;
	v60 =	vld.idx.msk [tilespmem:v22+s26+$0x0], $0xffff  }
0x2e6: {  	v62 =	vor.u32 v2, v58;
	_ =	sdelay $0x3  }
0x2e7: {  	[tilespmem:v61+s31+$0x0] =	vst.idx.msk $0xffff, v60  }
0x2e8: {  	v63 =	vor.u32 v3, v59;
	v19 =	vld.idx.msk [tilespmem:v62+s26+$0x0], $0xffff  }
0x2e9: {  	v24 =	vor.u32 v4, v58;
	_ =	sdelay $0x3  }
0x2ea: {  	[tilespmem:v63+s31+$0x0] =	vst.idx.msk $0xffff, v19  }
0x2eb: {  	v25 =	vor.u32 v5, v59;
	v19 =	vld.idx.msk [tilespmem:v24+s26+$0x0], $0xffff  }
0x2ec: {  	v26 =	vor.u32 v6, v58;
	_ =	sdelay $0x3  }
0x2ed: {  	[tilespmem:v25+s31+$0x0] =	vst.idx.msk $0xffff, v19  }
0x2ee: {  	v27 =	vor.u32 v7, v59;
	v19 =	vld.idx.msk [tilespmem:v26+s26+$0x0], $0xffff  }
0x2ef: {  	v28 =	vor.u32 v8, v58;
	_ =	sdelay $0x3  }
0x2f0: {  	[tilespmem:v27+s31+$0x0] =	vst.idx.msk $0xffff, v19  }
0x2f1: {  	v29 =	vor.u32 v9, v59;
	v19 =	vld.idx.msk [tilespmem:v28+s26+$0x0], $0xffff  }
0x2f2: {  	v30 =	vor.u32 v10, v58;
	_ =	sdelay $0x3  }
0x2f3: {  	[tilespmem:v29+s31+$0x0] =	vst.idx.msk $0xffff, v19  }
0x2f4: {  	v31 =	vor.u32 v11, v59;
	v19 =	vld.idx.msk [tilespmem:v30+s26+$0x0], $0xffff  }
0x2f5: {  	v32 =	vor.u32 v12, v58;
	_ =	sdelay $0x3  }
0x2f6: {  	[tilespmem:v31+s31+$0x0] =	vst.idx.msk $0xffff, v19  }
0x2f7: {  	v33 =	vor.u32 v13, v59;
	v19 =	vld.idx.msk [tilespmem:v32+s26+$0x0], $0xffff  }
0x2f8: {  	v21 =	vor.u32 v14, v58;
	_ =	sdelay $0x2  }
0x2f9: {  	v17 =	vor.u32 $0x20, v17  }
0x2fa: {  	v34 =	vand.u32 $0x7, v16;
	v35 =	vand.u32 $0x28, v17;
	[tilespmem:v33+s31+$0x0] =	vst.idx.msk $0xffff, v19  }
0x2fb: {  	v18 =	vor.u32 v15, v59;
	v19 =	vor.u32 v34, v35;
	v21 =	vld.idx.msk [tilespmem:v21+s26+$0x0], $0xffff  }
0x2fc: {  	v20 =	vor.u32 v1, v19;
	_ =	sdelay $0x3  }
0x2fd: {  	v17 =	vshll.u32 v17, $0x7;
	[tilespmem:v18+s31+$0x0] =	vst.idx.msk $0xffff, v21  }
0x2fe: {  	v36 =	vor.u32 v0, v17;
	v18 =	vld.idx.msk [tilespmem:v20+s26+$0x0], $0xffff  }
0x2ff: {  	v37 =	vor.u32 v2, v19;
	_ =	sdelay $0x3  }
0x300: {  	[tilespmem:v36+s31+$0x0] =	vst.idx.msk $0xffff, v18  }
0x301: {  	v38 =	vor.u32 v3, v17;
	v18 =	vld.idx.msk [tilespmem:v37+s26+$0x0], $0xffff  }
0x302: {  	v39 =	vor.u32 v4, v19;
	_ =	sdelay $0x3  }
0x303: {  	[tilespmem:v38+s31+$0x0] =	vst.idx.msk $0xffff, v18  }
0x304: {  	v40 =	vor.u32 v5, v17;
	v18 =	vld.idx.msk [tilespmem:v39+s26+$0x0], $0xffff  }
0x305: {  	v41 =	vor.u32 v6, v19;
	_ =	sdelay $0x3  }
0x306: {  	[tilespmem:v40+s31+$0x0] =	vst.idx.msk $0xffff, v18  }
0x307: {  	v42 =	vor.u32 v7, v17;
	v18 =	vld.idx.msk [tilespmem:v41+s26+$0x0], $0xffff  }
0x308: {  	v43 =	vor.u32 v8, v19;
	_ =	sdelay $0x3  }
0x309: {  	[tilespmem:v42+s31+$0x0] =	vst.idx.msk $0xffff, v18  }
0x30a: {  	v44 =	vor.u32 v9, v17;
	v18 =	vld.idx.msk [tilespmem:v43+s26+$0x0], $0xffff  }
0x30b: {  	v45 =	vor.u32 v10, v19;
	_ =	sdelay $0x3  }
0x30c: {  	[tilespmem:v44+s31+$0x0] =	vst.idx.msk $0xffff, v18  }
0x30d: {  	v46 =	vor.u32 v11, v17;
	v18 =	vld.idx.msk [tilespmem:v45+s26+$0x0], $0xffff  }
0x30e: {  	v47 =	vor.u32 v12, v19;
	_ =	sdelay $0x3  }
0x30f: {  	[tilespmem:v46+s31+$0x0] =	vst.idx.msk $0xffff, v18  }
0x310: {  	v48 =	vor.u32 v13, v17;
	v18 =	vld.idx.msk [tilespmem:v47+s26+$0x0], $0xffff  }
0x311: {  	v19 =	vor.u32 v14, v19;
	_ =	sdelay $0x3  }
0x312: {  	v16 =	vor.u32 $0x30, v16;
	[tilespmem:v48+s31+$0x0] =	vst.idx.msk $0xffff, v18  }
0x313: {  	v17 =	vor.u32 v15, v17;
	v49 =	vand.u32 $0x3F, v16;
	v18 =	vld.idx.msk [tilespmem:v19+s26+$0x0], $0xffff  }
0x314: {  	v50 =	vor.u32 v1, v49;
	_ =	sdelay $0x3  }
0x315: {  	v16 =	vshll.u32 v16, $0x7;
	[tilespmem:v17+s31+$0x0] =	vst.idx.msk $0xffff, v18  }
0x316: {  	v51 =	vor.u32 v0, v16;
	v17 =	vld.idx.msk [tilespmem:v50+s26+$0x0], $0xffff  }
0x317: {  	v52 =	vor.u32 v2, v49;
	_ =	sdelay $0x3  }
0x318: {  	[tilespmem:v51+s31+$0x0] =	vst.idx.msk $0xffff, v17  }
0x319: {  	v53 =	vor.u32 v3, v16;
	v17 =	vld.idx.msk [tilespmem:v52+s26+$0x0], $0xffff  }
0x31a: {  	v54 =	vor.u32 v4, v49;
	_ =	sdelay $0x3  }
0x31b: {  	[tilespmem:v53+s31+$0x0] =	vst.idx.msk $0xffff, v17  }
0x31c: {  	v55 =	vor.u32 v5, v16;
	v17 =	vld.idx.msk [tilespmem:v54+s26+$0x0], $0xffff  }
0x31d: {  	v56 =	vor.u32 v6, v49;
	_ =	sdelay $0x3  }
0x31e: {  	[tilespmem:v55+s31+$0x0] =	vst.idx.msk $0xffff, v17  }
0x31f: {  	v57 =	vor.u32 v7, v16;
	v17 =	vld.idx.msk [tilespmem:v56+s26+$0x0], $0xffff  }
0x320: {  	v58 =	vor.u32 v8, v49;
	_ =	sdelay $0x3  }
0x321: {  	[tilespmem:v57+s31+$0x0] =	vst.idx.msk $0xffff, v17  }
0x322: {  	v59 =	vor.u32 v9, v16;
	v17 =	vld.idx.msk [tilespmem:v58+s26+$0x0], $0xffff  }
0x323: {  	v60 =	vor.u32 v10, v49;
	_ =	sdelay $0x3  }
0x324: {  	[tilespmem:v59+s31+$0x0] =	vst.idx.msk $0xffff, v17  }
0x325: {  	v61 =	vor.u32 v11, v16;
	v17 =	vld.idx.msk [tilespmem:v60+s26+$0x0], $0xffff  }
0x326: {  	v62 =	vor.u32 v12, v49;
	_ =	sdelay $0x3  }
0x327: {  	[tilespmem:v61+s31+$0x0] =	vst.idx.msk $0xffff, v17  }
0x328: {  	v63 =	vor.u32 v13, v16;
	v17 =	vld.idx.msk [tilespmem:v62+s26+$0x0], $0xffff  }
0x329: {  	v19 =	vor.u32 v14, v49;
	_ =	sdelay $0x3  }
0x32a: {  	[tilespmem:v63+s31+$0x0] =	vst.idx.msk $0xffff, v17  }
0x32b: {  	v16 =	vor.u32 v15, v16;
	v17 =	vld.idx.msk [tilespmem:v19+s26+$0x0], $0xffff;
	_ =	sdelay $0x4  }
0x32c: {  	s1 =	sadd.s32 s23, s14;
	[tilespmem:v16+s31+$0x0] =	vst.idx.msk $0xffff, v17  }
0x32d: {  	[hbm4b:s1+s3] =	stream.linear.scatter [tilespmem:s31], [sflag:$0x4], $0x400, $0x38;
	[tilespmem:$0x12400] =	vst v63  }
0x32e: {  	s0 =	simm.s32 $0x10800;
	s1 =	sadd.s32 s23, s15  }
0x32f: {  	[hbm4b:s1+s3] =	stream.linear.scatter [tilespmem:s0], [sflag:$0x4], $0x400, $0x38;
	[tilespmem:$0x12400] =	vst v63  }
0x330: {  	s1 =	sadd.s32 s23, s16;
	s0 =	simm.s32 $0x10C00  }
0x331: {  	[hbm4b:s1+s3] =	stream.linear.scatter [tilespmem:s0], [sflag:$0x4], $0x400, $0x38;
	[tilespmem:$0x12400] =	vst v63  }
0x332: {  	s1 =	sadd.s32 s23, s17;
	s0 =	simm.s32 $0x11000  }
0x333: {  	[hbm4b:s1+s3] =	stream.linear.scatter [tilespmem:s0], [sflag:$0x4], $0x400, $0x38;
	[tilespmem:$0x12400] =	vst v63  }
0x334: {  	s1 =	sadd.s32 s23, s18;
	s0 =	simm.s32 $0x11400  }
0x335: {  	[hbm4b:s1+s3] =	stream.linear.scatter [tilespmem:s0], [sflag:$0x4], $0x400, $0x38;
	[tilespmem:$0x12400] =	vst v63  }
0x336: {  	p0 =	seq.s32 s5, $0x63;
	s1 =	sadd.s32 s23, s19;
	s0 =	simm.s32 $0x11800  }
0x337: {  	[hbm4b:s1+s3] =	stream.linear.scatter [tilespmem:s0], [sflag:$0x4], $0x400, $0x38;
	[tilespmem:$0x12400] =	vst v63  }
.Ltmp7:
0x338: {  	_ = 	snop;
	(pc) =	sbr.rel @p0 .LBB2_12-.Ltmp7, $4  }
0x339: {  	s1 =	sadd.s32 s23, s20;
	s0 =	simm.s32 $0x11C00  }
0x33a: {  	[hbm4b:s1+s3] =	stream.linear.scatter [tilespmem:s0], [sflag:$0x4], $0x400, $0x38;
	[tilespmem:$0x12400] =	vst v63  }
0x33b: {  	s0 =	sadd.s32 s23, s21;
	s23 =	simm.s32 $0x12000  }
0x33c: {  	[hbm4b:s0+s3] =	stream.linear.scatter [tilespmem:s23], [sflag:$0x4], $0x400, $0x38;
	[tilespmem:$0x12400] =	vst v63  }
.Ltmp8:
0x33d: {  	(pc) =	sbr.rel .LBB2_2-.Ltmp8, $4  }
0x33e: {  	_ = 	snop  }
0x33f: {  	s1 =	sshrl.u32 s22, $0x2  }
0x340: {  	s5 =	sadd.s32 $0x1, s5;
	s1 =	sadd.s32 $0x180, s1  }
0x341: {  	[tilespmem:s26], [sflag:$0x2] =	stream.indirect.gather [hbm4b:s4+s24], $0x80, s1, s24, $0xb8;
	[tilespmem:$0x12400] =	vst v63  }
.LBB2_13:
0x342: {  	_ =	sfence.sel $0x180000  }
0x343: {  	[bflag:$0x0] =	sbarrier.arrive $0xFFFF  }
0x344: {  	_ =	strace $0x90000047  }
0x345: {  	s0 =	stileid.u32;
	[bflag:$0x2] =	sbarrier.arrive $0xFFFF  }
0x346: {  	p0 =	sne.s32 s0, $0x0;
	s0 =	rddreg [dreg:$0x2]  }
0x347: {  	s0 =	sadd.s32 @!p0 $0x100000, s0  }
0x348: {  	[sflag:s0] =	ssyncadd.tile.s32 @!p0 $0x1;
	_ =	shalt  }
.Lfunc_end2:
_tile_overlayer_lowered:
.L_overlay_start_2:
0x349: {  	(tag) =	ssettag $0x2  }
0x34a: {  	s0 =	rddreg [dreg:$0x0];
	s2 =	stileid.u32  }
0x34b: {  	s1 =	rddreg [dreg:$0x1];
	p0 =	sne.s32 s2, $0x0  }
0x34c: {  	s3 =	rddreg [dreg:$0x2];
	[bflag:$0x3] =	sbarrier.arrive $0xFFFF;
	s2 =	simm.s32 @!p0 $0x1C05  }
0x34d: {  	[timem:s3], [sflag:s2] =	dma.local @!p0 [hbm:s0], s1  }
0x34e: {  	s0 =	simm.s32 @!p0 $0x5  }
0x34f: {  	_ =	swait.ge @!p0 [sflag:s0], s1  }
0x350: {  	s1 =	ssub.s32 @!p0 $0x0, s1;
	[sflag:s0] =	ssyncset.done @!p0 $0x0  }
0x351: {  	[sflag:s0] =	ssyncadd.s32 @!p0 s1  }
0x352: {  	[bflag:$0x3] =	sbarrier.arrive $0xFFFF  }
0x353: {  	_ =	shalt  }

</sc_bundles>
